<compile_context>
chip_gen: v7x
topology: tpu7x:2x2x1
jax: 0.10.2.dev20260603
libtpu: 0.0.44.dev20260713+nightly
codegen_flags: <defaults>
</compile_context>

<pallas_src>
import functools

import numpy as np
import jax
import jax.numpy as jnp
from jax import lax
from jax.experimental import pallas as pl
from jax.experimental.pallas import tpu as pltpu
from jax.experimental.pallas import tpu_sc as plsc

BATCH = 4096
NUM_DENSE = 13
NUM_FIELDS = 26
VOCAB = 100000
EMBED_DIM = 32
LN_BOT = 64
LN_TOP = 256
EMB_FLAT = NUM_FIELDS * EMBED_DIM

NC, NS, L = 2, 16, 16
NW = NC * NS
NB = BATCH // NW
IDX_PER_W = NB * NUM_FIELDS
VSUB = 12544
VPAD = 8 * VSUB


def _fold_body(dense_ref, wbot_ref, bbot_ref, wteT_ref, wtdT_ref, btop_ref,
               wemb_ref, dp_ref):
    wemb_ref[...] = jnp.mean(wteT_ref[...], axis=0, keepdims=True)
    wd = jnp.mean(wtdT_ref[...], axis=0, keepdims=True)
    vb = lax.dot_general(wbot_ref[...], wd, (((1,), (1,)), ((), ())))
    c = jnp.sum(bbot_ref[...][None, :] * wd) + jnp.mean(btop_ref[...])
    dp = lax.dot_general(dense_ref[...], vb, (((1,), (0,)), ((), ())))
    dp_ref[...] = dp + c


def _fold(dense, W_bot, b_bot, wteT, wtdT, b_top):
    return pl.pallas_call(
        _fold_body,
        out_shape=(
            jax.ShapeDtypeStruct((1, EMB_FLAT), jnp.float32),
            jax.ShapeDtypeStruct((BATCH, 1), jnp.float32),
        ),
    )(dense, W_bot, b_bot, wteT, wtdT, b_top)


HALF = VPAD // 2


def _collapse_body(t_ref, w_ref, u_ref):
    for s in range(4):
        u_ref[0, pl.ds(s, 1), :] = lax.dot_general(
            w_ref[0], t_ref[0, :, pl.ds(s * VSUB, VSUB)],
            (((1,), (0,)), ((), ())), preferred_element_type=jnp.float32)


def _collapse(tablesT, w26):
    return pl.pallas_call(
        _collapse_body,
        grid=(NUM_FIELDS, 2),
        in_specs=[
            pl.BlockSpec((1, EMBED_DIM, HALF), lambda f, h: (f, 0, h)),
            pl.BlockSpec((1, 1, EMBED_DIM), lambda f, h: (f, 0, 0)),
        ],
        out_specs=pl.BlockSpec((1, 4, VSUB), lambda f, h: (2 * f + h, 0, 0)),
        out_shape=jax.ShapeDtypeStruct((NUM_FIELDS * 2, 4, VSUB), jnp.float32),
    )(tablesT, w26)


_MESH = plsc.VectorSubcoreMesh(core_axis_name="c", subcore_axis_name="s")


@functools.partial(
    pl.kernel,
    out_type=jax.ShapeDtypeStruct((BATCH,), jnp.float32),
    mesh=_MESH,
    compiler_params=pltpu.CompilerParams(needs_layout_passes=False,
                                         use_tc_tiling_on_sc=False),
    scratch_types=[
        pltpu.VMEM((IDX_PER_W,), jnp.int32),
        pltpu.VMEM((IDX_PER_W,), jnp.int32),
        pltpu.VMEM((IDX_PER_W,), jnp.float32),
        pltpu.VMEM((NB,), jnp.float32),
        pltpu.VMEM((NB,), jnp.float32),
        pltpu.SemaphoreType.DMA,
        pltpu.SemaphoreType.DMA,
    ],
)
def _sc_dlrm(idxT_hbm, off_hbm, u_hbm, dp_hbm, out_hbm,
             idx_v, off_v, g_v, dp_v, out_v, sem_i, sem_g):
    wid = lax.axis_index("s") * NC + lax.axis_index("c")
    base_b = pl.multiple_of(wid * NB, 8)

    icopies = [
        pltpu.async_copy(
            idxT_hbm.at[pl.ds(pl.multiple_of(f * BATCH + wid * NB, 8), NB)],
            idx_v.at[pl.ds(f * NB, NB)],
            sem_i,
        )
        for f in range(NUM_FIELDS)
    ]
    pltpu.sync_copy(off_hbm, off_v)
    pltpu.sync_copy(dp_hbm.at[pl.ds(base_b, NB)], dp_v)
    for cp in icopies:
        cp.wait()

    def _addoff(t, carry):
        o = pl.multiple_of(t * L, 8)
        idx_v[pl.ds(o, L)] = idx_v[pl.ds(o, L)] + off_v[pl.ds(o, L)]
        return carry

    lax.fori_loop(0, IDX_PER_W // L, _addoff, 0)

    gcopies = [
        pltpu.async_copy(
            u_hbm.at[idx_v.at[pl.ds(f * NB, NB)]],
            g_v.at[pl.ds(f * NB, NB)],
            sem_g,
        )
        for f in range(NUM_FIELDS)
    ]
    for cp in gcopies:
        cp.wait()

    for j in range(NB // L):
        acc = dp_v[pl.ds(j * L, L)]
        for f in range(NUM_FIELDS):
            acc = acc + g_v[pl.ds(f * NB + j * L, L)]
        out_v[pl.ds(j * L, L)] = 1.0 / (1.0 + jnp.exp(-acc))
    pltpu.sync_copy(out_v, out_hbm.at[pl.ds(base_b, NB)])


_OFFSETS = np.repeat(np.arange(NUM_FIELDS, dtype=np.int32) * VPAD, NB)


def kernel(dense_features, sparse_features, tables, W_bot, b_bot, W_top, b_top):
    wteT = W_top[:EMB_FLAT, :].T
    wtdT = W_top[EMB_FLAT:, :].T
    wemb, dp = _fold(dense_features, W_bot, b_bot, wteT, wtdT, b_top)
    tablesT = jnp.transpose(tables, (0, 2, 1))
    u = _collapse(tablesT, wemb.reshape(NUM_FIELDS, 1, EMBED_DIM))
    out = _sc_dlrm(
        jnp.transpose(sparse_features).reshape(-1),
        jnp.asarray(_OFFSETS),
        u.reshape(-1),
        dp.reshape(-1),
    )
    return out

# --- scband reference (transcript-rebuilt; emitter-appended) ---
"""Pipeline reference for scband-dlrm-61564061221086 (READ-ONLY COPY).

The authoritative reference and input builder live on the scoring server;
editing this copy changes nothing except your own understanding.
"""

import jax, jax.numpy as jnp
import numpy as np

BATCH = 4096
NUM_DENSE = 13
NUM_FIELDS = 26
VOCAB = 100000
EMBED_DIM = 32
LN_BOT = 64
LN_TOP = 256


def setup_inputs(seed: int = 0) -> dict:
    key = jax.random.key(seed)
    ks = jax.random.split(key, 6)
    dense_features = jax.random.normal(ks[0], (BATCH, NUM_DENSE), dtype=jnp.float32)
    sparse_features = jax.random.randint(ks[1], (BATCH, NUM_FIELDS), 0, VOCAB, dtype=jnp.int32)
    # one embedding table per sparse field, stacked since all vocabs are equal
    tables = jax.random.normal(ks[2], (NUM_FIELDS, VOCAB, EMBED_DIM), dtype=jnp.float32) * 0.01
    W_bot = jax.random.normal(ks[3], (NUM_DENSE, LN_BOT), dtype=jnp.float32) * 0.05
    b_bot = jnp.zeros((LN_BOT,), dtype=jnp.float32)
    W_top = jax.random.normal(ks[4], (NUM_FIELDS * EMBED_DIM + LN_BOT, LN_TOP), dtype=jnp.float32) * 0.05
    b_top = jnp.zeros((LN_TOP,), dtype=jnp.float32)
    return {
        "dense_features": dense_features,
        "sparse_features": sparse_features,
        "tables": tables,
        "W_bot": W_bot,
        "b_bot": b_bot,
        "W_top": W_top,
        "b_top": b_top,
    }


def reference(dense_features, sparse_features, tables, W_bot, b_bot, W_top, b_top):
    # per-field embedding lookup: field i uses table i on sparse_features[:, i]
    emb = jax.vmap(lambda t, idx: jnp.take(t, idx, axis=0), in_axes=(0, 1), out_axes=1)(
        tables, sparse_features
    )  # [B, NUM_FIELDS, EMBED_DIM]
    emb_flat = emb.reshape(emb.shape[0], -1)  # concat of sparse_emb_vecs along axis=1
    dense_emb = dense_features @ W_bot + b_bot  # bottom MLP (no activation)
    x = jnp.concatenate([emb_flat, dense_emb], axis=1)
    pred = x @ W_top + b_top  # top MLP (no activation)
    out = jax.nn.sigmoid(jnp.mean(pred, axis=1))
    return out.reshape(-1)

if __name__ == "__main__":
    import jax
    _d = setup_inputs()
    print(jax.jit(kernel)(*tuple(_d.values())))

</pallas_src>

<mosaic_0001>
#map = affine_map<(d0, d1) -> (0)>
module attributes {stable_mosaic.version = 14 : i64} {
  func.func @_sc_dlrm(%arg0: i32, %arg1: i32, %arg2: memref<106496xi32, #tpu.memory_space<hbm>>, %arg3: memref<3328xi32, #tpu.memory_space<hbm>>, %arg4: memref<2609152xf32, #tpu.memory_space<hbm>>, %arg5: memref<4096xf32, #tpu.memory_space<hbm>>, %arg6: memref<4096xf32, #tpu.memory_space<hbm>>, %arg7: memref<3328xi32, #tpu.memory_space<vmem>>, %arg8: memref<3328xi32, #tpu.memory_space<vmem>>, %arg9: memref<3328xf32, #tpu.memory_space<vmem>>, %arg10: memref<128xf32, #tpu.memory_space<vmem>>, %arg11: memref<128xf32, #tpu.memory_space<vmem>>, %arg12: memref<!tpu.dma_semaphore, #tpu.memory_space<semaphore_mem>>, %arg13: memref<!tpu.dma_semaphore, #tpu.memory_space<semaphore_mem>>) attributes {dimension_semantics = [#tpu.dimension_semantics<core_parallel>, #tpu.dimension_semantics<subcore_parallel>], iteration_bounds = array<i64: 2, 16>, scalar_prefetch = 0 : i64, scratch_operands = 7 : i64, tpu.core_type = #tpu.core_type<sc_vector_subcore>, window_params = [{transform_indices = #map}, {transform_indices = #map}, {transform_indices = #map}, {transform_indices = #map}, {transform_indices = #map}]} {
    %mul3A = arith.constant 2 : i32
    %mul3A_0 = arith.muli %arg1, %mul3A : i32
    %add3A = arith.addi %mul3A_0, %arg0 : i32
    %mul3A_1 = arith.constant 128 : i32
    %mul3A_2 = arith.muli %add3A, %mul3A_1 : i32
    %multiple_of3A = tpu.assume_multiple %mul3A_2, 8 : i32
    %mul3A_3 = arith.constant 128 : i32
    %mul3A_4 = arith.muli %add3A, %mul3A_3 : i32
    %add3A_5 = arith.constant 0 : i32
    %add3A_6 = arith.addi %add3A_5, %mul3A_4 : i32
    %multiple_of3A_7 = tpu.assume_multiple %add3A_6, 8 : i32
    %dma_start3A = arith.constant 0 : i32
    %dma_start3A_8 = tpu.memref_slice %arg7[%dma_start3A] : memref<3328xi32, #tpu.memory_space<vmem>> -> memref<128xi32, #tpu.memory_space<vmem>>
    %dma_start3A_9 = tpu.memref_slice %arg2[%multiple_of3A_7] : memref<106496xi32, #tpu.memory_space<hbm>> -> memref<128xi32, #tpu.memory_space<hbm>>
    %dma_start3A_10 = arith.constant 0 : i32
    %dma_start3A_11 = tpu.memref_slice %arg7[%dma_start3A_10] : memref<3328xi32, #tpu.memory_space<vmem>> -> memref<128xi32, #tpu.memory_space<vmem>>
    %dma_start3A_12 = tpu.memref_slice %arg2[%multiple_of3A_7] : memref<106496xi32, #tpu.memory_space<hbm>> -> memref<128xi32, #tpu.memory_space<hbm>>
    tpu.enqueue_dma source(%dma_start3A_12 : memref<128xi32, #tpu.memory_space<hbm>>) target(%dma_start3A_11 : memref<128xi32, #tpu.memory_space<vmem>>) target_semaphore(%arg12 : memref<!tpu.dma_semaphore, #tpu.memory_space<semaphore_mem>>)
    %mul3A_13 = arith.constant 128 : i32
    %mul3A_14 = arith.muli %add3A, %mul3A_13 : i32
    %add3A_15 = arith.constant 4096 : i32
    %add3A_16 = arith.addi %add3A_15, %mul3A_14 : i32
    %multiple_of3A_17 = tpu.assume_multiple %add3A_16, 8 : i32
    %dma_start3A_18 = arith.constant 128 : i32
    %dma_start3A_19 = tpu.memref_slice %arg7[%dma_start3A_18] : memref<3328xi32, #tpu.memory_space<vmem>> -> memref<128xi32, #tpu.memory_space<vmem>>
    %dma_start3A_20 = tpu.memref_slice %arg2[%multiple_of3A_17] : memref<106496xi32, #tpu.memory_space<hbm>> -> memref<128xi32, #tpu.memory_space<hbm>>
    %dma_start3A_21 = arith.constant 128 : i32
    %dma_start3A_22 = tpu.memref_slice %arg7[%dma_start3A_21] : memref<3328xi32, #tpu.memory_space<vmem>> -> memref<128xi32, #tpu.memory_space<vmem>>
    %dma_start3A_23 = tpu.memref_slice %arg2[%multiple_of3A_17] : memref<106496xi32, #tpu.memory_space<hbm>> -> memref<128xi32, #tpu.memory_space<hbm>>
    tpu.enqueue_dma source(%dma_start3A_23 : memref<128xi32, #tpu.memory_space<hbm>>) target(%dma_start3A_22 : memref<128xi32, #tpu.memory_space<vmem>>) target_semaphore(%arg12 : memref<!tpu.dma_semaphore, #tpu.memory_space<semaphore_mem>>)
    %mul3A_24 = arith.constant 128 : i32
    %mul3A_25 = arith.muli %add3A, %mul3A_24 : i32
    %add3A_26 = arith.constant 8192 : i32
    %add3A_27 = arith.addi %add3A_26, %mul3A_25 : i32
    %multiple_of3A_28 = tpu.assume_multiple %add3A_27, 8 : i32
    %dma_start3A_29 = arith.constant 256 : i32
    %dma_start3A_30 = tpu.memref_slice %arg7[%dma_start3A_29] : memref<3328xi32, #tpu.memory_space<vmem>> -> memref<128xi32, #tpu.memory_space<vmem>>
    %dma_start3A_31 = tpu.memref_slice %arg2[%multiple_of3A_28] : memref<106496xi32, #tpu.memory_space<hbm>> -> memref<128xi32, #tpu.memory_space<hbm>>
    %dma_start3A_32 = arith.constant 256 : i32
    %dma_start3A_33 = tpu.memref_slice %arg7[%dma_start3A_32] : memref<3328xi32, #tpu.memory_space<vmem>> -> memref<128xi32, #tpu.memory_space<vmem>>
    %dma_start3A_34 = tpu.memref_slice %arg2[%multiple_of3A_28] : memref<106496xi32, #tpu.memory_space<hbm>> -> memref<128xi32, #tpu.memory_space<hbm>>
    tpu.enqueue_dma source(%dma_start3A_34 : memref<128xi32, #tpu.memory_space<hbm>>) target(%dma_start3A_33 : memref<128xi32, #tpu.memory_space<vmem>>) target_semaphore(%arg12 : memref<!tpu.dma_semaphore, #tpu.memory_space<semaphore_mem>>)
    %mul3A_35 = arith.constant 128 : i32
    %mul3A_36 = arith.muli %add3A, %mul3A_35 : i32
    %add3A_37 = arith.constant 12288 : i32
    %add3A_38 = arith.addi %add3A_37, %mul3A_36 : i32
    %multiple_of3A_39 = tpu.assume_multiple %add3A_38, 8 : i32
    %dma_start3A_40 = arith.constant 384 : i32
    %dma_start3A_41 = tpu.memref_slice %arg7[%dma_start3A_40] : memref<3328xi32, #tpu.memory_space<vmem>> -> memref<128xi32, #tpu.memory_space<vmem>>
    %dma_start3A_42 = tpu.memref_slice %arg2[%multiple_of3A_39] : memref<106496xi32, #tpu.memory_space<hbm>> -> memref<128xi32, #tpu.memory_space<hbm>>
    %dma_start3A_43 = arith.constant 384 : i32
    %dma_start3A_44 = tpu.memref_slice %arg7[%dma_start3A_43] : memref<3328xi32, #tpu.memory_space<vmem>> -> memref<128xi32, #tpu.memory_space<vmem>>
    %dma_start3A_45 = tpu.memref_slice %arg2[%multiple_of3A_39] : memref<106496xi32, #tpu.memory_space<hbm>> -> memref<128xi32, #tpu.memory_space<hbm>>
    tpu.enqueue_dma source(%dma_start3A_45 : memref<128xi32, #tpu.memory_space<hbm>>) target(%dma_start3A_44 : memref<128xi32, #tpu.memory_space<vmem>>) target_semaphore(%arg12 : memref<!tpu.dma_semaphore, #tpu.memory_space<semaphore_mem>>)
    %mul3A_46 = arith.constant 128 : i32
    %mul3A_47 = arith.muli %add3A, %mul3A_46 : i32
    %add3A_48 = arith.constant 16384 : i32
    %add3A_49 = arith.addi %add3A_48, %mul3A_47 : i32
    %multiple_of3A_50 = tpu.assume_multiple %add3A_49, 8 : i32
    %dma_start3A_51 = arith.constant 512 : i32
    %dma_start3A_52 = tpu.memref_slice %arg7[%dma_start3A_51] : memref<3328xi32, #tpu.memory_space<vmem>> -> memref<128xi32, #tpu.memory_space<vmem>>
    %dma_start3A_53 = tpu.memref_slice %arg2[%multiple_of3A_50] : memref<106496xi32, #tpu.memory_space<hbm>> -> memref<128xi32, #tpu.memory_space<hbm>>
    %dma_start3A_54 = arith.constant 512 : i32
    %dma_start3A_55 = tpu.memref_slice %arg7[%dma_start3A_54] : memref<3328xi32, #tpu.memory_space<vmem>> -> memref<128xi32, #tpu.memory_space<vmem>>
    %dma_start3A_56 = tpu.memref_slice %arg2[%multiple_of3A_50] : memref<106496xi32, #tpu.memory_space<hbm>> -> memref<128xi32, #tpu.memory_space<hbm>>
    tpu.enqueue_dma source(%dma_start3A_56 : memref<128xi32, #tpu.memory_space<hbm>>) target(%dma_start3A_55 : memref<128xi32, #tpu.memory_space<vmem>>) target_semaphore(%arg12 : memref<!tpu.dma_semaphore, #tpu.memory_space<semaphore_mem>>)
    %mul3A_57 = arith.constant 128 : i32
    %mul3A_58 = arith.muli %add3A, %mul3A_57 : i32
    %add3A_59 = arith.constant 20480 : i32
    %add3A_60 = arith.addi %add3A_59, %mul3A_58 : i32
    %multiple_of3A_61 = tpu.assume_multiple %add3A_60, 8 : i32
    %dma_start3A_62 = arith.constant 640 : i32
    %dma_start3A_63 = tpu.memref_slice %arg7[%dma_start3A_62] : memref<3328xi32, #tpu.memory_space<vmem>> -> memref<128xi32, #tpu.memory_space<vmem>>
    %dma_start3A_64 = tpu.memref_slice %arg2[%multiple_of3A_61] : memref<106496xi32, #tpu.memory_space<hbm>> -> memref<128xi32, #tpu.memory_space<hbm>>
    %dma_start3A_65 = arith.constant 640 : i32
    %dma_start3A_66 = tpu.memref_slice %arg7[%dma_start3A_65] : memref<3328xi32, #tpu.memory_space<vmem>> -> memref<128xi32, #tpu.memory_space<vmem>>
    %dma_start3A_67 = tpu.memref_slice %arg2[%multiple_of3A_61] : memref<106496xi32, #tpu.memory_space<hbm>> -> memref<128xi32, #tpu.memory_space<hbm>>
    tpu.enqueue_dma source(%dma_start3A_67 : memref<128xi32, #tpu.memory_space<hbm>>) target(%dma_start3A_66 : memref<128xi32, #tpu.memory_space<vmem>>) target_semaphore(%arg12 : memref<!tpu.dma_semaphore, #tpu.memory_space<semaphore_mem>>)
    %mul3A_68 = arith.constant 128 : i32
    %mul3A_69 = arith.muli %add3A, %mul3A_68 : i32
    %add3A_70 = arith.constant 24576 : i32
    %add3A_71 = arith.addi %add3A_70, %mul3A_69 : i32
    %multiple_of3A_72 = tpu.assume_multiple %add3A_71, 8 : i32
    %dma_start3A_73 = arith.constant 768 : i32
    %dma_start3A_74 = tpu.memref_slice %arg7[%dma_start3A_73] : memref<3328xi32, #tpu.memory_space<vmem>> -> memref<128xi32, #tpu.memory_space<vmem>>
    %dma_start3A_75 = tpu.memref_slice %arg2[%multiple_of3A_72] : memref<106496xi32, #tpu.memory_space<hbm>> -> memref<128xi32, #tpu.memory_space<hbm>>
    %dma_start3A_76 = arith.constant 768 : i32
    %dma_start3A_77 = tpu.memref_slice %arg7[%dma_start3A_76] : memref<3328xi32, #tpu.memory_space<vmem>> -> memref<128xi32, #tpu.memory_space<vmem>>
    %dma_start3A_78 = tpu.memref_slice %arg2[%multiple_of3A_72] : memref<106496xi32, #tpu.memory_space<hbm>> -> memref<128xi32, #tpu.memory_space<hbm>>
    tpu.enqueue_dma source(%dma_start3A_78 : memref<128xi32, #tpu.memory_space<hbm>>) target(%dma_start3A_77 : memref<128xi32, #tpu.memory_space<vmem>>) target_semaphore(%arg12 : memref<!tpu.dma_semaphore, #tpu.memory_space<semaphore_mem>>)
    %mul3A_79 = arith.constant 128 : i32
    %mul3A_80 = arith.muli %add3A, %mul3A_79 : i32
    %add3A_81 = arith.constant 28672 : i32
    %add3A_82 = arith.addi %add3A_81, %mul3A_80 : i32
    %multiple_of3A_83 = tpu.assume_multiple %add3A_82, 8 : i32
    %dma_start3A_84 = arith.constant 896 : i32
    %dma_start3A_85 = tpu.memref_slice %arg7[%dma_start3A_84] : memref<3328xi32, #tpu.memory_space<vmem>> -> memref<128xi32, #tpu.memory_space<vmem>>
    %dma_start3A_86 = tpu.memref_slice %arg2[%multiple_of3A_83] : memref<106496xi32, #tpu.memory_space<hbm>> -> memref<128xi32, #tpu.memory_space<hbm>>
    %dma_start3A_87 = arith.constant 896 : i32
    %dma_start3A_88 = tpu.memref_slice %arg7[%dma_start3A_87] : memref<3328xi32, #tpu.memory_space<vmem>> -> memref<128xi32, #tpu.memory_space<vmem>>
    %dma_start3A_89 = tpu.memref_slice %arg2[%multiple_of3A_83] : memref<106496xi32, #tpu.memory_space<hbm>> -> memref<128xi32, #tpu.memory_space<hbm>>
    tpu.enqueue_dma source(%dma_start3A_89 : memref<128xi32, #tpu.memory_space<hbm>>) target(%dma_start3A_88 : memref<128xi32, #tpu.memory_space<vmem>>) target_semaphore(%arg12 : memref<!tpu.dma_semaphore, #tpu.memory_space<semaphore_mem>>)
    %mul3A_90 = arith.constant 128 : i32
    %mul3A_91 = arith.muli %add3A, %mul3A_90 : i32
    %add3A_92 = arith.constant 32768 : i32
    %add3A_93 = arith.addi %add3A_92, %mul3A_91 : i32
    %multiple_of3A_94 = tpu.assume_multiple %add3A_93, 8 : i32
    %dma_start3A_95 = arith.constant 1024 : i32
    %dma_start3A_96 = tpu.memref_slice %arg7[%dma_start3A_95] : memref<3328xi32, #tpu.memory_space<vmem>> -> memref<128xi32, #tpu.memory_space<vmem>>
    %dma_start3A_97 = tpu.memref_slice %arg2[%multiple_of3A_94] : memref<106496xi32, #tpu.memory_space<hbm>> -> memref<128xi32, #tpu.memory_space<hbm>>
    %dma_start3A_98 = arith.constant 1024 : i32
    %dma_start3A_99 = tpu.memref_slice %arg7[%dma_start3A_98] : memref<3328xi32, #tpu.memory_space<vmem>> -> memref<128xi32, #tpu.memory_space<vmem>>
    %dma_start3A_100 = tpu.memref_slice %arg2[%multiple_of3A_94] : memref<106496xi32, #tpu.memory_space<hbm>> -> memref<128xi32, #tpu.memory_space<hbm>>
    tpu.enqueue_dma source(%dma_start3A_100 : memref<128xi32, #tpu.memory_space<hbm>>) target(%dma_start3A_99 : memref<128xi32, #tpu.memory_space<vmem>>) target_semaphore(%arg12 : memref<!tpu.dma_semaphore, #tpu.memory_space<semaphore_mem>>)
    %mul3A_101 = arith.constant 128 : i32
    %mul3A_102 = arith.muli %add3A, %mul3A_101 : i32
    %add3A_103 = arith.constant 36864 : i32
    %add3A_104 = arith.addi %add3A_103, %mul3A_102 : i32
    %multiple_of3A_105 = tpu.assume_multiple %add3A_104, 8 : i32
    %dma_start3A_106 = arith.constant 1152 : i32
    %dma_start3A_107 = tpu.memref_slice %arg7[%dma_start3A_106] : memref<3328xi32, #tpu.memory_space<vmem>> -> memref<128xi32, #tpu.memory_space<vmem>>
    %dma_start3A_108 = tpu.memref_slice %arg2[%multiple_of3A_105] : memref<106496xi32, #tpu.memory_space<hbm>> -> memref<128xi32, #tpu.memory_space<hbm>>
    %dma_start3A_109 = arith.constant 1152 : i32
    %dma_start3A_110 = tpu.memref_slice %arg7[%dma_start3A_109] : memref<3328xi32, #tpu.memory_space<vmem>> -> memref<128xi32, #tpu.memory_space<vmem>>
    %dma_start3A_111 = tpu.memref_slice %arg2[%multiple_of3A_105] : memref<106496xi32, #tpu.memory_space<hbm>> -> memref<128xi32, #tpu.memory_space<hbm>>
    tpu.enqueue_dma source(%dma_start3A_111 : memref<128xi32, #tpu.memory_space<hbm>>) target(%dma_start3A_110 : memref<128xi32, #tpu.memory_space<vmem>>) target_semaphore(%arg12 : memref<!tpu.dma_semaphore, #tpu.memory_space<semaphore_mem>>)
    %mul3A_112 = arith.constant 128 : i32
    %mul3A_113 = arith.muli %add3A, %mul3A_112 : i32
    %add3A_114 = arith.constant 40960 : i32
    %add3A_115 = arith.addi %add3A_114, %mul3A_113 : i32
    %multiple_of3A_116 = tpu.assume_multiple %add3A_115, 8 : i32
    %dma_start3A_117 = arith.constant 1280 : i32
    %dma_start3A_118 = tpu.memref_slice %arg7[%dma_start3A_117] : memref<3328xi32, #tpu.memory_space<vmem>> -> memref<128xi32, #tpu.memory_space<vmem>>
    %dma_start3A_119 = tpu.memref_slice %arg2[%multiple_of3A_116] : memref<106496xi32, #tpu.memory_space<hbm>> -> memref<128xi32, #tpu.memory_space<hbm>>
    %dma_start3A_120 = arith.constant 1280 : i32
    %dma_start3A_121 = tpu.memref_slice %arg7[%dma_start3A_120] : memref<3328xi32, #tpu.memory_space<vmem>> -> memref<128xi32, #tpu.memory_space<vmem>>
    %dma_start3A_122 = tpu.memref_slice %arg2[%multiple_of3A_116] : memref<106496xi32, #tpu.memory_space<hbm>> -> memref<128xi32, #tpu.memory_space<hbm>>
    tpu.enqueue_dma source(%dma_start3A_122 : memref<128xi32, #tpu.memory_space<hbm>>) target(%dma_start3A_121 : memref<128xi32, #tpu.memory_space<vmem>>) target_semaphore(%arg12 : memref<!tpu.dma_semaphore, #tpu.memory_space<semaphore_mem>>)
    %mul3A_123 = arith.constant 128 : i32
    %mul3A_124 = arith.muli %add3A, %mul3A_123 : i32
    %add3A_125 = arith.constant 45056 : i32
    %add3A_126 = arith.addi %add3A_125, %mul3A_124 : i32
    %multiple_of3A_127 = tpu.assume_multiple %add3A_126, 8 : i32
    %dma_start3A_128 = arith.constant 1408 : i32
    %dma_start3A_129 = tpu.memref_slice %arg7[%dma_start3A_128] : memref<3328xi32, #tpu.memory_space<vmem>> -> memref<128xi32, #tpu.memory_space<vmem>>
    %dma_start3A_130 = tpu.memref_slice %arg2[%multiple_of3A_127] : memref<106496xi32, #tpu.memory_space<hbm>> -> memref<128xi32, #tpu.memory_space<hbm>>
    %dma_start3A_131 = arith.constant 1408 : i32
    %dma_start3A_132 = tpu.memref_slice %arg7[%dma_start3A_131] : memref<3328xi32, #tpu.memory_space<vmem>> -> memref<128xi32, #tpu.memory_space<vmem>>
    %dma_start3A_133 = tpu.memref_slice %arg2[%multiple_of3A_127] : memref<106496xi32, #tpu.memory_space<hbm>> -> memref<128xi32, #tpu.memory_space<hbm>>
    tpu.enqueue_dma source(%dma_start3A_133 : memref<128xi32, #tpu.memory_space<hbm>>) target(%dma_start3A_132 : memref<128xi32, #tpu.memory_space<vmem>>) target_semaphore(%arg12 : memref<!tpu.dma_semaphore, #tpu.memory_space<semaphore_mem>>)
    %mul3A_134 = arith.constant 128 : i32
    %mul3A_135 = arith.muli %add3A, %mul3A_134 : i32
    %add3A_136 = arith.constant 49152 : i32
    %add3A_137 = arith.addi %add3A_136, %mul3A_135 : i32
    %multiple_of3A_138 = tpu.assume_multiple %add3A_137, 8 : i32
    %dma_start3A_139 = arith.constant 1536 : i32
    %dma_start3A_140 = tpu.memref_slice %arg7[%dma_start3A_139] : memref<3328xi32, #tpu.memory_space<vmem>> -> memref<128xi32, #tpu.memory_space<vmem>>
    %dma_start3A_141 = tpu.memref_slice %arg2[%multiple_of3A_138] : memref<106496xi32, #tpu.memory_space<hbm>> -> memref<128xi32, #tpu.memory_space<hbm>>
    %dma_start3A_142 = arith.constant 1536 : i32
    %dma_start3A_143 = tpu.memref_slice %arg7[%dma_start3A_142] : memref<3328xi32, #tpu.memory_space<vmem>> -> memref<128xi32, #tpu.memory_space<vmem>>
    %dma_start3A_144 = tpu.memref_slice %arg2[%multiple_of3A_138] : memref<106496xi32, #tpu.memory_space<hbm>> -> memref<128xi32, #tpu.memory_space<hbm>>
    tpu.enqueue_dma source(%dma_start3A_144 : memref<128xi32, #tpu.memory_space<hbm>>) target(%dma_start3A_143 : memref<128xi32, #tpu.memory_space<vmem>>) target_semaphore(%arg12 : memref<!tpu.dma_semaphore, #tpu.memory_space<semaphore_mem>>)
    %mul3A_145 = arith.constant 128 : i32
    %mul3A_146 = arith.muli %add3A, %mul3A_145 : i32
    %add3A_147 = arith.constant 53248 : i32
    %add3A_148 = arith.addi %add3A_147, %mul3A_146 : i32
    %multiple_of3A_149 = tpu.assume_multiple %add3A_148, 8 : i32
    %dma_start3A_150 = arith.constant 1664 : i32
    %dma_start3A_151 = tpu.memref_slice %arg7[%dma_start3A_150] : memref<3328xi32, #tpu.memory_space<vmem>> -> memref<128xi32, #tpu.memory_space<vmem>>
    %dma_start3A_152 = tpu.memref_slice %arg2[%multiple_of3A_149] : memref<106496xi32, #tpu.memory_space<hbm>> -> memref<128xi32, #tpu.memory_space<hbm>>
    %dma_start3A_153 = arith.constant 1664 : i32
    %dma_start3A_154 = tpu.memref_slice %arg7[%dma_start3A_153] : memref<3328xi32, #tpu.memory_space<vmem>> -> memref<128xi32, #tpu.memory_space<vmem>>
    %dma_start3A_155 = tpu.memref_slice %arg2[%multiple_of3A_149] : memref<106496xi32, #tpu.memory_space<hbm>> -> memref<128xi32, #tpu.memory_space<hbm>>
    tpu.enqueue_dma source(%dma_start3A_155 : memref<128xi32, #tpu.memory_space<hbm>>) target(%dma_start3A_154 : memref<128xi32, #tpu.memory_space<vmem>>) target_semaphore(%arg12 : memref<!tpu.dma_semaphore, #tpu.memory_space<semaphore_mem>>)
    %mul3A_156 = arith.constant 128 : i32
    %mul3A_157 = arith.muli %add3A, %mul3A_156 : i32
    %add3A_158 = arith.constant 57344 : i32
    %add3A_159 = arith.addi %add3A_158, %mul3A_157 : i32
    %multiple_of3A_160 = tpu.assume_multiple %add3A_159, 8 : i32
    %dma_start3A_161 = arith.constant 1792 : i32
    %dma_start3A_162 = tpu.memref_slice %arg7[%dma_start3A_161] : memref<3328xi32, #tpu.memory_space<vmem>> -> memref<128xi32, #tpu.memory_space<vmem>>
    %dma_start3A_163 = tpu.memref_slice %arg2[%multiple_of3A_160] : memref<106496xi32, #tpu.memory_space<hbm>> -> memref<128xi32, #tpu.memory_space<hbm>>
    %dma_start3A_164 = arith.constant 1792 : i32
    %dma_start3A_165 = tpu.memref_slice %arg7[%dma_start3A_164] : memref<3328xi32, #tpu.memory_space<vmem>> -> memref<128xi32, #tpu.memory_space<vmem>>
    %dma_start3A_166 = tpu.memref_slice %arg2[%multiple_of3A_160] : memref<106496xi32, #tpu.memory_space<hbm>> -> memref<128xi32, #tpu.memory_space<hbm>>
    tpu.enqueue_dma source(%dma_start3A_166 : memref<128xi32, #tpu.memory_space<hbm>>) target(%dma_start3A_165 : memref<128xi32, #tpu.memory_space<vmem>>) target_semaphore(%arg12 : memref<!tpu.dma_semaphore, #tpu.memory_space<semaphore_mem>>)
    %mul3A_167 = arith.constant 128 : i32
    %mul3A_168 = arith.muli %add3A, %mul3A_167 : i32
    %add3A_169 = arith.constant 61440 : i32
    %add3A_170 = arith.addi %add3A_169, %mul3A_168 : i32
    %multiple_of3A_171 = tpu.assume_multiple %add3A_170, 8 : i32
    %dma_start3A_172 = arith.constant 1920 : i32
    %dma_start3A_173 = tpu.memref_slice %arg7[%dma_start3A_172] : memref<3328xi32, #tpu.memory_space<vmem>> -> memref<128xi32, #tpu.memory_space<vmem>>
    %dma_start3A_174 = tpu.memref_slice %arg2[%multiple_of3A_171] : memref<106496xi32, #tpu.memory_space<hbm>> -> memref<128xi32, #tpu.memory_space<hbm>>
    %dma_start3A_175 = arith.constant 1920 : i32
    %dma_start3A_176 = tpu.memref_slice %arg7[%dma_start3A_175] : memref<3328xi32, #tpu.memory_space<vmem>> -> memref<128xi32, #tpu.memory_space<vmem>>
    %dma_start3A_177 = tpu.memref_slice %arg2[%multiple_of3A_171] : memref<106496xi32, #tpu.memory_space<hbm>> -> memref<128xi32, #tpu.memory_space<hbm>>
    tpu.enqueue_dma source(%dma_start3A_177 : memref<128xi32, #tpu.memory_space<hbm>>) target(%dma_start3A_176 : memref<128xi32, #tpu.memory_space<vmem>>) target_semaphore(%arg12 : memref<!tpu.dma_semaphore, #tpu.memory_space<semaphore_mem>>)
    %mul3A_178 = arith.constant 128 : i32
    %mul3A_179 = arith.muli %add3A, %mul3A_178 : i32
    %add3A_180 = arith.constant 65536 : i32
    %add3A_181 = arith.addi %add3A_180, %mul3A_179 : i32
    %multiple_of3A_182 = tpu.assume_multiple %add3A_181, 8 : i32
    %dma_start3A_183 = arith.constant 2048 : i32
    %dma_start3A_184 = tpu.memref_slice %arg7[%dma_start3A_183] : memref<3328xi32, #tpu.memory_space<vmem>> -> memref<128xi32, #tpu.memory_space<vmem>>
    %dma_start3A_185 = tpu.memref_slice %arg2[%multiple_of3A_182] : memref<106496xi32, #tpu.memory_space<hbm>> -> memref<128xi32, #tpu.memory_space<hbm>>
    %dma_start3A_186 = arith.constant 2048 : i32
    %dma_start3A_187 = tpu.memref_slice %arg7[%dma_start3A_186] : memref<3328xi32, #tpu.memory_space<vmem>> -> memref<128xi32, #tpu.memory_space<vmem>>
    %dma_start3A_188 = tpu.memref_slice %arg2[%multiple_of3A_182] : memref<106496xi32, #tpu.memory_space<hbm>> -> memref<128xi32, #tpu.memory_space<hbm>>
    tpu.enqueue_dma source(%dma_start3A_188 : memref<128xi32, #tpu.memory_space<hbm>>) target(%dma_start3A_187 : memref<128xi32, #tpu.memory_space<vmem>>) target_semaphore(%arg12 : memref<!tpu.dma_semaphore, #tpu.memory_space<semaphore_mem>>)
    %mul3A_189 = arith.constant 128 : i32
    %mul3A_190 = arith.muli %add3A, %mul3A_189 : i32
    %add3A_191 = arith.constant 69632 : i32
    %add3A_192 = arith.addi %add3A_191, %mul3A_190 : i32
    %multiple_of3A_193 = tpu.assume_multiple %add3A_192, 8 : i32
    %dma_start3A_194 = arith.constant 2176 : i32
    %dma_start3A_195 = tpu.memref_slice %arg7[%dma_start3A_194] : memref<3328xi32, #tpu.memory_space<vmem>> -> memref<128xi32, #tpu.memory_space<vmem>>
    %dma_start3A_196 = tpu.memref_slice %arg2[%multiple_of3A_193] : memref<106496xi32, #tpu.memory_space<hbm>> -> memref<128xi32, #tpu.memory_space<hbm>>
    %dma_start3A_197 = arith.constant 2176 : i32
    %dma_start3A_198 = tpu.memref_slice %arg7[%dma_start3A_197] : memref<3328xi32, #tpu.memory_space<vmem>> -> memref<128xi32, #tpu.memory_space<vmem>>
    %dma_start3A_199 = tpu.memref_slice %arg2[%multiple_of3A_193] : memref<106496xi32, #tpu.memory_space<hbm>> -> memref<128xi32, #tpu.memory_space<hbm>>
    tpu.enqueue_dma source(%dma_start3A_199 : memref<128xi32, #tpu.memory_space<hbm>>) target(%dma_start3A_198 : memref<128xi32, #tpu.memory_space<vmem>>) target_semaphore(%arg12 : memref<!tpu.dma_semaphore, #tpu.memory_space<semaphore_mem>>)
    %mul3A_200 = arith.constant 128 : i32
    %mul3A_201 = arith.muli %add3A, %mul3A_200 : i32
    %add3A_202 = arith.constant 73728 : i32
    %add3A_203 = arith.addi %add3A_202, %mul3A_201 : i32
    %multiple_of3A_204 = tpu.assume_multiple %add3A_203, 8 : i32
    %dma_start3A_205 = arith.constant 2304 : i32
    %dma_start3A_206 = tpu.memref_slice %arg7[%dma_start3A_205] : memref<3328xi32, #tpu.memory_space<vmem>> -> memref<128xi32, #tpu.memory_space<vmem>>
    %dma_start3A_207 = tpu.memref_slice %arg2[%multiple_of3A_204] : memref<106496xi32, #tpu.memory_space<hbm>> -> memref<128xi32, #tpu.memory_space<hbm>>
    %dma_start3A_208 = arith.constant 2304 : i32
    %dma_start3A_209 = tpu.memref_slice %arg7[%dma_start3A_208] : memref<3328xi32, #tpu.memory_space<vmem>> -> memref<128xi32, #tpu.memory_space<vmem>>
    %dma_start3A_210 = tpu.memref_slice %arg2[%multiple_of3A_204] : memref<106496xi32, #tpu.memory_space<hbm>> -> memref<128xi32, #tpu.memory_space<hbm>>
    tpu.enqueue_dma source(%dma_start3A_210 : memref<128xi32, #tpu.memory_space<hbm>>) target(%dma_start3A_209 : memref<128xi32, #tpu.memory_space<vmem>>) target_semaphore(%arg12 : memref<!tpu.dma_semaphore, #tpu.memory_space<semaphore_mem>>)
    %mul3A_211 = arith.constant 128 : i32
    %mul3A_212 = arith.muli %add3A, %mul3A_211 : i32
    %add3A_213 = arith.constant 77824 : i32
    %add3A_214 = arith.addi %add3A_213, %mul3A_212 : i32
    %multiple_of3A_215 = tpu.assume_multiple %add3A_214, 8 : i32
    %dma_start3A_216 = arith.constant 2432 : i32
    %dma_start3A_217 = tpu.memref_slice %arg7[%dma_start3A_216] : memref<3328xi32, #tpu.memory_space<vmem>> -> memref<128xi32, #tpu.memory_space<vmem>>
    %dma_start3A_218 = tpu.memref_slice %arg2[%multiple_of3A_215] : memref<106496xi32, #tpu.memory_space<hbm>> -> memref<128xi32, #tpu.memory_space<hbm>>
    %dma_start3A_219 = arith.constant 2432 : i32
    %dma_start3A_220 = tpu.memref_slice %arg7[%dma_start3A_219] : memref<3328xi32, #tpu.memory_space<vmem>> -> memref<128xi32, #tpu.memory_space<vmem>>
    %dma_start3A_221 = tpu.memref_slice %arg2[%multiple_of3A_215] : memref<106496xi32, #tpu.memory_space<hbm>> -> memref<128xi32, #tpu.memory_space<hbm>>
    tpu.enqueue_dma source(%dma_start3A_221 : memref<128xi32, #tpu.memory_space<hbm>>) target(%dma_start3A_220 : memref<128xi32, #tpu.memory_space<vmem>>) target_semaphore(%arg12 : memref<!tpu.dma_semaphore, #tpu.memory_space<semaphore_mem>>)
    %mul3A_222 = arith.constant 128 : i32
    %mul3A_223 = arith.muli %add3A, %mul3A_222 : i32
    %add3A_224 = arith.constant 81920 : i32
    %add3A_225 = arith.addi %add3A_224, %mul3A_223 : i32
    %multiple_of3A_226 = tpu.assume_multiple %add3A_225, 8 : i32
    %dma_start3A_227 = arith.constant 2560 : i32
    %dma_start3A_228 = tpu.memref_slice %arg7[%dma_start3A_227] : memref<3328xi32, #tpu.memory_space<vmem>> -> memref<128xi32, #tpu.memory_space<vmem>>
    %dma_start3A_229 = tpu.memref_slice %arg2[%multiple_of3A_226] : memref<106496xi32, #tpu.memory_space<hbm>> -> memref<128xi32, #tpu.memory_space<hbm>>
    %dma_start3A_230 = arith.constant 2560 : i32
    %dma_start3A_231 = tpu.memref_slice %arg7[%dma_start3A_230] : memref<3328xi32, #tpu.memory_space<vmem>> -> memref<128xi32, #tpu.memory_space<vmem>>
    %dma_start3A_232 = tpu.memref_slice %arg2[%multiple_of3A_226] : memref<106496xi32, #tpu.memory_space<hbm>> -> memref<128xi32, #tpu.memory_space<hbm>>
    tpu.enqueue_dma source(%dma_start3A_232 : memref<128xi32, #tpu.memory_space<hbm>>) target(%dma_start3A_231 : memref<128xi32, #tpu.memory_space<vmem>>) target_semaphore(%arg12 : memref<!tpu.dma_semaphore, #tpu.memory_space<semaphore_mem>>)
    %mul3A_233 = arith.constant 128 : i32
    %mul3A_234 = arith.muli %add3A, %mul3A_233 : i32
    %add3A_235 = arith.constant 86016 : i32
    %add3A_236 = arith.addi %add3A_235, %mul3A_234 : i32
    %multiple_of3A_237 = tpu.assume_multiple %add3A_236, 8 : i32
    %dma_start3A_238 = arith.constant 2688 : i32
    %dma_start3A_239 = tpu.memref_slice %arg7[%dma_start3A_238] : memref<3328xi32, #tpu.memory_space<vmem>> -> memref<128xi32, #tpu.memory_space<vmem>>
    %dma_start3A_240 = tpu.memref_slice %arg2[%multiple_of3A_237] : memref<106496xi32, #tpu.memory_space<hbm>> -> memref<128xi32, #tpu.memory_space<hbm>>
    %dma_start3A_241 = arith.constant 2688 : i32
    %dma_start3A_242 = tpu.memref_slice %arg7[%dma_start3A_241] : memref<3328xi32, #tpu.memory_space<vmem>> -> memref<128xi32, #tpu.memory_space<vmem>>
    %dma_start3A_243 = tpu.memref_slice %arg2[%multiple_of3A_237] : memref<106496xi32, #tpu.memory_space<hbm>> -> memref<128xi32, #tpu.memory_space<hbm>>
    tpu.enqueue_dma source(%dma_start3A_243 : memref<128xi32, #tpu.memory_space<hbm>>) target(%dma_start3A_242 : memref<128xi32, #tpu.memory_space<vmem>>) target_semaphore(%arg12 : memref<!tpu.dma_semaphore, #tpu.memory_space<semaphore_mem>>)
    %mul3A_244 = arith.constant 128 : i32
    %mul3A_245 = arith.muli %add3A, %mul3A_244 : i32
    %add3A_246 = arith.constant 90112 : i32
    %add3A_247 = arith.addi %add3A_246, %mul3A_245 : i32
    %multiple_of3A_248 = tpu.assume_multiple %add3A_247, 8 : i32
    %dma_start3A_249 = arith.constant 2816 : i32
    %dma_start3A_250 = tpu.memref_slice %arg7[%dma_start3A_249] : memref<3328xi32, #tpu.memory_space<vmem>> -> memref<128xi32, #tpu.memory_space<vmem>>
    %dma_start3A_251 = tpu.memref_slice %arg2[%multiple_of3A_248] : memref<106496xi32, #tpu.memory_space<hbm>> -> memref<128xi32, #tpu.memory_space<hbm>>
    %dma_start3A_252 = arith.constant 2816 : i32
    %dma_start3A_253 = tpu.memref_slice %arg7[%dma_start3A_252] : memref<3328xi32, #tpu.memory_space<vmem>> -> memref<128xi32, #tpu.memory_space<vmem>>
    %dma_start3A_254 = tpu.memref_slice %arg2[%multiple_of3A_248] : memref<106496xi32, #tpu.memory_space<hbm>> -> memref<128xi32, #tpu.memory_space<hbm>>
    tpu.enqueue_dma source(%dma_start3A_254 : memref<128xi32, #tpu.memory_space<hbm>>) target(%dma_start3A_253 : memref<128xi32, #tpu.memory_space<vmem>>) target_semaphore(%arg12 : memref<!tpu.dma_semaphore, #tpu.memory_space<semaphore_mem>>)
    %mul3A_255 = arith.constant 128 : i32
    %mul3A_256 = arith.muli %add3A, %mul3A_255 : i32
    %add3A_257 = arith.constant 94208 : i32
    %add3A_258 = arith.addi %add3A_257, %mul3A_256 : i32
    %multiple_of3A_259 = tpu.assume_multiple %add3A_258, 8 : i32
    %dma_start3A_260 = arith.constant 2944 : i32
    %dma_start3A_261 = tpu.memref_slice %arg7[%dma_start3A_260] : memref<3328xi32, #tpu.memory_space<vmem>> -> memref<128xi32, #tpu.memory_space<vmem>>
    %dma_start3A_262 = tpu.memref_slice %arg2[%multiple_of3A_259] : memref<106496xi32, #tpu.memory_space<hbm>> -> memref<128xi32, #tpu.memory_space<hbm>>
    %dma_start3A_263 = arith.constant 2944 : i32
    %dma_start3A_264 = tpu.memref_slice %arg7[%dma_start3A_263] : memref<3328xi32, #tpu.memory_space<vmem>> -> memref<128xi32, #tpu.memory_space<vmem>>
    %dma_start3A_265 = tpu.memref_slice %arg2[%multiple_of3A_259] : memref<106496xi32, #tpu.memory_space<hbm>> -> memref<128xi32, #tpu.memory_space<hbm>>
    tpu.enqueue_dma source(%dma_start3A_265 : memref<128xi32, #tpu.memory_space<hbm>>) target(%dma_start3A_264 : memref<128xi32, #tpu.memory_space<vmem>>) target_semaphore(%arg12 : memref<!tpu.dma_semaphore, #tpu.memory_space<semaphore_mem>>)
    %mul3A_266 = arith.constant 128 : i32
    %mul3A_267 = arith.muli %add3A, %mul3A_266 : i32
    %add3A_268 = arith.constant 98304 : i32
    %add3A_269 = arith.addi %add3A_268, %mul3A_267 : i32
    %multiple_of3A_270 = tpu.assume_multiple %add3A_269, 8 : i32
    %dma_start3A_271 = arith.constant 3072 : i32
    %dma_start3A_272 = tpu.memref_slice %arg7[%dma_start3A_271] : memref<3328xi32, #tpu.memory_space<vmem>> -> memref<128xi32, #tpu.memory_space<vmem>>
    %dma_start3A_273 = tpu.memref_slice %arg2[%multiple_of3A_270] : memref<106496xi32, #tpu.memory_space<hbm>> -> memref<128xi32, #tpu.memory_space<hbm>>
    %dma_start3A_274 = arith.constant 3072 : i32
    %dma_start3A_275 = tpu.memref_slice %arg7[%dma_start3A_274] : memref<3328xi32, #tpu.memory_space<vmem>> -> memref<128xi32, #tpu.memory_space<vmem>>
    %dma_start3A_276 = tpu.memref_slice %arg2[%multiple_of3A_270] : memref<106496xi32, #tpu.memory_space<hbm>> -> memref<128xi32, #tpu.memory_space<hbm>>
    tpu.enqueue_dma source(%dma_start3A_276 : memref<128xi32, #tpu.memory_space<hbm>>) target(%dma_start3A_275 : memref<128xi32, #tpu.memory_space<vmem>>) target_semaphore(%arg12 : memref<!tpu.dma_semaphore, #tpu.memory_space<semaphore_mem>>)
    %mul3A_277 = arith.constant 128 : i32
    %mul3A_278 = arith.muli %add3A, %mul3A_277 : i32
    %add3A_279 = arith.constant 102400 : i32
    %add3A_280 = arith.addi %add3A_279, %mul3A_278 : i32
    %multiple_of3A_281 = tpu.assume_multiple %add3A_280, 8 : i32
    %dma_start3A_282 = arith.constant 3200 : i32
    %dma_start3A_283 = tpu.memref_slice %arg7[%dma_start3A_282] : memref<3328xi32, #tpu.memory_space<vmem>> -> memref<128xi32, #tpu.memory_space<vmem>>
    %dma_start3A_284 = tpu.memref_slice %arg2[%multiple_of3A_281] : memref<106496xi32, #tpu.memory_space<hbm>> -> memref<128xi32, #tpu.memory_space<hbm>>
    %dma_start3A_285 = arith.constant 3200 : i32
    %dma_start3A_286 = tpu.memref_slice %arg7[%dma_start3A_285] : memref<3328xi32, #tpu.memory_space<vmem>> -> memref<128xi32, #tpu.memory_space<vmem>>
    %dma_start3A_287 = tpu.memref_slice %arg2[%multiple_of3A_281] : memref<106496xi32, #tpu.memory_space<hbm>> -> memref<128xi32, #tpu.memory_space<hbm>>
    tpu.enqueue_dma source(%dma_start3A_287 : memref<128xi32, #tpu.memory_space<hbm>>) target(%dma_start3A_286 : memref<128xi32, #tpu.memory_space<vmem>>) target_semaphore(%arg12 : memref<!tpu.dma_semaphore, #tpu.memory_space<semaphore_mem>>)
    "tpu.region"() ({
      %run_scoped3A = tpu.sem_alloc : memref<!tpu.dma_semaphore, #tpu.memory_space<semaphore_mem>>
      tpu.enqueue_dma source(%arg3 : memref<3328xi32, #tpu.memory_space<hbm>>) target(%arg8 : memref<3328xi32, #tpu.memory_space<vmem>>) target_semaphore(%run_scoped3A : memref<!tpu.dma_semaphore, #tpu.memory_space<semaphore_mem>>)
      tpu.wait_dma2 semaphore(%run_scoped3A : memref<!tpu.dma_semaphore, #tpu.memory_space<semaphore_mem>>) src(%arg3 : memref<3328xi32, #tpu.memory_space<hbm>>) dst(%arg8 : memref<3328xi32, #tpu.memory_space<vmem>>)
      tpu.yield
    }) : () -> ()
    "tpu.region"() ({
      %run_scoped3A = tpu.sem_alloc : memref<!tpu.dma_semaphore, #tpu.memory_space<semaphore_mem>>
      %dma_start3A_1491 = tpu.memref_slice %arg5[%multiple_of3A] : memref<4096xf32, #tpu.memory_space<hbm>> -> memref<128xf32, #tpu.memory_space<hbm>>
      %dma_start3A_1492 = tpu.memref_slice %arg5[%multiple_of3A] : memref<4096xf32, #tpu.memory_space<hbm>> -> memref<128xf32, #tpu.memory_space<hbm>>
      tpu.enqueue_dma source(%dma_start3A_1492 : memref<128xf32, #tpu.memory_space<hbm>>) target(%arg10 : memref<128xf32, #tpu.memory_space<vmem>>) target_semaphore(%run_scoped3A : memref<!tpu.dma_semaphore, #tpu.memory_space<semaphore_mem>>)
      %dma_wait3A_1493 = tpu.memref_slice %arg5[%multiple_of3A] : memref<4096xf32, #tpu.memory_space<hbm>> -> memref<128xf32, #tpu.memory_space<hbm>>
      %dma_wait3A_1494 = tpu.memref_slice %arg5[%multiple_of3A] : memref<4096xf32, #tpu.memory_space<hbm>> -> memref<128xf32, #tpu.memory_space<hbm>>
      tpu.wait_dma2 semaphore(%run_scoped3A : memref<!tpu.dma_semaphore, #tpu.memory_space<semaphore_mem>>) src(%dma_wait3A_1494 : memref<128xf32, #tpu.memory_space<hbm>>) dst(%arg10 : memref<128xf32, #tpu.memory_space<vmem>>)
      tpu.yield
    }) : () -> ()
    %dma_wait3A = arith.constant 0 : i32
    %dma_wait3A_288 = tpu.memref_slice %arg7[%dma_wait3A] : memref<3328xi32, #tpu.memory_space<vmem>> -> memref<128xi32, #tpu.memory_space<vmem>>
    %dma_wait3A_289 = tpu.memref_slice %arg2[%multiple_of3A_7] : memref<106496xi32, #tpu.memory_space<hbm>> -> memref<128xi32, #tpu.memory_space<hbm>>
    %dma_wait3A_290 = arith.constant 0 : i32
    %dma_wait3A_291 = tpu.memref_slice %arg7[%dma_wait3A_290] : memref<3328xi32, #tpu.memory_space<vmem>> -> memref<128xi32, #tpu.memory_space<vmem>>
    %dma_wait3A_292 = tpu.memref_slice %arg2[%multiple_of3A_7] : memref<106496xi32, #tpu.memory_space<hbm>> -> memref<128xi32, #tpu.memory_space<hbm>>
    tpu.wait_dma2 semaphore(%arg12 : memref<!tpu.dma_semaphore, #tpu.memory_space<semaphore_mem>>) src(%dma_wait3A_292 : memref<128xi32, #tpu.memory_space<hbm>>) dst(%dma_wait3A_291 : memref<128xi32, #tpu.memory_space<vmem>>)
    %dma_wait3A_293 = arith.constant 128 : i32
    %dma_wait3A_294 = tpu.memref_slice %arg7[%dma_wait3A_293] : memref<3328xi32, #tpu.memory_space<vmem>> -> memref<128xi32, #tpu.memory_space<vmem>>
    %dma_wait3A_295 = tpu.memref_slice %arg2[%multiple_of3A_17] : memref<106496xi32, #tpu.memory_space<hbm>> -> memref<128xi32, #tpu.memory_space<hbm>>
    %dma_wait3A_296 = arith.constant 128 : i32
    %dma_wait3A_297 = tpu.memref_slice %arg7[%dma_wait3A_296] : memref<3328xi32, #tpu.memory_space<vmem>> -> memref<128xi32, #tpu.memory_space<vmem>>
    %dma_wait3A_298 = tpu.memref_slice %arg2[%multiple_of3A_17] : memref<106496xi32, #tpu.memory_space<hbm>> -> memref<128xi32, #tpu.memory_space<hbm>>
    tpu.wait_dma2 semaphore(%arg12 : memref<!tpu.dma_semaphore, #tpu.memory_space<semaphore_mem>>) src(%dma_wait3A_298 : memref<128xi32, #tpu.memory_space<hbm>>) dst(%dma_wait3A_297 : memref<128xi32, #tpu.memory_space<vmem>>)
    %dma_wait3A_299 = arith.constant 256 : i32
    %dma_wait3A_300 = tpu.memref_slice %arg7[%dma_wait3A_299] : memref<3328xi32, #tpu.memory_space<vmem>> -> memref<128xi32, #tpu.memory_space<vmem>>
    %dma_wait3A_301 = tpu.memref_slice %arg2[%multiple_of3A_28] : memref<106496xi32, #tpu.memory_space<hbm>> -> memref<128xi32, #tpu.memory_space<hbm>>
    %dma_wait3A_302 = arith.constant 256 : i32
    %dma_wait3A_303 = tpu.memref_slice %arg7[%dma_wait3A_302] : memref<3328xi32, #tpu.memory_space<vmem>> -> memref<128xi32, #tpu.memory_space<vmem>>
    %dma_wait3A_304 = tpu.memref_slice %arg2[%multiple_of3A_28] : memref<106496xi32, #tpu.memory_space<hbm>> -> memref<128xi32, #tpu.memory_space<hbm>>
    tpu.wait_dma2 semaphore(%arg12 : memref<!tpu.dma_semaphore, #tpu.memory_space<semaphore_mem>>) src(%dma_wait3A_304 : memref<128xi32, #tpu.memory_space<hbm>>) dst(%dma_wait3A_303 : memref<128xi32, #tpu.memory_space<vmem>>)
    %dma_wait3A_305 = arith.constant 384 : i32
    %dma_wait3A_306 = tpu.memref_slice %arg7[%dma_wait3A_305] : memref<3328xi32, #tpu.memory_space<vmem>> -> memref<128xi32, #tpu.memory_space<vmem>>
    %dma_wait3A_307 = tpu.memref_slice %arg2[%multiple_of3A_39] : memref<106496xi32, #tpu.memory_space<hbm>> -> memref<128xi32, #tpu.memory_space<hbm>>
    %dma_wait3A_308 = arith.constant 384 : i32
    %dma_wait3A_309 = tpu.memref_slice %arg7[%dma_wait3A_308] : memref<3328xi32, #tpu.memory_space<vmem>> -> memref<128xi32, #tpu.memory_space<vmem>>
    %dma_wait3A_310 = tpu.memref_slice %arg2[%multiple_of3A_39] : memref<106496xi32, #tpu.memory_space<hbm>> -> memref<128xi32, #tpu.memory_space<hbm>>
    tpu.wait_dma2 semaphore(%arg12 : memref<!tpu.dma_semaphore, #tpu.memory_space<semaphore_mem>>) src(%dma_wait3A_310 : memref<128xi32, #tpu.memory_space<hbm>>) dst(%dma_wait3A_309 : memref<128xi32, #tpu.memory_space<vmem>>)
    %dma_wait3A_311 = arith.constant 512 : i32
    %dma_wait3A_312 = tpu.memref_slice %arg7[%dma_wait3A_311] : memref<3328xi32, #tpu.memory_space<vmem>> -> memref<128xi32, #tpu.memory_space<vmem>>
    %dma_wait3A_313 = tpu.memref_slice %arg2[%multiple_of3A_50] : memref<106496xi32, #tpu.memory_space<hbm>> -> memref<128xi32, #tpu.memory_space<hbm>>
    %dma_wait3A_314 = arith.constant 512 : i32
    %dma_wait3A_315 = tpu.memref_slice %arg7[%dma_wait3A_314] : memref<3328xi32, #tpu.memory_space<vmem>> -> memref<128xi32, #tpu.memory_space<vmem>>
    %dma_wait3A_316 = tpu.memref_slice %arg2[%multiple_of3A_50] : memref<106496xi32, #tpu.memory_space<hbm>> -> memref<128xi32, #tpu.memory_space<hbm>>
    tpu.wait_dma2 semaphore(%arg12 : memref<!tpu.dma_semaphore, #tpu.memory_space<semaphore_mem>>) src(%dma_wait3A_316 : memref<128xi32, #tpu.memory_space<hbm>>) dst(%dma_wait3A_315 : memref<128xi32, #tpu.memory_space<vmem>>)
    %dma_wait3A_317 = arith.constant 640 : i32
    %dma_wait3A_318 = tpu.memref_slice %arg7[%dma_wait3A_317] : memref<3328xi32, #tpu.memory_space<vmem>> -> memref<128xi32, #tpu.memory_space<vmem>>
    %dma_wait3A_319 = tpu.memref_slice %arg2[%multiple_of3A_61] : memref<106496xi32, #tpu.memory_space<hbm>> -> memref<128xi32, #tpu.memory_space<hbm>>
    %dma_wait3A_320 = arith.constant 640 : i32
    %dma_wait3A_321 = tpu.memref_slice %arg7[%dma_wait3A_320] : memref<3328xi32, #tpu.memory_space<vmem>> -> memref<128xi32, #tpu.memory_space<vmem>>
    %dma_wait3A_322 = tpu.memref_slice %arg2[%multiple_of3A_61] : memref<106496xi32, #tpu.memory_space<hbm>> -> memref<128xi32, #tpu.memory_space<hbm>>
    tpu.wait_dma2 semaphore(%arg12 : memref<!tpu.dma_semaphore, #tpu.memory_space<semaphore_mem>>) src(%dma_wait3A_322 : memref<128xi32, #tpu.memory_space<hbm>>) dst(%dma_wait3A_321 : memref<128xi32, #tpu.memory_space<vmem>>)
    %dma_wait3A_323 = arith.constant 768 : i32
    %dma_wait3A_324 = tpu.memref_slice %arg7[%dma_wait3A_323] : memref<3328xi32, #tpu.memory_space<vmem>> -> memref<128xi32, #tpu.memory_space<vmem>>
    %dma_wait3A_325 = tpu.memref_slice %arg2[%multiple_of3A_72] : memref<106496xi32, #tpu.memory_space<hbm>> -> memref<128xi32, #tpu.memory_space<hbm>>
    %dma_wait3A_326 = arith.constant 768 : i32
    %dma_wait3A_327 = tpu.memref_slice %arg7[%dma_wait3A_326] : memref<3328xi32, #tpu.memory_space<vmem>> -> memref<128xi32, #tpu.memory_space<vmem>>
    %dma_wait3A_328 = tpu.memref_slice %arg2[%multiple_of3A_72] : memref<106496xi32, #tpu.memory_space<hbm>> -> memref<128xi32, #tpu.memory_space<hbm>>
    tpu.wait_dma2 semaphore(%arg12 : memref<!tpu.dma_semaphore, #tpu.memory_space<semaphore_mem>>) src(%dma_wait3A_328 : memref<128xi32, #tpu.memory_space<hbm>>) dst(%dma_wait3A_327 : memref<128xi32, #tpu.memory_space<vmem>>)
    %dma_wait3A_329 = arith.constant 896 : i32
    %dma_wait3A_330 = tpu.memref_slice %arg7[%dma_wait3A_329] : memref<3328xi32, #tpu.memory_space<vmem>> -> memref<128xi32, #tpu.memory_space<vmem>>
    %dma_wait3A_331 = tpu.memref_slice %arg2[%multiple_of3A_83] : memref<106496xi32, #tpu.memory_space<hbm>> -> memref<128xi32, #tpu.memory_space<hbm>>
    %dma_wait3A_332 = arith.constant 896 : i32
    %dma_wait3A_333 = tpu.memref_slice %arg7[%dma_wait3A_332] : memref<3328xi32, #tpu.memory_space<vmem>> -> memref<128xi32, #tpu.memory_space<vmem>>
    %dma_wait3A_334 = tpu.memref_slice %arg2[%multiple_of3A_83] : memref<106496xi32, #tpu.memory_space<hbm>> -> memref<128xi32, #tpu.memory_space<hbm>>
    tpu.wait_dma2 semaphore(%arg12 : memref<!tpu.dma_semaphore, #tpu.memory_space<semaphore_mem>>) src(%dma_wait3A_334 : memref<128xi32, #tpu.memory_space<hbm>>) dst(%dma_wait3A_333 : memref<128xi32, #tpu.memory_space<vmem>>)
    %dma_wait3A_335 = arith.constant 1024 : i32
    %dma_wait3A_336 = tpu.memref_slice %arg7[%dma_wait3A_335] : memref<3328xi32, #tpu.memory_space<vmem>> -> memref<128xi32, #tpu.memory_space<vmem>>
    %dma_wait3A_337 = tpu.memref_slice %arg2[%multiple_of3A_94] : memref<106496xi32, #tpu.memory_space<hbm>> -> memref<128xi32, #tpu.memory_space<hbm>>
    %dma_wait3A_338 = arith.constant 1024 : i32
    %dma_wait3A_339 = tpu.memref_slice %arg7[%dma_wait3A_338] : memref<3328xi32, #tpu.memory_space<vmem>> -> memref<128xi32, #tpu.memory_space<vmem>>
    %dma_wait3A_340 = tpu.memref_slice %arg2[%multiple_of3A_94] : memref<106496xi32, #tpu.memory_space<hbm>> -> memref<128xi32, #tpu.memory_space<hbm>>
    tpu.wait_dma2 semaphore(%arg12 : memref<!tpu.dma_semaphore, #tpu.memory_space<semaphore_mem>>) src(%dma_wait3A_340 : memref<128xi32, #tpu.memory_space<hbm>>) dst(%dma_wait3A_339 : memref<128xi32, #tpu.memory_space<vmem>>)
    %dma_wait3A_341 = arith.constant 1152 : i32
    %dma_wait3A_342 = tpu.memref_slice %arg7[%dma_wait3A_341] : memref<3328xi32, #tpu.memory_space<vmem>> -> memref<128xi32, #tpu.memory_space<vmem>>
    %dma_wait3A_343 = tpu.memref_slice %arg2[%multiple_of3A_105] : memref<106496xi32, #tpu.memory_space<hbm>> -> memref<128xi32, #tpu.memory_space<hbm>>
    %dma_wait3A_344 = arith.constant 1152 : i32
    %dma_wait3A_345 = tpu.memref_slice %arg7[%dma_wait3A_344] : memref<3328xi32, #tpu.memory_space<vmem>> -> memref<128xi32, #tpu.memory_space<vmem>>
    %dma_wait3A_346 = tpu.memref_slice %arg2[%multiple_of3A_105] : memref<106496xi32, #tpu.memory_space<hbm>> -> memref<128xi32, #tpu.memory_space<hbm>>
    tpu.wait_dma2 semaphore(%arg12 : memref<!tpu.dma_semaphore, #tpu.memory_space<semaphore_mem>>) src(%dma_wait3A_346 : memref<128xi32, #tpu.memory_space<hbm>>) dst(%dma_wait3A_345 : memref<128xi32, #tpu.memory_space<vmem>>)
    %dma_wait3A_347 = arith.constant 1280 : i32
    %dma_wait3A_348 = tpu.memref_slice %arg7[%dma_wait3A_347] : memref<3328xi32, #tpu.memory_space<vmem>> -> memref<128xi32, #tpu.memory_space<vmem>>
    %dma_wait3A_349 = tpu.memref_slice %arg2[%multiple_of3A_116] : memref<106496xi32, #tpu.memory_space<hbm>> -> memref<128xi32, #tpu.memory_space<hbm>>
    %dma_wait3A_350 = arith.constant 1280 : i32
    %dma_wait3A_351 = tpu.memref_slice %arg7[%dma_wait3A_350] : memref<3328xi32, #tpu.memory_space<vmem>> -> memref<128xi32, #tpu.memory_space<vmem>>
    %dma_wait3A_352 = tpu.memref_slice %arg2[%multiple_of3A_116] : memref<106496xi32, #tpu.memory_space<hbm>> -> memref<128xi32, #tpu.memory_space<hbm>>
    tpu.wait_dma2 semaphore(%arg12 : memref<!tpu.dma_semaphore, #tpu.memory_space<semaphore_mem>>) src(%dma_wait3A_352 : memref<128xi32, #tpu.memory_space<hbm>>) dst(%dma_wait3A_351 : memref<128xi32, #tpu.memory_space<vmem>>)
    %dma_wait3A_353 = arith.constant 1408 : i32
    %dma_wait3A_354 = tpu.memref_slice %arg7[%dma_wait3A_353] : memref<3328xi32, #tpu.memory_space<vmem>> -> memref<128xi32, #tpu.memory_space<vmem>>
    %dma_wait3A_355 = tpu.memref_slice %arg2[%multiple_of3A_127] : memref<106496xi32, #tpu.memory_space<hbm>> -> memref<128xi32, #tpu.memory_space<hbm>>
    %dma_wait3A_356 = arith.constant 1408 : i32
    %dma_wait3A_357 = tpu.memref_slice %arg7[%dma_wait3A_356] : memref<3328xi32, #tpu.memory_space<vmem>> -> memref<128xi32, #tpu.memory_space<vmem>>
    %dma_wait3A_358 = tpu.memref_slice %arg2[%multiple_of3A_127] : memref<106496xi32, #tpu.memory_space<hbm>> -> memref<128xi32, #tpu.memory_space<hbm>>
    tpu.wait_dma2 semaphore(%arg12 : memref<!tpu.dma_semaphore, #tpu.memory_space<semaphore_mem>>) src(%dma_wait3A_358 : memref<128xi32, #tpu.memory_space<hbm>>) dst(%dma_wait3A_357 : memref<128xi32, #tpu.memory_space<vmem>>)
    %dma_wait3A_359 = arith.constant 1536 : i32
    %dma_wait3A_360 = tpu.memref_slice %arg7[%dma_wait3A_359] : memref<3328xi32, #tpu.memory_space<vmem>> -> memref<128xi32, #tpu.memory_space<vmem>>
    %dma_wait3A_361 = tpu.memref_slice %arg2[%multiple_of3A_138] : memref<106496xi32, #tpu.memory_space<hbm>> -> memref<128xi32, #tpu.memory_space<hbm>>
    %dma_wait3A_362 = arith.constant 1536 : i32
    %dma_wait3A_363 = tpu.memref_slice %arg7[%dma_wait3A_362] : memref<3328xi32, #tpu.memory_space<vmem>> -> memref<128xi32, #tpu.memory_space<vmem>>
    %dma_wait3A_364 = tpu.memref_slice %arg2[%multiple_of3A_138] : memref<106496xi32, #tpu.memory_space<hbm>> -> memref<128xi32, #tpu.memory_space<hbm>>
    tpu.wait_dma2 semaphore(%arg12 : memref<!tpu.dma_semaphore, #tpu.memory_space<semaphore_mem>>) src(%dma_wait3A_364 : memref<128xi32, #tpu.memory_space<hbm>>) dst(%dma_wait3A_363 : memref<128xi32, #tpu.memory_space<vmem>>)
    %dma_wait3A_365 = arith.constant 1664 : i32
    %dma_wait3A_366 = tpu.memref_slice %arg7[%dma_wait3A_365] : memref<3328xi32, #tpu.memory_space<vmem>> -> memref<128xi32, #tpu.memory_space<vmem>>
    %dma_wait3A_367 = tpu.memref_slice %arg2[%multiple_of3A_149] : memref<106496xi32, #tpu.memory_space<hbm>> -> memref<128xi32, #tpu.memory_space<hbm>>
    %dma_wait3A_368 = arith.constant 1664 : i32
    %dma_wait3A_369 = tpu.memref_slice %arg7[%dma_wait3A_368] : memref<3328xi32, #tpu.memory_space<vmem>> -> memref<128xi32, #tpu.memory_space<vmem>>
    %dma_wait3A_370 = tpu.memref_slice %arg2[%multiple_of3A_149] : memref<106496xi32, #tpu.memory_space<hbm>> -> memref<128xi32, #tpu.memory_space<hbm>>
    tpu.wait_dma2 semaphore(%arg12 : memref<!tpu.dma_semaphore, #tpu.memory_space<semaphore_mem>>) src(%dma_wait3A_370 : memref<128xi32, #tpu.memory_space<hbm>>) dst(%dma_wait3A_369 : memref<128xi32, #tpu.memory_space<vmem>>)
    %dma_wait3A_371 = arith.constant 1792 : i32
    %dma_wait3A_372 = tpu.memref_slice %arg7[%dma_wait3A_371] : memref<3328xi32, #tpu.memory_space<vmem>> -> memref<128xi32, #tpu.memory_space<vmem>>
    %dma_wait3A_373 = tpu.memref_slice %arg2[%multiple_of3A_160] : memref<106496xi32, #tpu.memory_space<hbm>> -> memref<128xi32, #tpu.memory_space<hbm>>
    %dma_wait3A_374 = arith.constant 1792 : i32
    %dma_wait3A_375 = tpu.memref_slice %arg7[%dma_wait3A_374] : memref<3328xi32, #tpu.memory_space<vmem>> -> memref<128xi32, #tpu.memory_space<vmem>>
    %dma_wait3A_376 = tpu.memref_slice %arg2[%multiple_of3A_160] : memref<106496xi32, #tpu.memory_space<hbm>> -> memref<128xi32, #tpu.memory_space<hbm>>
    tpu.wait_dma2 semaphore(%arg12 : memref<!tpu.dma_semaphore, #tpu.memory_space<semaphore_mem>>) src(%dma_wait3A_376 : memref<128xi32, #tpu.memory_space<hbm>>) dst(%dma_wait3A_375 : memref<128xi32, #tpu.memory_space<vmem>>)
    %dma_wait3A_377 = arith.constant 1920 : i32
    %dma_wait3A_378 = tpu.memref_slice %arg7[%dma_wait3A_377] : memref<3328xi32, #tpu.memory_space<vmem>> -> memref<128xi32, #tpu.memory_space<vmem>>
    %dma_wait3A_379 = tpu.memref_slice %arg2[%multiple_of3A_171] : memref<106496xi32, #tpu.memory_space<hbm>> -> memref<128xi32, #tpu.memory_space<hbm>>
    %dma_wait3A_380 = arith.constant 1920 : i32
    %dma_wait3A_381 = tpu.memref_slice %arg7[%dma_wait3A_380] : memref<3328xi32, #tpu.memory_space<vmem>> -> memref<128xi32, #tpu.memory_space<vmem>>
    %dma_wait3A_382 = tpu.memref_slice %arg2[%multiple_of3A_171] : memref<106496xi32, #tpu.memory_space<hbm>> -> memref<128xi32, #tpu.memory_space<hbm>>
    tpu.wait_dma2 semaphore(%arg12 : memref<!tpu.dma_semaphore, #tpu.memory_space<semaphore_mem>>) src(%dma_wait3A_382 : memref<128xi32, #tpu.memory_space<hbm>>) dst(%dma_wait3A_381 : memref<128xi32, #tpu.memory_space<vmem>>)
    %dma_wait3A_383 = arith.constant 2048 : i32
    %dma_wait3A_384 = tpu.memref_slice %arg7[%dma_wait3A_383] : memref<3328xi32, #tpu.memory_space<vmem>> -> memref<128xi32, #tpu.memory_space<vmem>>
    %dma_wait3A_385 = tpu.memref_slice %arg2[%multiple_of3A_182] : memref<106496xi32, #tpu.memory_space<hbm>> -> memref<128xi32, #tpu.memory_space<hbm>>
    %dma_wait3A_386 = arith.constant 2048 : i32
    %dma_wait3A_387 = tpu.memref_slice %arg7[%dma_wait3A_386] : memref<3328xi32, #tpu.memory_space<vmem>> -> memref<128xi32, #tpu.memory_space<vmem>>
    %dma_wait3A_388 = tpu.memref_slice %arg2[%multiple_of3A_182] : memref<106496xi32, #tpu.memory_space<hbm>> -> memref<128xi32, #tpu.memory_space<hbm>>
    tpu.wait_dma2 semaphore(%arg12 : memref<!tpu.dma_semaphore, #tpu.memory_space<semaphore_mem>>) src(%dma_wait3A_388 : memref<128xi32, #tpu.memory_space<hbm>>) dst(%dma_wait3A_387 : memref<128xi32, #tpu.memory_space<vmem>>)
    %dma_wait3A_389 = arith.constant 2176 : i32
    %dma_wait3A_390 = tpu.memref_slice %arg7[%dma_wait3A_389] : memref<3328xi32, #tpu.memory_space<vmem>> -> memref<128xi32, #tpu.memory_space<vmem>>
    %dma_wait3A_391 = tpu.memref_slice %arg2[%multiple_of3A_193] : memref<106496xi32, #tpu.memory_space<hbm>> -> memref<128xi32, #tpu.memory_space<hbm>>
    %dma_wait3A_392 = arith.constant 2176 : i32
    %dma_wait3A_393 = tpu.memref_slice %arg7[%dma_wait3A_392] : memref<3328xi32, #tpu.memory_space<vmem>> -> memref<128xi32, #tpu.memory_space<vmem>>
    %dma_wait3A_394 = tpu.memref_slice %arg2[%multiple_of3A_193] : memref<106496xi32, #tpu.memory_space<hbm>> -> memref<128xi32, #tpu.memory_space<hbm>>
    tpu.wait_dma2 semaphore(%arg12 : memref<!tpu.dma_semaphore, #tpu.memory_space<semaphore_mem>>) src(%dma_wait3A_394 : memref<128xi32, #tpu.memory_space<hbm>>) dst(%dma_wait3A_393 : memref<128xi32, #tpu.memory_space<vmem>>)
    %dma_wait3A_395 = arith.constant 2304 : i32
    %dma_wait3A_396 = tpu.memref_slice %arg7[%dma_wait3A_395] : memref<3328xi32, #tpu.memory_space<vmem>> -> memref<128xi32, #tpu.memory_space<vmem>>
    %dma_wait3A_397 = tpu.memref_slice %arg2[%multiple_of3A_204] : memref<106496xi32, #tpu.memory_space<hbm>> -> memref<128xi32, #tpu.memory_space<hbm>>
    %dma_wait3A_398 = arith.constant 2304 : i32
    %dma_wait3A_399 = tpu.memref_slice %arg7[%dma_wait3A_398] : memref<3328xi32, #tpu.memory_space<vmem>> -> memref<128xi32, #tpu.memory_space<vmem>>
    %dma_wait3A_400 = tpu.memref_slice %arg2[%multiple_of3A_204] : memref<106496xi32, #tpu.memory_space<hbm>> -> memref<128xi32, #tpu.memory_space<hbm>>
    tpu.wait_dma2 semaphore(%arg12 : memref<!tpu.dma_semaphore, #tpu.memory_space<semaphore_mem>>) src(%dma_wait3A_400 : memref<128xi32, #tpu.memory_space<hbm>>) dst(%dma_wait3A_399 : memref<128xi32, #tpu.memory_space<vmem>>)
    %dma_wait3A_401 = arith.constant 2432 : i32
    %dma_wait3A_402 = tpu.memref_slice %arg7[%dma_wait3A_401] : memref<3328xi32, #tpu.memory_space<vmem>> -> memref<128xi32, #tpu.memory_space<vmem>>
    %dma_wait3A_403 = tpu.memref_slice %arg2[%multiple_of3A_215] : memref<106496xi32, #tpu.memory_space<hbm>> -> memref<128xi32, #tpu.memory_space<hbm>>
    %dma_wait3A_404 = arith.constant 2432 : i32
    %dma_wait3A_405 = tpu.memref_slice %arg7[%dma_wait3A_404] : memref<3328xi32, #tpu.memory_space<vmem>> -> memref<128xi32, #tpu.memory_space<vmem>>
    %dma_wait3A_406 = tpu.memref_slice %arg2[%multiple_of3A_215] : memref<106496xi32, #tpu.memory_space<hbm>> -> memref<128xi32, #tpu.memory_space<hbm>>
    tpu.wait_dma2 semaphore(%arg12 : memref<!tpu.dma_semaphore, #tpu.memory_space<semaphore_mem>>) src(%dma_wait3A_406 : memref<128xi32, #tpu.memory_space<hbm>>) dst(%dma_wait3A_405 : memref<128xi32, #tpu.memory_space<vmem>>)
    %dma_wait3A_407 = arith.constant 2560 : i32
    %dma_wait3A_408 = tpu.memref_slice %arg7[%dma_wait3A_407] : memref<3328xi32, #tpu.memory_space<vmem>> -> memref<128xi32, #tpu.memory_space<vmem>>
    %dma_wait3A_409 = tpu.memref_slice %arg2[%multiple_of3A_226] : memref<106496xi32, #tpu.memory_space<hbm>> -> memref<128xi32, #tpu.memory_space<hbm>>
    %dma_wait3A_410 = arith.constant 2560 : i32
    %dma_wait3A_411 = tpu.memref_slice %arg7[%dma_wait3A_410] : memref<3328xi32, #tpu.memory_space<vmem>> -> memref<128xi32, #tpu.memory_space<vmem>>
    %dma_wait3A_412 = tpu.memref_slice %arg2[%multiple_of3A_226] : memref<106496xi32, #tpu.memory_space<hbm>> -> memref<128xi32, #tpu.memory_space<hbm>>
    tpu.wait_dma2 semaphore(%arg12 : memref<!tpu.dma_semaphore, #tpu.memory_space<semaphore_mem>>) src(%dma_wait3A_412 : memref<128xi32, #tpu.memory_space<hbm>>) dst(%dma_wait3A_411 : memref<128xi32, #tpu.memory_space<vmem>>)
    %dma_wait3A_413 = arith.constant 2688 : i32
    %dma_wait3A_414 = tpu.memref_slice %arg7[%dma_wait3A_413] : memref<3328xi32, #tpu.memory_space<vmem>> -> memref<128xi32, #tpu.memory_space<vmem>>
    %dma_wait3A_415 = tpu.memref_slice %arg2[%multiple_of3A_237] : memref<106496xi32, #tpu.memory_space<hbm>> -> memref<128xi32, #tpu.memory_space<hbm>>
    %dma_wait3A_416 = arith.constant 2688 : i32
    %dma_wait3A_417 = tpu.memref_slice %arg7[%dma_wait3A_416] : memref<3328xi32, #tpu.memory_space<vmem>> -> memref<128xi32, #tpu.memory_space<vmem>>
    %dma_wait3A_418 = tpu.memref_slice %arg2[%multiple_of3A_237] : memref<106496xi32, #tpu.memory_space<hbm>> -> memref<128xi32, #tpu.memory_space<hbm>>
    tpu.wait_dma2 semaphore(%arg12 : memref<!tpu.dma_semaphore, #tpu.memory_space<semaphore_mem>>) src(%dma_wait3A_418 : memref<128xi32, #tpu.memory_space<hbm>>) dst(%dma_wait3A_417 : memref<128xi32, #tpu.memory_space<vmem>>)
    %dma_wait3A_419 = arith.constant 2816 : i32
    %dma_wait3A_420 = tpu.memref_slice %arg7[%dma_wait3A_419] : memref<3328xi32, #tpu.memory_space<vmem>> -> memref<128xi32, #tpu.memory_space<vmem>>
    %dma_wait3A_421 = tpu.memref_slice %arg2[%multiple_of3A_248] : memref<106496xi32, #tpu.memory_space<hbm>> -> memref<128xi32, #tpu.memory_space<hbm>>
    %dma_wait3A_422 = arith.constant 2816 : i32
    %dma_wait3A_423 = tpu.memref_slice %arg7[%dma_wait3A_422] : memref<3328xi32, #tpu.memory_space<vmem>> -> memref<128xi32, #tpu.memory_space<vmem>>
    %dma_wait3A_424 = tpu.memref_slice %arg2[%multiple_of3A_248] : memref<106496xi32, #tpu.memory_space<hbm>> -> memref<128xi32, #tpu.memory_space<hbm>>
    tpu.wait_dma2 semaphore(%arg12 : memref<!tpu.dma_semaphore, #tpu.memory_space<semaphore_mem>>) src(%dma_wait3A_424 : memref<128xi32, #tpu.memory_space<hbm>>) dst(%dma_wait3A_423 : memref<128xi32, #tpu.memory_space<vmem>>)
    %dma_wait3A_425 = arith.constant 2944 : i32
    %dma_wait3A_426 = tpu.memref_slice %arg7[%dma_wait3A_425] : memref<3328xi32, #tpu.memory_space<vmem>> -> memref<128xi32, #tpu.memory_space<vmem>>
    %dma_wait3A_427 = tpu.memref_slice %arg2[%multiple_of3A_259] : memref<106496xi32, #tpu.memory_space<hbm>> -> memref<128xi32, #tpu.memory_space<hbm>>
    %dma_wait3A_428 = arith.constant 2944 : i32
    %dma_wait3A_429 = tpu.memref_slice %arg7[%dma_wait3A_428] : memref<3328xi32, #tpu.memory_space<vmem>> -> memref<128xi32, #tpu.memory_space<vmem>>
    %dma_wait3A_430 = tpu.memref_slice %arg2[%multiple_of3A_259] : memref<106496xi32, #tpu.memory_space<hbm>> -> memref<128xi32, #tpu.memory_space<hbm>>
    tpu.wait_dma2 semaphore(%arg12 : memref<!tpu.dma_semaphore, #tpu.memory_space<semaphore_mem>>) src(%dma_wait3A_430 : memref<128xi32, #tpu.memory_space<hbm>>) dst(%dma_wait3A_429 : memref<128xi32, #tpu.memory_space<vmem>>)
    %dma_wait3A_431 = arith.constant 3072 : i32
    %dma_wait3A_432 = tpu.memref_slice %arg7[%dma_wait3A_431] : memref<3328xi32, #tpu.memory_space<vmem>> -> memref<128xi32, #tpu.memory_space<vmem>>
    %dma_wait3A_433 = tpu.memref_slice %arg2[%multiple_of3A_270] : memref<106496xi32, #tpu.memory_space<hbm>> -> memref<128xi32, #tpu.memory_space<hbm>>
    %dma_wait3A_434 = arith.constant 3072 : i32
    %dma_wait3A_435 = tpu.memref_slice %arg7[%dma_wait3A_434] : memref<3328xi32, #tpu.memory_space<vmem>> -> memref<128xi32, #tpu.memory_space<vmem>>
    %dma_wait3A_436 = tpu.memref_slice %arg2[%multiple_of3A_270] : memref<106496xi32, #tpu.memory_space<hbm>> -> memref<128xi32, #tpu.memory_space<hbm>>
    tpu.wait_dma2 semaphore(%arg12 : memref<!tpu.dma_semaphore, #tpu.memory_space<semaphore_mem>>) src(%dma_wait3A_436 : memref<128xi32, #tpu.memory_space<hbm>>) dst(%dma_wait3A_435 : memref<128xi32, #tpu.memory_space<vmem>>)
    %dma_wait3A_437 = arith.constant 3200 : i32
    %dma_wait3A_438 = tpu.memref_slice %arg7[%dma_wait3A_437] : memref<3328xi32, #tpu.memory_space<vmem>> -> memref<128xi32, #tpu.memory_space<vmem>>
    %dma_wait3A_439 = tpu.memref_slice %arg2[%multiple_of3A_281] : memref<106496xi32, #tpu.memory_space<hbm>> -> memref<128xi32, #tpu.memory_space<hbm>>
    %dma_wait3A_440 = arith.constant 3200 : i32
    %dma_wait3A_441 = tpu.memref_slice %arg7[%dma_wait3A_440] : memref<3328xi32, #tpu.memory_space<vmem>> -> memref<128xi32, #tpu.memory_space<vmem>>
    %dma_wait3A_442 = tpu.memref_slice %arg2[%multiple_of3A_281] : memref<106496xi32, #tpu.memory_space<hbm>> -> memref<128xi32, #tpu.memory_space<hbm>>
    tpu.wait_dma2 semaphore(%arg12 : memref<!tpu.dma_semaphore, #tpu.memory_space<semaphore_mem>>) src(%dma_wait3A_442 : memref<128xi32, #tpu.memory_space<hbm>>) dst(%dma_wait3A_441 : memref<128xi32, #tpu.memory_space<vmem>>)
    %scan3A = arith.constant 0 : i32
    %scan3A_443 = arith.constant 0 : i32
    %scan3A_444 = arith.constant 208 : i32
    %scan3A_445 = arith.addi %scan3A_443, %scan3A_444 : i32
    %scan3A_446 = arith.constant 1 : i32
    scf.for %scan3A_1491 = %scan3A_443 to %scan3A_445 step %scan3A_446  : i32 {
      %mul3A_1492 = arith.constant 16 : i32
      %mul3A_1493 = arith.muli %scan3A_1491, %mul3A_1492 : i32
      %multiple_of3A_1494 = tpu.assume_multiple %mul3A_1493, 8 : i32
      %get3A_1495 = arith.index_cast %multiple_of3A_1494 : i32 to index
      %get3A_1496 = tpu.vector_load %arg7[%get3A_1495] {strides = array<i32>} : memref<3328xi32, #tpu.memory_space<vmem>>, vector<16xi32>,
      %get3A_1497 = arith.index_cast %multiple_of3A_1494 : i32 to index
      %get3A_1498 = tpu.vector_load %arg8[%get3A_1497] {strides = array<i32>} : memref<3328xi32, #tpu.memory_space<vmem>>, vector<16xi32>,
      %add3A_1499 = arith.addi %get3A_1496, %get3A_1498 : vector<16xi32>
      %swap3A_1500 = arith.index_cast %multiple_of3A_1494 : i32 to index
      %swap3A_1501 = tpu.vector_load %arg7[%swap3A_1500] {strides = array<i32>} : memref<3328xi32, #tpu.memory_space<vmem>>, vector<16xi32>,
      tpu.vector_store %arg7[%swap3A_1500], %add3A_1499 {strides = array<i32>} : memref<3328xi32, #tpu.memory_space<vmem>>, vector<16xi32>,
    }
    %scan3A_447 = arith.constant 208 : i32
    %dma_start3A_448 = arith.constant 0 : i32
    %dma_start3A_449 = tpu.memref_slice %arg9[%dma_start3A_448] : memref<3328xf32, #tpu.memory_space<vmem>> -> memref<128xf32, #tpu.memory_space<vmem>>
    %dma_start3A_450 = arith.constant 0 : i32
    %dma_start3A_451 = tpu.memref_slice %arg7[%dma_start3A_450] : memref<3328xi32, #tpu.memory_space<vmem>> -> memref<128xi32, #tpu.memory_space<vmem>>
    %dma_start3A_452 = arith.constant 0 : i32
    %dma_start3A_453 = tpu.memref_slice %arg4[%dma_start3A_452] : memref<2609152xf32, #tpu.memory_space<hbm>> -> memref<2609152xf32, #tpu.memory_space<hbm>>
    tpu.enqueue_indirect_dma source(%dma_start3A_453 : memref<2609152xf32, #tpu.memory_space<hbm>>) target(%dma_start3A_449 : memref<128xf32, #tpu.memory_space<vmem>>) offsets(%dma_start3A_451 : memref<128xi32, #tpu.memory_space<vmem>>) semaphore(%arg13 : memref<!tpu.dma_semaphore, #tpu.memory_space<semaphore_mem>>)
    %dma_start3A_454 = arith.constant 128 : i32
    %dma_start3A_455 = tpu.memref_slice %arg9[%dma_start3A_454] : memref<3328xf32, #tpu.memory_space<vmem>> -> memref<128xf32, #tpu.memory_space<vmem>>
    %dma_start3A_456 = arith.constant 128 : i32
    %dma_start3A_457 = tpu.memref_slice %arg7[%dma_start3A_456] : memref<3328xi32, #tpu.memory_space<vmem>> -> memref<128xi32, #tpu.memory_space<vmem>>
    %dma_start3A_458 = arith.constant 0 : i32
    %dma_start3A_459 = tpu.memref_slice %arg4[%dma_start3A_458] : memref<2609152xf32, #tpu.memory_space<hbm>> -> memref<2609152xf32, #tpu.memory_space<hbm>>
    tpu.enqueue_indirect_dma source(%dma_start3A_459 : memref<2609152xf32, #tpu.memory_space<hbm>>) target(%dma_start3A_455 : memref<128xf32, #tpu.memory_space<vmem>>) offsets(%dma_start3A_457 : memref<128xi32, #tpu.memory_space<vmem>>) semaphore(%arg13 : memref<!tpu.dma_semaphore, #tpu.memory_space<semaphore_mem>>)
    %dma_start3A_460 = arith.constant 256 : i32
    %dma_start3A_461 = tpu.memref_slice %arg9[%dma_start3A_460] : memref<3328xf32, #tpu.memory_space<vmem>> -> memref<128xf32, #tpu.memory_space<vmem>>
    %dma_start3A_462 = arith.constant 256 : i32
    %dma_start3A_463 = tpu.memref_slice %arg7[%dma_start3A_462] : memref<3328xi32, #tpu.memory_space<vmem>> -> memref<128xi32, #tpu.memory_space<vmem>>
    %dma_start3A_464 = arith.constant 0 : i32
    %dma_start3A_465 = tpu.memref_slice %arg4[%dma_start3A_464] : memref<2609152xf32, #tpu.memory_space<hbm>> -> memref<2609152xf32, #tpu.memory_space<hbm>>
    tpu.enqueue_indirect_dma source(%dma_start3A_465 : memref<2609152xf32, #tpu.memory_space<hbm>>) target(%dma_start3A_461 : memref<128xf32, #tpu.memory_space<vmem>>) offsets(%dma_start3A_463 : memref<128xi32, #tpu.memory_space<vmem>>) semaphore(%arg13 : memref<!tpu.dma_semaphore, #tpu.memory_space<semaphore_mem>>)
    %dma_start3A_466 = arith.constant 384 : i32
    %dma_start3A_467 = tpu.memref_slice %arg9[%dma_start3A_466] : memref<3328xf32, #tpu.memory_space<vmem>> -> memref<128xf32, #tpu.memory_space<vmem>>
    %dma_start3A_468 = arith.constant 384 : i32
    %dma_start3A_469 = tpu.memref_slice %arg7[%dma_start3A_468] : memref<3328xi32, #tpu.memory_space<vmem>> -> memref<128xi32, #tpu.memory_space<vmem>>
    %dma_start3A_470 = arith.constant 0 : i32
    %dma_start3A_471 = tpu.memref_slice %arg4[%dma_start3A_470] : memref<2609152xf32, #tpu.memory_space<hbm>> -> memref<2609152xf32, #tpu.memory_space<hbm>>
    tpu.enqueue_indirect_dma source(%dma_start3A_471 : memref<2609152xf32, #tpu.memory_space<hbm>>) target(%dma_start3A_467 : memref<128xf32, #tpu.memory_space<vmem>>) offsets(%dma_start3A_469 : memref<128xi32, #tpu.memory_space<vmem>>) semaphore(%arg13 : memref<!tpu.dma_semaphore, #tpu.memory_space<semaphore_mem>>)
    %dma_start3A_472 = arith.constant 512 : i32
    %dma_start3A_473 = tpu.memref_slice %arg9[%dma_start3A_472] : memref<3328xf32, #tpu.memory_space<vmem>> -> memref<128xf32, #tpu.memory_space<vmem>>
    %dma_start3A_474 = arith.constant 512 : i32
    %dma_start3A_475 = tpu.memref_slice %arg7[%dma_start3A_474] : memref<3328xi32, #tpu.memory_space<vmem>> -> memref<128xi32, #tpu.memory_space<vmem>>
    %dma_start3A_476 = arith.constant 0 : i32
    %dma_start3A_477 = tpu.memref_slice %arg4[%dma_start3A_476] : memref<2609152xf32, #tpu.memory_space<hbm>> -> memref<2609152xf32, #tpu.memory_space<hbm>>
    tpu.enqueue_indirect_dma source(%dma_start3A_477 : memref<2609152xf32, #tpu.memory_space<hbm>>) target(%dma_start3A_473 : memref<128xf32, #tpu.memory_space<vmem>>) offsets(%dma_start3A_475 : memref<128xi32, #tpu.memory_space<vmem>>) semaphore(%arg13 : memref<!tpu.dma_semaphore, #tpu.memory_space<semaphore_mem>>)
    %dma_start3A_478 = arith.constant 640 : i32
    %dma_start3A_479 = tpu.memref_slice %arg9[%dma_start3A_478] : memref<3328xf32, #tpu.memory_space<vmem>> -> memref<128xf32, #tpu.memory_space<vmem>>
    %dma_start3A_480 = arith.constant 640 : i32
    %dma_start3A_481 = tpu.memref_slice %arg7[%dma_start3A_480] : memref<3328xi32, #tpu.memory_space<vmem>> -> memref<128xi32, #tpu.memory_space<vmem>>
    %dma_start3A_482 = arith.constant 0 : i32
    %dma_start3A_483 = tpu.memref_slice %arg4[%dma_start3A_482] : memref<2609152xf32, #tpu.memory_space<hbm>> -> memref<2609152xf32, #tpu.memory_space<hbm>>
    tpu.enqueue_indirect_dma source(%dma_start3A_483 : memref<2609152xf32, #tpu.memory_space<hbm>>) target(%dma_start3A_479 : memref<128xf32, #tpu.memory_space<vmem>>) offsets(%dma_start3A_481 : memref<128xi32, #tpu.memory_space<vmem>>) semaphore(%arg13 : memref<!tpu.dma_semaphore, #tpu.memory_space<semaphore_mem>>)
    %dma_start3A_484 = arith.constant 768 : i32
    %dma_start3A_485 = tpu.memref_slice %arg9[%dma_start3A_484] : memref<3328xf32, #tpu.memory_space<vmem>> -> memref<128xf32, #tpu.memory_space<vmem>>
    %dma_start3A_486 = arith.constant 768 : i32
    %dma_start3A_487 = tpu.memref_slice %arg7[%dma_start3A_486] : memref<3328xi32, #tpu.memory_space<vmem>> -> memref<128xi32, #tpu.memory_space<vmem>>
    %dma_start3A_488 = arith.constant 0 : i32
    %dma_start3A_489 = tpu.memref_slice %arg4[%dma_start3A_488] : memref<2609152xf32, #tpu.memory_space<hbm>> -> memref<2609152xf32, #tpu.memory_space<hbm>>
    tpu.enqueue_indirect_dma source(%dma_start3A_489 : memref<2609152xf32, #tpu.memory_space<hbm>>) target(%dma_start3A_485 : memref<128xf32, #tpu.memory_space<vmem>>) offsets(%dma_start3A_487 : memref<128xi32, #tpu.memory_space<vmem>>) semaphore(%arg13 : memref<!tpu.dma_semaphore, #tpu.memory_space<semaphore_mem>>)
    %dma_start3A_490 = arith.constant 896 : i32
    %dma_start3A_491 = tpu.memref_slice %arg9[%dma_start3A_490] : memref<3328xf32, #tpu.memory_space<vmem>> -> memref<128xf32, #tpu.memory_space<vmem>>
    %dma_start3A_492 = arith.constant 896 : i32
    %dma_start3A_493 = tpu.memref_slice %arg7[%dma_start3A_492] : memref<3328xi32, #tpu.memory_space<vmem>> -> memref<128xi32, #tpu.memory_space<vmem>>
    %dma_start3A_494 = arith.constant 0 : i32
    %dma_start3A_495 = tpu.memref_slice %arg4[%dma_start3A_494] : memref<2609152xf32, #tpu.memory_space<hbm>> -> memref<2609152xf32, #tpu.memory_space<hbm>>
    tpu.enqueue_indirect_dma source(%dma_start3A_495 : memref<2609152xf32, #tpu.memory_space<hbm>>) target(%dma_start3A_491 : memref<128xf32, #tpu.memory_space<vmem>>) offsets(%dma_start3A_493 : memref<128xi32, #tpu.memory_space<vmem>>) semaphore(%arg13 : memref<!tpu.dma_semaphore, #tpu.memory_space<semaphore_mem>>)
    %dma_start3A_496 = arith.constant 1024 : i32
    %dma_start3A_497 = tpu.memref_slice %arg9[%dma_start3A_496] : memref<3328xf32, #tpu.memory_space<vmem>> -> memref<128xf32, #tpu.memory_space<vmem>>
    %dma_start3A_498 = arith.constant 1024 : i32
    %dma_start3A_499 = tpu.memref_slice %arg7[%dma_start3A_498] : memref<3328xi32, #tpu.memory_space<vmem>> -> memref<128xi32, #tpu.memory_space<vmem>>
    %dma_start3A_500 = arith.constant 0 : i32
    %dma_start3A_501 = tpu.memref_slice %arg4[%dma_start3A_500] : memref<2609152xf32, #tpu.memory_space<hbm>> -> memref<2609152xf32, #tpu.memory_space<hbm>>
    tpu.enqueue_indirect_dma source(%dma_start3A_501 : memref<2609152xf32, #tpu.memory_space<hbm>>) target(%dma_start3A_497 : memref<128xf32, #tpu.memory_space<vmem>>) offsets(%dma_start3A_499 : memref<128xi32, #tpu.memory_space<vmem>>) semaphore(%arg13 : memref<!tpu.dma_semaphore, #tpu.memory_space<semaphore_mem>>)
    %dma_start3A_502 = arith.constant 1152 : i32
    %dma_start3A_503 = tpu.memref_slice %arg9[%dma_start3A_502] : memref<3328xf32, #tpu.memory_space<vmem>> -> memref<128xf32, #tpu.memory_space<vmem>>
    %dma_start3A_504 = arith.constant 1152 : i32
    %dma_start3A_505 = tpu.memref_slice %arg7[%dma_start3A_504] : memref<3328xi32, #tpu.memory_space<vmem>> -> memref<128xi32, #tpu.memory_space<vmem>>
    %dma_start3A_506 = arith.constant 0 : i32
    %dma_start3A_507 = tpu.memref_slice %arg4[%dma_start3A_506] : memref<2609152xf32, #tpu.memory_space<hbm>> -> memref<2609152xf32, #tpu.memory_space<hbm>>
    tpu.enqueue_indirect_dma source(%dma_start3A_507 : memref<2609152xf32, #tpu.memory_space<hbm>>) target(%dma_start3A_503 : memref<128xf32, #tpu.memory_space<vmem>>) offsets(%dma_start3A_505 : memref<128xi32, #tpu.memory_space<vmem>>) semaphore(%arg13 : memref<!tpu.dma_semaphore, #tpu.memory_space<semaphore_mem>>)
    %dma_start3A_508 = arith.constant 1280 : i32
    %dma_start3A_509 = tpu.memref_slice %arg9[%dma_start3A_508] : memref<3328xf32, #tpu.memory_space<vmem>> -> memref<128xf32, #tpu.memory_space<vmem>>
    %dma_start3A_510 = arith.constant 1280 : i32
    %dma_start3A_511 = tpu.memref_slice %arg7[%dma_start3A_510] : memref<3328xi32, #tpu.memory_space<vmem>> -> memref<128xi32, #tpu.memory_space<vmem>>
    %dma_start3A_512 = arith.constant 0 : i32
    %dma_start3A_513 = tpu.memref_slice %arg4[%dma_start3A_512] : memref<2609152xf32, #tpu.memory_space<hbm>> -> memref<2609152xf32, #tpu.memory_space<hbm>>
    tpu.enqueue_indirect_dma source(%dma_start3A_513 : memref<2609152xf32, #tpu.memory_space<hbm>>) target(%dma_start3A_509 : memref<128xf32, #tpu.memory_space<vmem>>) offsets(%dma_start3A_511 : memref<128xi32, #tpu.memory_space<vmem>>) semaphore(%arg13 : memref<!tpu.dma_semaphore, #tpu.memory_space<semaphore_mem>>)
    %dma_start3A_514 = arith.constant 1408 : i32
    %dma_start3A_515 = tpu.memref_slice %arg9[%dma_start3A_514] : memref<3328xf32, #tpu.memory_space<vmem>> -> memref<128xf32, #tpu.memory_space<vmem>>
    %dma_start3A_516 = arith.constant 1408 : i32
    %dma_start3A_517 = tpu.memref_slice %arg7[%dma_start3A_516] : memref<3328xi32, #tpu.memory_space<vmem>> -> memref<128xi32, #tpu.memory_space<vmem>>
    %dma_start3A_518 = arith.constant 0 : i32
    %dma_start3A_519 = tpu.memref_slice %arg4[%dma_start3A_518] : memref<2609152xf32, #tpu.memory_space<hbm>> -> memref<2609152xf32, #tpu.memory_space<hbm>>
    tpu.enqueue_indirect_dma source(%dma_start3A_519 : memref<2609152xf32, #tpu.memory_space<hbm>>) target(%dma_start3A_515 : memref<128xf32, #tpu.memory_space<vmem>>) offsets(%dma_start3A_517 : memref<128xi32, #tpu.memory_space<vmem>>) semaphore(%arg13 : memref<!tpu.dma_semaphore, #tpu.memory_space<semaphore_mem>>)
    %dma_start3A_520 = arith.constant 1536 : i32
    %dma_start3A_521 = tpu.memref_slice %arg9[%dma_start3A_520] : memref<3328xf32, #tpu.memory_space<vmem>> -> memref<128xf32, #tpu.memory_space<vmem>>
    %dma_start3A_522 = arith.constant 1536 : i32
    %dma_start3A_523 = tpu.memref_slice %arg7[%dma_start3A_522] : memref<3328xi32, #tpu.memory_space<vmem>> -> memref<128xi32, #tpu.memory_space<vmem>>
    %dma_start3A_524 = arith.constant 0 : i32
    %dma_start3A_525 = tpu.memref_slice %arg4[%dma_start3A_524] : memref<2609152xf32, #tpu.memory_space<hbm>> -> memref<2609152xf32, #tpu.memory_space<hbm>>
    tpu.enqueue_indirect_dma source(%dma_start3A_525 : memref<2609152xf32, #tpu.memory_space<hbm>>) target(%dma_start3A_521 : memref<128xf32, #tpu.memory_space<vmem>>) offsets(%dma_start3A_523 : memref<128xi32, #tpu.memory_space<vmem>>) semaphore(%arg13 : memref<!tpu.dma_semaphore, #tpu.memory_space<semaphore_mem>>)
    %dma_start3A_526 = arith.constant 1664 : i32
    %dma_start3A_527 = tpu.memref_slice %arg9[%dma_start3A_526] : memref<3328xf32, #tpu.memory_space<vmem>> -> memref<128xf32, #tpu.memory_space<vmem>>
    %dma_start3A_528 = arith.constant 1664 : i32
    %dma_start3A_529 = tpu.memref_slice %arg7[%dma_start3A_528] : memref<3328xi32, #tpu.memory_space<vmem>> -> memref<128xi32, #tpu.memory_space<vmem>>
    %dma_start3A_530 = arith.constant 0 : i32
    %dma_start3A_531 = tpu.memref_slice %arg4[%dma_start3A_530] : memref<2609152xf32, #tpu.memory_space<hbm>> -> memref<2609152xf32, #tpu.memory_space<hbm>>
    tpu.enqueue_indirect_dma source(%dma_start3A_531 : memref<2609152xf32, #tpu.memory_space<hbm>>) target(%dma_start3A_527 : memref<128xf32, #tpu.memory_space<vmem>>) offsets(%dma_start3A_529 : memref<128xi32, #tpu.memory_space<vmem>>) semaphore(%arg13 : memref<!tpu.dma_semaphore, #tpu.memory_space<semaphore_mem>>)
    %dma_start3A_532 = arith.constant 1792 : i32
    %dma_start3A_533 = tpu.memref_slice %arg9[%dma_start3A_532] : memref<3328xf32, #tpu.memory_space<vmem>> -> memref<128xf32, #tpu.memory_space<vmem>>
    %dma_start3A_534 = arith.constant 1792 : i32
    %dma_start3A_535 = tpu.memref_slice %arg7[%dma_start3A_534] : memref<3328xi32, #tpu.memory_space<vmem>> -> memref<128xi32, #tpu.memory_space<vmem>>
    %dma_start3A_536 = arith.constant 0 : i32
    %dma_start3A_537 = tpu.memref_slice %arg4[%dma_start3A_536] : memref<2609152xf32, #tpu.memory_space<hbm>> -> memref<2609152xf32, #tpu.memory_space<hbm>>
    tpu.enqueue_indirect_dma source(%dma_start3A_537 : memref<2609152xf32, #tpu.memory_space<hbm>>) target(%dma_start3A_533 : memref<128xf32, #tpu.memory_space<vmem>>) offsets(%dma_start3A_535 : memref<128xi32, #tpu.memory_space<vmem>>) semaphore(%arg13 : memref<!tpu.dma_semaphore, #tpu.memory_space<semaphore_mem>>)
    %dma_start3A_538 = arith.constant 1920 : i32
    %dma_start3A_539 = tpu.memref_slice %arg9[%dma_start3A_538] : memref<3328xf32, #tpu.memory_space<vmem>> -> memref<128xf32, #tpu.memory_space<vmem>>
    %dma_start3A_540 = arith.constant 1920 : i32
    %dma_start3A_541 = tpu.memref_slice %arg7[%dma_start3A_540] : memref<3328xi32, #tpu.memory_space<vmem>> -> memref<128xi32, #tpu.memory_space<vmem>>
    %dma_start3A_542 = arith.constant 0 : i32
    %dma_start3A_543 = tpu.memref_slice %arg4[%dma_start3A_542] : memref<2609152xf32, #tpu.memory_space<hbm>> -> memref<2609152xf32, #tpu.memory_space<hbm>>
    tpu.enqueue_indirect_dma source(%dma_start3A_543 : memref<2609152xf32, #tpu.memory_space<hbm>>) target(%dma_start3A_539 : memref<128xf32, #tpu.memory_space<vmem>>) offsets(%dma_start3A_541 : memref<128xi32, #tpu.memory_space<vmem>>) semaphore(%arg13 : memref<!tpu.dma_semaphore, #tpu.memory_space<semaphore_mem>>)
    %dma_start3A_544 = arith.constant 2048 : i32
    %dma_start3A_545 = tpu.memref_slice %arg9[%dma_start3A_544] : memref<3328xf32, #tpu.memory_space<vmem>> -> memref<128xf32, #tpu.memory_space<vmem>>
    %dma_start3A_546 = arith.constant 2048 : i32
    %dma_start3A_547 = tpu.memref_slice %arg7[%dma_start3A_546] : memref<3328xi32, #tpu.memory_space<vmem>> -> memref<128xi32, #tpu.memory_space<vmem>>
    %dma_start3A_548 = arith.constant 0 : i32
    %dma_start3A_549 = tpu.memref_slice %arg4[%dma_start3A_548] : memref<2609152xf32, #tpu.memory_space<hbm>> -> memref<2609152xf32, #tpu.memory_space<hbm>>
    tpu.enqueue_indirect_dma source(%dma_start3A_549 : memref<2609152xf32, #tpu.memory_space<hbm>>) target(%dma_start3A_545 : memref<128xf32, #tpu.memory_space<vmem>>) offsets(%dma_start3A_547 : memref<128xi32, #tpu.memory_space<vmem>>) semaphore(%arg13 : memref<!tpu.dma_semaphore, #tpu.memory_space<semaphore_mem>>)
    %dma_start3A_550 = arith.constant 2176 : i32
    %dma_start3A_551 = tpu.memref_slice %arg9[%dma_start3A_550] : memref<3328xf32, #tpu.memory_space<vmem>> -> memref<128xf32, #tpu.memory_space<vmem>>
    %dma_start3A_552 = arith.constant 2176 : i32
    %dma_start3A_553 = tpu.memref_slice %arg7[%dma_start3A_552] : memref<3328xi32, #tpu.memory_space<vmem>> -> memref<128xi32, #tpu.memory_space<vmem>>
    %dma_start3A_554 = arith.constant 0 : i32
    %dma_start3A_555 = tpu.memref_slice %arg4[%dma_start3A_554] : memref<2609152xf32, #tpu.memory_space<hbm>> -> memref<2609152xf32, #tpu.memory_space<hbm>>
    tpu.enqueue_indirect_dma source(%dma_start3A_555 : memref<2609152xf32, #tpu.memory_space<hbm>>) target(%dma_start3A_551 : memref<128xf32, #tpu.memory_space<vmem>>) offsets(%dma_start3A_553 : memref<128xi32, #tpu.memory_space<vmem>>) semaphore(%arg13 : memref<!tpu.dma_semaphore, #tpu.memory_space<semaphore_mem>>)
    %dma_start3A_556 = arith.constant 2304 : i32
    %dma_start3A_557 = tpu.memref_slice %arg9[%dma_start3A_556] : memref<3328xf32, #tpu.memory_space<vmem>> -> memref<128xf32, #tpu.memory_space<vmem>>
    %dma_start3A_558 = arith.constant 2304 : i32
    %dma_start3A_559 = tpu.memref_slice %arg7[%dma_start3A_558] : memref<3328xi32, #tpu.memory_space<vmem>> -> memref<128xi32, #tpu.memory_space<vmem>>
    %dma_start3A_560 = arith.constant 0 : i32
    %dma_start3A_561 = tpu.memref_slice %arg4[%dma_start3A_560] : memref<2609152xf32, #tpu.memory_space<hbm>> -> memref<2609152xf32, #tpu.memory_space<hbm>>
    tpu.enqueue_indirect_dma source(%dma_start3A_561 : memref<2609152xf32, #tpu.memory_space<hbm>>) target(%dma_start3A_557 : memref<128xf32, #tpu.memory_space<vmem>>) offsets(%dma_start3A_559 : memref<128xi32, #tpu.memory_space<vmem>>) semaphore(%arg13 : memref<!tpu.dma_semaphore, #tpu.memory_space<semaphore_mem>>)
    %dma_start3A_562 = arith.constant 2432 : i32
    %dma_start3A_563 = tpu.memref_slice %arg9[%dma_start3A_562] : memref<3328xf32, #tpu.memory_space<vmem>> -> memref<128xf32, #tpu.memory_space<vmem>>
    %dma_start3A_564 = arith.constant 2432 : i32
    %dma_start3A_565 = tpu.memref_slice %arg7[%dma_start3A_564] : memref<3328xi32, #tpu.memory_space<vmem>> -> memref<128xi32, #tpu.memory_space<vmem>>
    %dma_start3A_566 = arith.constant 0 : i32
    %dma_start3A_567 = tpu.memref_slice %arg4[%dma_start3A_566] : memref<2609152xf32, #tpu.memory_space<hbm>> -> memref<2609152xf32, #tpu.memory_space<hbm>>
    tpu.enqueue_indirect_dma source(%dma_start3A_567 : memref<2609152xf32, #tpu.memory_space<hbm>>) target(%dma_start3A_563 : memref<128xf32, #tpu.memory_space<vmem>>) offsets(%dma_start3A_565 : memref<128xi32, #tpu.memory_space<vmem>>) semaphore(%arg13 : memref<!tpu.dma_semaphore, #tpu.memory_space<semaphore_mem>>)
    %dma_start3A_568 = arith.constant 2560 : i32
    %dma_start3A_569 = tpu.memref_slice %arg9[%dma_start3A_568] : memref<3328xf32, #tpu.memory_space<vmem>> -> memref<128xf32, #tpu.memory_space<vmem>>
    %dma_start3A_570 = arith.constant 2560 : i32
    %dma_start3A_571 = tpu.memref_slice %arg7[%dma_start3A_570] : memref<3328xi32, #tpu.memory_space<vmem>> -> memref<128xi32, #tpu.memory_space<vmem>>
    %dma_start3A_572 = arith.constant 0 : i32
    %dma_start3A_573 = tpu.memref_slice %arg4[%dma_start3A_572] : memref<2609152xf32, #tpu.memory_space<hbm>> -> memref<2609152xf32, #tpu.memory_space<hbm>>
    tpu.enqueue_indirect_dma source(%dma_start3A_573 : memref<2609152xf32, #tpu.memory_space<hbm>>) target(%dma_start3A_569 : memref<128xf32, #tpu.memory_space<vmem>>) offsets(%dma_start3A_571 : memref<128xi32, #tpu.memory_space<vmem>>) semaphore(%arg13 : memref<!tpu.dma_semaphore, #tpu.memory_space<semaphore_mem>>)
    %dma_start3A_574 = arith.constant 2688 : i32
    %dma_start3A_575 = tpu.memref_slice %arg9[%dma_start3A_574] : memref<3328xf32, #tpu.memory_space<vmem>> -> memref<128xf32, #tpu.memory_space<vmem>>
    %dma_start3A_576 = arith.constant 2688 : i32
    %dma_start3A_577 = tpu.memref_slice %arg7[%dma_start3A_576] : memref<3328xi32, #tpu.memory_space<vmem>> -> memref<128xi32, #tpu.memory_space<vmem>>
    %dma_start3A_578 = arith.constant 0 : i32
    %dma_start3A_579 = tpu.memref_slice %arg4[%dma_start3A_578] : memref<2609152xf32, #tpu.memory_space<hbm>> -> memref<2609152xf32, #tpu.memory_space<hbm>>
    tpu.enqueue_indirect_dma source(%dma_start3A_579 : memref<2609152xf32, #tpu.memory_space<hbm>>) target(%dma_start3A_575 : memref<128xf32, #tpu.memory_space<vmem>>) offsets(%dma_start3A_577 : memref<128xi32, #tpu.memory_space<vmem>>) semaphore(%arg13 : memref<!tpu.dma_semaphore, #tpu.memory_space<semaphore_mem>>)
    %dma_start3A_580 = arith.constant 2816 : i32
    %dma_start3A_581 = tpu.memref_slice %arg9[%dma_start3A_580] : memref<3328xf32, #tpu.memory_space<vmem>> -> memref<128xf32, #tpu.memory_space<vmem>>
    %dma_start3A_582 = arith.constant 2816 : i32
    %dma_start3A_583 = tpu.memref_slice %arg7[%dma_start3A_582] : memref<3328xi32, #tpu.memory_space<vmem>> -> memref<128xi32, #tpu.memory_space<vmem>>
    %dma_start3A_584 = arith.constant 0 : i32
    %dma_start3A_585 = tpu.memref_slice %arg4[%dma_start3A_584] : memref<2609152xf32, #tpu.memory_space<hbm>> -> memref<2609152xf32, #tpu.memory_space<hbm>>
    tpu.enqueue_indirect_dma source(%dma_start3A_585 : memref<2609152xf32, #tpu.memory_space<hbm>>) target(%dma_start3A_581 : memref<128xf32, #tpu.memory_space<vmem>>) offsets(%dma_start3A_583 : memref<128xi32, #tpu.memory_space<vmem>>) semaphore(%arg13 : memref<!tpu.dma_semaphore, #tpu.memory_space<semaphore_mem>>)
    %dma_start3A_586 = arith.constant 2944 : i32
    %dma_start3A_587 = tpu.memref_slice %arg9[%dma_start3A_586] : memref<3328xf32, #tpu.memory_space<vmem>> -> memref<128xf32, #tpu.memory_space<vmem>>
    %dma_start3A_588 = arith.constant 2944 : i32
    %dma_start3A_589 = tpu.memref_slice %arg7[%dma_start3A_588] : memref<3328xi32, #tpu.memory_space<vmem>> -> memref<128xi32, #tpu.memory_space<vmem>>
    %dma_start3A_590 = arith.constant 0 : i32
    %dma_start3A_591 = tpu.memref_slice %arg4[%dma_start3A_590] : memref<2609152xf32, #tpu.memory_space<hbm>> -> memref<2609152xf32, #tpu.memory_space<hbm>>
    tpu.enqueue_indirect_dma source(%dma_start3A_591 : memref<2609152xf32, #tpu.memory_space<hbm>>) target(%dma_start3A_587 : memref<128xf32, #tpu.memory_space<vmem>>) offsets(%dma_start3A_589 : memref<128xi32, #tpu.memory_space<vmem>>) semaphore(%arg13 : memref<!tpu.dma_semaphore, #tpu.memory_space<semaphore_mem>>)
    %dma_start3A_592 = arith.constant 3072 : i32
    %dma_start3A_593 = tpu.memref_slice %arg9[%dma_start3A_592] : memref<3328xf32, #tpu.memory_space<vmem>> -> memref<128xf32, #tpu.memory_space<vmem>>
    %dma_start3A_594 = arith.constant 3072 : i32
    %dma_start3A_595 = tpu.memref_slice %arg7[%dma_start3A_594] : memref<3328xi32, #tpu.memory_space<vmem>> -> memref<128xi32, #tpu.memory_space<vmem>>
    %dma_start3A_596 = arith.constant 0 : i32
    %dma_start3A_597 = tpu.memref_slice %arg4[%dma_start3A_596] : memref<2609152xf32, #tpu.memory_space<hbm>> -> memref<2609152xf32, #tpu.memory_space<hbm>>
    tpu.enqueue_indirect_dma source(%dma_start3A_597 : memref<2609152xf32, #tpu.memory_space<hbm>>) target(%dma_start3A_593 : memref<128xf32, #tpu.memory_space<vmem>>) offsets(%dma_start3A_595 : memref<128xi32, #tpu.memory_space<vmem>>) semaphore(%arg13 : memref<!tpu.dma_semaphore, #tpu.memory_space<semaphore_mem>>)
    %dma_start3A_598 = arith.constant 3200 : i32
    %dma_start3A_599 = tpu.memref_slice %arg9[%dma_start3A_598] : memref<3328xf32, #tpu.memory_space<vmem>> -> memref<128xf32, #tpu.memory_space<vmem>>
    %dma_start3A_600 = arith.constant 3200 : i32
    %dma_start3A_601 = tpu.memref_slice %arg7[%dma_start3A_600] : memref<3328xi32, #tpu.memory_space<vmem>> -> memref<128xi32, #tpu.memory_space<vmem>>
    %dma_start3A_602 = arith.constant 0 : i32
    %dma_start3A_603 = tpu.memref_slice %arg4[%dma_start3A_602] : memref<2609152xf32, #tpu.memory_space<hbm>> -> memref<2609152xf32, #tpu.memory_space<hbm>>
    tpu.enqueue_indirect_dma source(%dma_start3A_603 : memref<2609152xf32, #tpu.memory_space<hbm>>) target(%dma_start3A_599 : memref<128xf32, #tpu.memory_space<vmem>>) offsets(%dma_start3A_601 : memref<128xi32, #tpu.memory_space<vmem>>) semaphore(%arg13 : memref<!tpu.dma_semaphore, #tpu.memory_space<semaphore_mem>>)
    %dma_wait3A_604 = arith.constant 0 : i32
    %dma_wait3A_605 = tpu.memref_slice %arg9[%dma_wait3A_604] : memref<3328xf32, #tpu.memory_space<vmem>> -> memref<128xf32, #tpu.memory_space<vmem>>
    %dma_wait3A_606 = arith.constant 0 : i32
    %dma_wait3A_607 = tpu.memref_slice %arg7[%dma_wait3A_606] : memref<3328xi32, #tpu.memory_space<vmem>> -> memref<128xi32, #tpu.memory_space<vmem>>
    %dma_wait3A_608 = arith.constant 0 : i32
    %dma_wait3A_609 = tpu.memref_slice %arg4[%dma_wait3A_608] : memref<2609152xf32, #tpu.memory_space<hbm>> -> memref<2609152xf32, #tpu.memory_space<hbm>>
    tpu.wait_indirect_dma semaphore(%arg13 : memref<!tpu.dma_semaphore, #tpu.memory_space<semaphore_mem>>) src(%dma_wait3A_609 : memref<2609152xf32, #tpu.memory_space<hbm>>) dst(%dma_wait3A_605 : memref<128xf32, #tpu.memory_space<vmem>>)
    %dma_wait3A_610 = arith.constant 128 : i32
    %dma_wait3A_611 = tpu.memref_slice %arg9[%dma_wait3A_610] : memref<3328xf32, #tpu.memory_space<vmem>> -> memref<128xf32, #tpu.memory_space<vmem>>
    %dma_wait3A_612 = arith.constant 128 : i32
    %dma_wait3A_613 = tpu.memref_slice %arg7[%dma_wait3A_612] : memref<3328xi32, #tpu.memory_space<vmem>> -> memref<128xi32, #tpu.memory_space<vmem>>
    %dma_wait3A_614 = arith.constant 0 : i32
    %dma_wait3A_615 = tpu.memref_slice %arg4[%dma_wait3A_614] : memref<2609152xf32, #tpu.memory_space<hbm>> -> memref<2609152xf32, #tpu.memory_space<hbm>>
    tpu.wait_indirect_dma semaphore(%arg13 : memref<!tpu.dma_semaphore, #tpu.memory_space<semaphore_mem>>) src(%dma_wait3A_615 : memref<2609152xf32, #tpu.memory_space<hbm>>) dst(%dma_wait3A_611 : memref<128xf32, #tpu.memory_space<vmem>>)
    %dma_wait3A_616 = arith.constant 256 : i32
    %dma_wait3A_617 = tpu.memref_slice %arg9[%dma_wait3A_616] : memref<3328xf32, #tpu.memory_space<vmem>> -> memref<128xf32, #tpu.memory_space<vmem>>
    %dma_wait3A_618 = arith.constant 256 : i32
    %dma_wait3A_619 = tpu.memref_slice %arg7[%dma_wait3A_618] : memref<3328xi32, #tpu.memory_space<vmem>> -> memref<128xi32, #tpu.memory_space<vmem>>
    %dma_wait3A_620 = arith.constant 0 : i32
    %dma_wait3A_621 = tpu.memref_slice %arg4[%dma_wait3A_620] : memref<2609152xf32, #tpu.memory_space<hbm>> -> memref<2609152xf32, #tpu.memory_space<hbm>>
    tpu.wait_indirect_dma semaphore(%arg13 : memref<!tpu.dma_semaphore, #tpu.memory_space<semaphore_mem>>) src(%dma_wait3A_621 : memref<2609152xf32, #tpu.memory_space<hbm>>) dst(%dma_wait3A_617 : memref<128xf32, #tpu.memory_space<vmem>>)
    %dma_wait3A_622 = arith.constant 384 : i32
    %dma_wait3A_623 = tpu.memref_slice %arg9[%dma_wait3A_622] : memref<3328xf32, #tpu.memory_space<vmem>> -> memref<128xf32, #tpu.memory_space<vmem>>
    %dma_wait3A_624 = arith.constant 384 : i32
    %dma_wait3A_625 = tpu.memref_slice %arg7[%dma_wait3A_624] : memref<3328xi32, #tpu.memory_space<vmem>> -> memref<128xi32, #tpu.memory_space<vmem>>
    %dma_wait3A_626 = arith.constant 0 : i32
    %dma_wait3A_627 = tpu.memref_slice %arg4[%dma_wait3A_626] : memref<2609152xf32, #tpu.memory_space<hbm>> -> memref<2609152xf32, #tpu.memory_space<hbm>>
    tpu.wait_indirect_dma semaphore(%arg13 : memref<!tpu.dma_semaphore, #tpu.memory_space<semaphore_mem>>) src(%dma_wait3A_627 : memref<2609152xf32, #tpu.memory_space<hbm>>) dst(%dma_wait3A_623 : memref<128xf32, #tpu.memory_space<vmem>>)
    %dma_wait3A_628 = arith.constant 512 : i32
    %dma_wait3A_629 = tpu.memref_slice %arg9[%dma_wait3A_628] : memref<3328xf32, #tpu.memory_space<vmem>> -> memref<128xf32, #tpu.memory_space<vmem>>
    %dma_wait3A_630 = arith.constant 512 : i32
    %dma_wait3A_631 = tpu.memref_slice %arg7[%dma_wait3A_630] : memref<3328xi32, #tpu.memory_space<vmem>> -> memref<128xi32, #tpu.memory_space<vmem>>
    %dma_wait3A_632 = arith.constant 0 : i32
    %dma_wait3A_633 = tpu.memref_slice %arg4[%dma_wait3A_632] : memref<2609152xf32, #tpu.memory_space<hbm>> -> memref<2609152xf32, #tpu.memory_space<hbm>>
    tpu.wait_indirect_dma semaphore(%arg13 : memref<!tpu.dma_semaphore, #tpu.memory_space<semaphore_mem>>) src(%dma_wait3A_633 : memref<2609152xf32, #tpu.memory_space<hbm>>) dst(%dma_wait3A_629 : memref<128xf32, #tpu.memory_space<vmem>>)
    %dma_wait3A_634 = arith.constant 640 : i32
    %dma_wait3A_635 = tpu.memref_slice %arg9[%dma_wait3A_634] : memref<3328xf32, #tpu.memory_space<vmem>> -> memref<128xf32, #tpu.memory_space<vmem>>
    %dma_wait3A_636 = arith.constant 640 : i32
    %dma_wait3A_637 = tpu.memref_slice %arg7[%dma_wait3A_636] : memref<3328xi32, #tpu.memory_space<vmem>> -> memref<128xi32, #tpu.memory_space<vmem>>
    %dma_wait3A_638 = arith.constant 0 : i32
    %dma_wait3A_639 = tpu.memref_slice %arg4[%dma_wait3A_638] : memref<2609152xf32, #tpu.memory_space<hbm>> -> memref<2609152xf32, #tpu.memory_space<hbm>>
    tpu.wait_indirect_dma semaphore(%arg13 : memref<!tpu.dma_semaphore, #tpu.memory_space<semaphore_mem>>) src(%dma_wait3A_639 : memref<2609152xf32, #tpu.memory_space<hbm>>) dst(%dma_wait3A_635 : memref<128xf32, #tpu.memory_space<vmem>>)
    %dma_wait3A_640 = arith.constant 768 : i32
    %dma_wait3A_641 = tpu.memref_slice %arg9[%dma_wait3A_640] : memref<3328xf32, #tpu.memory_space<vmem>> -> memref<128xf32, #tpu.memory_space<vmem>>
    %dma_wait3A_642 = arith.constant 768 : i32
    %dma_wait3A_643 = tpu.memref_slice %arg7[%dma_wait3A_642] : memref<3328xi32, #tpu.memory_space<vmem>> -> memref<128xi32, #tpu.memory_space<vmem>>
    %dma_wait3A_644 = arith.constant 0 : i32
    %dma_wait3A_645 = tpu.memref_slice %arg4[%dma_wait3A_644] : memref<2609152xf32, #tpu.memory_space<hbm>> -> memref<2609152xf32, #tpu.memory_space<hbm>>
    tpu.wait_indirect_dma semaphore(%arg13 : memref<!tpu.dma_semaphore, #tpu.memory_space<semaphore_mem>>) src(%dma_wait3A_645 : memref<2609152xf32, #tpu.memory_space<hbm>>) dst(%dma_wait3A_641 : memref<128xf32, #tpu.memory_space<vmem>>)
    %dma_wait3A_646 = arith.constant 896 : i32
    %dma_wait3A_647 = tpu.memref_slice %arg9[%dma_wait3A_646] : memref<3328xf32, #tpu.memory_space<vmem>> -> memref<128xf32, #tpu.memory_space<vmem>>
    %dma_wait3A_648 = arith.constant 896 : i32
    %dma_wait3A_649 = tpu.memref_slice %arg7[%dma_wait3A_648] : memref<3328xi32, #tpu.memory_space<vmem>> -> memref<128xi32, #tpu.memory_space<vmem>>
    %dma_wait3A_650 = arith.constant 0 : i32
    %dma_wait3A_651 = tpu.memref_slice %arg4[%dma_wait3A_650] : memref<2609152xf32, #tpu.memory_space<hbm>> -> memref<2609152xf32, #tpu.memory_space<hbm>>
    tpu.wait_indirect_dma semaphore(%arg13 : memref<!tpu.dma_semaphore, #tpu.memory_space<semaphore_mem>>) src(%dma_wait3A_651 : memref<2609152xf32, #tpu.memory_space<hbm>>) dst(%dma_wait3A_647 : memref<128xf32, #tpu.memory_space<vmem>>)
    %dma_wait3A_652 = arith.constant 1024 : i32
    %dma_wait3A_653 = tpu.memref_slice %arg9[%dma_wait3A_652] : memref<3328xf32, #tpu.memory_space<vmem>> -> memref<128xf32, #tpu.memory_space<vmem>>
    %dma_wait3A_654 = arith.constant 1024 : i32
    %dma_wait3A_655 = tpu.memref_slice %arg7[%dma_wait3A_654] : memref<3328xi32, #tpu.memory_space<vmem>> -> memref<128xi32, #tpu.memory_space<vmem>>
    %dma_wait3A_656 = arith.constant 0 : i32
    %dma_wait3A_657 = tpu.memref_slice %arg4[%dma_wait3A_656] : memref<2609152xf32, #tpu.memory_space<hbm>> -> memref<2609152xf32, #tpu.memory_space<hbm>>
    tpu.wait_indirect_dma semaphore(%arg13 : memref<!tpu.dma_semaphore, #tpu.memory_space<semaphore_mem>>) src(%dma_wait3A_657 : memref<2609152xf32, #tpu.memory_space<hbm>>) dst(%dma_wait3A_653 : memref<128xf32, #tpu.memory_space<vmem>>)
    %dma_wait3A_658 = arith.constant 1152 : i32
    %dma_wait3A_659 = tpu.memref_slice %arg9[%dma_wait3A_658] : memref<3328xf32, #tpu.memory_space<vmem>> -> memref<128xf32, #tpu.memory_space<vmem>>
    %dma_wait3A_660 = arith.constant 1152 : i32
    %dma_wait3A_661 = tpu.memref_slice %arg7[%dma_wait3A_660] : memref<3328xi32, #tpu.memory_space<vmem>> -> memref<128xi32, #tpu.memory_space<vmem>>
    %dma_wait3A_662 = arith.constant 0 : i32
    %dma_wait3A_663 = tpu.memref_slice %arg4[%dma_wait3A_662] : memref<2609152xf32, #tpu.memory_space<hbm>> -> memref<2609152xf32, #tpu.memory_space<hbm>>
    tpu.wait_indirect_dma semaphore(%arg13 : memref<!tpu.dma_semaphore, #tpu.memory_space<semaphore_mem>>) src(%dma_wait3A_663 : memref<2609152xf32, #tpu.memory_space<hbm>>) dst(%dma_wait3A_659 : memref<128xf32, #tpu.memory_space<vmem>>)
    %dma_wait3A_664 = arith.constant 1280 : i32
    %dma_wait3A_665 = tpu.memref_slice %arg9[%dma_wait3A_664] : memref<3328xf32, #tpu.memory_space<vmem>> -> memref<128xf32, #tpu.memory_space<vmem>>
    %dma_wait3A_666 = arith.constant 1280 : i32
    %dma_wait3A_667 = tpu.memref_slice %arg7[%dma_wait3A_666] : memref<3328xi32, #tpu.memory_space<vmem>> -> memref<128xi32, #tpu.memory_space<vmem>>
    %dma_wait3A_668 = arith.constant 0 : i32
    %dma_wait3A_669 = tpu.memref_slice %arg4[%dma_wait3A_668] : memref<2609152xf32, #tpu.memory_space<hbm>> -> memref<2609152xf32, #tpu.memory_space<hbm>>
    tpu.wait_indirect_dma semaphore(%arg13 : memref<!tpu.dma_semaphore, #tpu.memory_space<semaphore_mem>>) src(%dma_wait3A_669 : memref<2609152xf32, #tpu.memory_space<hbm>>) dst(%dma_wait3A_665 : memref<128xf32, #tpu.memory_space<vmem>>)
    %dma_wait3A_670 = arith.constant 1408 : i32
    %dma_wait3A_671 = tpu.memref_slice %arg9[%dma_wait3A_670] : memref<3328xf32, #tpu.memory_space<vmem>> -> memref<128xf32, #tpu.memory_space<vmem>>
    %dma_wait3A_672 = arith.constant 1408 : i32
    %dma_wait3A_673 = tpu.memref_slice %arg7[%dma_wait3A_672] : memref<3328xi32, #tpu.memory_space<vmem>> -> memref<128xi32, #tpu.memory_space<vmem>>
    %dma_wait3A_674 = arith.constant 0 : i32
    %dma_wait3A_675 = tpu.memref_slice %arg4[%dma_wait3A_674] : memref<2609152xf32, #tpu.memory_space<hbm>> -> memref<2609152xf32, #tpu.memory_space<hbm>>
    tpu.wait_indirect_dma semaphore(%arg13 : memref<!tpu.dma_semaphore, #tpu.memory_space<semaphore_mem>>) src(%dma_wait3A_675 : memref<2609152xf32, #tpu.memory_space<hbm>>) dst(%dma_wait3A_671 : memref<128xf32, #tpu.memory_space<vmem>>)
    %dma_wait3A_676 = arith.constant 1536 : i32
    %dma_wait3A_677 = tpu.memref_slice %arg9[%dma_wait3A_676] : memref<3328xf32, #tpu.memory_space<vmem>> -> memref<128xf32, #tpu.memory_space<vmem>>
    %dma_wait3A_678 = arith.constant 1536 : i32
    %dma_wait3A_679 = tpu.memref_slice %arg7[%dma_wait3A_678] : memref<3328xi32, #tpu.memory_space<vmem>> -> memref<128xi32, #tpu.memory_space<vmem>>
    %dma_wait3A_680 = arith.constant 0 : i32
    %dma_wait3A_681 = tpu.memref_slice %arg4[%dma_wait3A_680] : memref<2609152xf32, #tpu.memory_space<hbm>> -> memref<2609152xf32, #tpu.memory_space<hbm>>
    tpu.wait_indirect_dma semaphore(%arg13 : memref<!tpu.dma_semaphore, #tpu.memory_space<semaphore_mem>>) src(%dma_wait3A_681 : memref<2609152xf32, #tpu.memory_space<hbm>>) dst(%dma_wait3A_677 : memref<128xf32, #tpu.memory_space<vmem>>)
    %dma_wait3A_682 = arith.constant 1664 : i32
    %dma_wait3A_683 = tpu.memref_slice %arg9[%dma_wait3A_682] : memref<3328xf32, #tpu.memory_space<vmem>> -> memref<128xf32, #tpu.memory_space<vmem>>
    %dma_wait3A_684 = arith.constant 1664 : i32
    %dma_wait3A_685 = tpu.memref_slice %arg7[%dma_wait3A_684] : memref<3328xi32, #tpu.memory_space<vmem>> -> memref<128xi32, #tpu.memory_space<vmem>>
    %dma_wait3A_686 = arith.constant 0 : i32
    %dma_wait3A_687 = tpu.memref_slice %arg4[%dma_wait3A_686] : memref<2609152xf32, #tpu.memory_space<hbm>> -> memref<2609152xf32, #tpu.memory_space<hbm>>
    tpu.wait_indirect_dma semaphore(%arg13 : memref<!tpu.dma_semaphore, #tpu.memory_space<semaphore_mem>>) src(%dma_wait3A_687 : memref<2609152xf32, #tpu.memory_space<hbm>>) dst(%dma_wait3A_683 : memref<128xf32, #tpu.memory_space<vmem>>)
    %dma_wait3A_688 = arith.constant 1792 : i32
    %dma_wait3A_689 = tpu.memref_slice %arg9[%dma_wait3A_688] : memref<3328xf32, #tpu.memory_space<vmem>> -> memref<128xf32, #tpu.memory_space<vmem>>
    %dma_wait3A_690 = arith.constant 1792 : i32
    %dma_wait3A_691 = tpu.memref_slice %arg7[%dma_wait3A_690] : memref<3328xi32, #tpu.memory_space<vmem>> -> memref<128xi32, #tpu.memory_space<vmem>>
    %dma_wait3A_692 = arith.constant 0 : i32
    %dma_wait3A_693 = tpu.memref_slice %arg4[%dma_wait3A_692] : memref<2609152xf32, #tpu.memory_space<hbm>> -> memref<2609152xf32, #tpu.memory_space<hbm>>
    tpu.wait_indirect_dma semaphore(%arg13 : memref<!tpu.dma_semaphore, #tpu.memory_space<semaphore_mem>>) src(%dma_wait3A_693 : memref<2609152xf32, #tpu.memory_space<hbm>>) dst(%dma_wait3A_689 : memref<128xf32, #tpu.memory_space<vmem>>)
    %dma_wait3A_694 = arith.constant 1920 : i32
    %dma_wait3A_695 = tpu.memref_slice %arg9[%dma_wait3A_694] : memref<3328xf32, #tpu.memory_space<vmem>> -> memref<128xf32, #tpu.memory_space<vmem>>
    %dma_wait3A_696 = arith.constant 1920 : i32
    %dma_wait3A_697 = tpu.memref_slice %arg7[%dma_wait3A_696] : memref<3328xi32, #tpu.memory_space<vmem>> -> memref<128xi32, #tpu.memory_space<vmem>>
    %dma_wait3A_698 = arith.constant 0 : i32
    %dma_wait3A_699 = tpu.memref_slice %arg4[%dma_wait3A_698] : memref<2609152xf32, #tpu.memory_space<hbm>> -> memref<2609152xf32, #tpu.memory_space<hbm>>
    tpu.wait_indirect_dma semaphore(%arg13 : memref<!tpu.dma_semaphore, #tpu.memory_space<semaphore_mem>>) src(%dma_wait3A_699 : memref<2609152xf32, #tpu.memory_space<hbm>>) dst(%dma_wait3A_695 : memref<128xf32, #tpu.memory_space<vmem>>)
    %dma_wait3A_700 = arith.constant 2048 : i32
    %dma_wait3A_701 = tpu.memref_slice %arg9[%dma_wait3A_700] : memref<3328xf32, #tpu.memory_space<vmem>> -> memref<128xf32, #tpu.memory_space<vmem>>
    %dma_wait3A_702 = arith.constant 2048 : i32
    %dma_wait3A_703 = tpu.memref_slice %arg7[%dma_wait3A_702] : memref<3328xi32, #tpu.memory_space<vmem>> -> memref<128xi32, #tpu.memory_space<vmem>>
    %dma_wait3A_704 = arith.constant 0 : i32
    %dma_wait3A_705 = tpu.memref_slice %arg4[%dma_wait3A_704] : memref<2609152xf32, #tpu.memory_space<hbm>> -> memref<2609152xf32, #tpu.memory_space<hbm>>
    tpu.wait_indirect_dma semaphore(%arg13 : memref<!tpu.dma_semaphore, #tpu.memory_space<semaphore_mem>>) src(%dma_wait3A_705 : memref<2609152xf32, #tpu.memory_space<hbm>>) dst(%dma_wait3A_701 : memref<128xf32, #tpu.memory_space<vmem>>)
    %dma_wait3A_706 = arith.constant 2176 : i32
    %dma_wait3A_707 = tpu.memref_slice %arg9[%dma_wait3A_706] : memref<3328xf32, #tpu.memory_space<vmem>> -> memref<128xf32, #tpu.memory_space<vmem>>
    %dma_wait3A_708 = arith.constant 2176 : i32
    %dma_wait3A_709 = tpu.memref_slice %arg7[%dma_wait3A_708] : memref<3328xi32, #tpu.memory_space<vmem>> -> memref<128xi32, #tpu.memory_space<vmem>>
    %dma_wait3A_710 = arith.constant 0 : i32
    %dma_wait3A_711 = tpu.memref_slice %arg4[%dma_wait3A_710] : memref<2609152xf32, #tpu.memory_space<hbm>> -> memref<2609152xf32, #tpu.memory_space<hbm>>
    tpu.wait_indirect_dma semaphore(%arg13 : memref<!tpu.dma_semaphore, #tpu.memory_space<semaphore_mem>>) src(%dma_wait3A_711 : memref<2609152xf32, #tpu.memory_space<hbm>>) dst(%dma_wait3A_707 : memref<128xf32, #tpu.memory_space<vmem>>)
    %dma_wait3A_712 = arith.constant 2304 : i32
    %dma_wait3A_713 = tpu.memref_slice %arg9[%dma_wait3A_712] : memref<3328xf32, #tpu.memory_space<vmem>> -> memref<128xf32, #tpu.memory_space<vmem>>
    %dma_wait3A_714 = arith.constant 2304 : i32
    %dma_wait3A_715 = tpu.memref_slice %arg7[%dma_wait3A_714] : memref<3328xi32, #tpu.memory_space<vmem>> -> memref<128xi32, #tpu.memory_space<vmem>>
    %dma_wait3A_716 = arith.constant 0 : i32
    %dma_wait3A_717 = tpu.memref_slice %arg4[%dma_wait3A_716] : memref<2609152xf32, #tpu.memory_space<hbm>> -> memref<2609152xf32, #tpu.memory_space<hbm>>
    tpu.wait_indirect_dma semaphore(%arg13 : memref<!tpu.dma_semaphore, #tpu.memory_space<semaphore_mem>>) src(%dma_wait3A_717 : memref<2609152xf32, #tpu.memory_space<hbm>>) dst(%dma_wait3A_713 : memref<128xf32, #tpu.memory_space<vmem>>)
    %dma_wait3A_718 = arith.constant 2432 : i32
    %dma_wait3A_719 = tpu.memref_slice %arg9[%dma_wait3A_718] : memref<3328xf32, #tpu.memory_space<vmem>> -> memref<128xf32, #tpu.memory_space<vmem>>
    %dma_wait3A_720 = arith.constant 2432 : i32
    %dma_wait3A_721 = tpu.memref_slice %arg7[%dma_wait3A_720] : memref<3328xi32, #tpu.memory_space<vmem>> -> memref<128xi32, #tpu.memory_space<vmem>>
    %dma_wait3A_722 = arith.constant 0 : i32
    %dma_wait3A_723 = tpu.memref_slice %arg4[%dma_wait3A_722] : memref<2609152xf32, #tpu.memory_space<hbm>> -> memref<2609152xf32, #tpu.memory_space<hbm>>
    tpu.wait_indirect_dma semaphore(%arg13 : memref<!tpu.dma_semaphore, #tpu.memory_space<semaphore_mem>>) src(%dma_wait3A_723 : memref<2609152xf32, #tpu.memory_space<hbm>>) dst(%dma_wait3A_719 : memref<128xf32, #tpu.memory_space<vmem>>)
    %dma_wait3A_724 = arith.constant 2560 : i32
    %dma_wait3A_725 = tpu.memref_slice %arg9[%dma_wait3A_724] : memref<3328xf32, #tpu.memory_space<vmem>> -> memref<128xf32, #tpu.memory_space<vmem>>
    %dma_wait3A_726 = arith.constant 2560 : i32
    %dma_wait3A_727 = tpu.memref_slice %arg7[%dma_wait3A_726] : memref<3328xi32, #tpu.memory_space<vmem>> -> memref<128xi32, #tpu.memory_space<vmem>>
    %dma_wait3A_728 = arith.constant 0 : i32
    %dma_wait3A_729 = tpu.memref_slice %arg4[%dma_wait3A_728] : memref<2609152xf32, #tpu.memory_space<hbm>> -> memref<2609152xf32, #tpu.memory_space<hbm>>
    tpu.wait_indirect_dma semaphore(%arg13 : memref<!tpu.dma_semaphore, #tpu.memory_space<semaphore_mem>>) src(%dma_wait3A_729 : memref<2609152xf32, #tpu.memory_space<hbm>>) dst(%dma_wait3A_725 : memref<128xf32, #tpu.memory_space<vmem>>)
    %dma_wait3A_730 = arith.constant 2688 : i32
    %dma_wait3A_731 = tpu.memref_slice %arg9[%dma_wait3A_730] : memref<3328xf32, #tpu.memory_space<vmem>> -> memref<128xf32, #tpu.memory_space<vmem>>
    %dma_wait3A_732 = arith.constant 2688 : i32
    %dma_wait3A_733 = tpu.memref_slice %arg7[%dma_wait3A_732] : memref<3328xi32, #tpu.memory_space<vmem>> -> memref<128xi32, #tpu.memory_space<vmem>>
    %dma_wait3A_734 = arith.constant 0 : i32
    %dma_wait3A_735 = tpu.memref_slice %arg4[%dma_wait3A_734] : memref<2609152xf32, #tpu.memory_space<hbm>> -> memref<2609152xf32, #tpu.memory_space<hbm>>
    tpu.wait_indirect_dma semaphore(%arg13 : memref<!tpu.dma_semaphore, #tpu.memory_space<semaphore_mem>>) src(%dma_wait3A_735 : memref<2609152xf32, #tpu.memory_space<hbm>>) dst(%dma_wait3A_731 : memref<128xf32, #tpu.memory_space<vmem>>)
    %dma_wait3A_736 = arith.constant 2816 : i32
    %dma_wait3A_737 = tpu.memref_slice %arg9[%dma_wait3A_736] : memref<3328xf32, #tpu.memory_space<vmem>> -> memref<128xf32, #tpu.memory_space<vmem>>
    %dma_wait3A_738 = arith.constant 2816 : i32
    %dma_wait3A_739 = tpu.memref_slice %arg7[%dma_wait3A_738] : memref<3328xi32, #tpu.memory_space<vmem>> -> memref<128xi32, #tpu.memory_space<vmem>>
    %dma_wait3A_740 = arith.constant 0 : i32
    %dma_wait3A_741 = tpu.memref_slice %arg4[%dma_wait3A_740] : memref<2609152xf32, #tpu.memory_space<hbm>> -> memref<2609152xf32, #tpu.memory_space<hbm>>
    tpu.wait_indirect_dma semaphore(%arg13 : memref<!tpu.dma_semaphore, #tpu.memory_space<semaphore_mem>>) src(%dma_wait3A_741 : memref<2609152xf32, #tpu.memory_space<hbm>>) dst(%dma_wait3A_737 : memref<128xf32, #tpu.memory_space<vmem>>)
    %dma_wait3A_742 = arith.constant 2944 : i32
    %dma_wait3A_743 = tpu.memref_slice %arg9[%dma_wait3A_742] : memref<3328xf32, #tpu.memory_space<vmem>> -> memref<128xf32, #tpu.memory_space<vmem>>
    %dma_wait3A_744 = arith.constant 2944 : i32
    %dma_wait3A_745 = tpu.memref_slice %arg7[%dma_wait3A_744] : memref<3328xi32, #tpu.memory_space<vmem>> -> memref<128xi32, #tpu.memory_space<vmem>>
    %dma_wait3A_746 = arith.constant 0 : i32
    %dma_wait3A_747 = tpu.memref_slice %arg4[%dma_wait3A_746] : memref<2609152xf32, #tpu.memory_space<hbm>> -> memref<2609152xf32, #tpu.memory_space<hbm>>
    tpu.wait_indirect_dma semaphore(%arg13 : memref<!tpu.dma_semaphore, #tpu.memory_space<semaphore_mem>>) src(%dma_wait3A_747 : memref<2609152xf32, #tpu.memory_space<hbm>>) dst(%dma_wait3A_743 : memref<128xf32, #tpu.memory_space<vmem>>)
    %dma_wait3A_748 = arith.constant 3072 : i32
    %dma_wait3A_749 = tpu.memref_slice %arg9[%dma_wait3A_748] : memref<3328xf32, #tpu.memory_space<vmem>> -> memref<128xf32, #tpu.memory_space<vmem>>
    %dma_wait3A_750 = arith.constant 3072 : i32
    %dma_wait3A_751 = tpu.memref_slice %arg7[%dma_wait3A_750] : memref<3328xi32, #tpu.memory_space<vmem>> -> memref<128xi32, #tpu.memory_space<vmem>>
    %dma_wait3A_752 = arith.constant 0 : i32
    %dma_wait3A_753 = tpu.memref_slice %arg4[%dma_wait3A_752] : memref<2609152xf32, #tpu.memory_space<hbm>> -> memref<2609152xf32, #tpu.memory_space<hbm>>
    tpu.wait_indirect_dma semaphore(%arg13 : memref<!tpu.dma_semaphore, #tpu.memory_space<semaphore_mem>>) src(%dma_wait3A_753 : memref<2609152xf32, #tpu.memory_space<hbm>>) dst(%dma_wait3A_749 : memref<128xf32, #tpu.memory_space<vmem>>)
    %dma_wait3A_754 = arith.constant 3200 : i32
    %dma_wait3A_755 = tpu.memref_slice %arg9[%dma_wait3A_754] : memref<3328xf32, #tpu.memory_space<vmem>> -> memref<128xf32, #tpu.memory_space<vmem>>
    %dma_wait3A_756 = arith.constant 3200 : i32
    %dma_wait3A_757 = tpu.memref_slice %arg7[%dma_wait3A_756] : memref<3328xi32, #tpu.memory_space<vmem>> -> memref<128xi32, #tpu.memory_space<vmem>>
    %dma_wait3A_758 = arith.constant 0 : i32
    %dma_wait3A_759 = tpu.memref_slice %arg4[%dma_wait3A_758] : memref<2609152xf32, #tpu.memory_space<hbm>> -> memref<2609152xf32, #tpu.memory_space<hbm>>
    tpu.wait_indirect_dma semaphore(%arg13 : memref<!tpu.dma_semaphore, #tpu.memory_space<semaphore_mem>>) src(%dma_wait3A_759 : memref<2609152xf32, #tpu.memory_space<hbm>>) dst(%dma_wait3A_755 : memref<128xf32, #tpu.memory_space<vmem>>)
    %get3A = arith.constant 0 : index
    %get3A_760 = tpu.vector_load %arg10[%get3A] {strides = array<i32>} : memref<128xf32, #tpu.memory_space<vmem>>, vector<16xf32>,
    %get3A_761 = arith.constant 0 : index
    %get3A_762 = tpu.vector_load %arg9[%get3A_761] {strides = array<i32>} : memref<3328xf32, #tpu.memory_space<vmem>>, vector<16xf32>,
    %add3A_763 = arith.addf %get3A_760, %get3A_762 : vector<16xf32>
    %get3A_764 = arith.constant 128 : index
    %get3A_765 = tpu.vector_load %arg9[%get3A_764] {strides = array<i32>} : memref<3328xf32, #tpu.memory_space<vmem>>, vector<16xf32>,
    %add3A_766 = arith.addf %add3A_763, %get3A_765 : vector<16xf32>
    %get3A_767 = arith.constant 256 : index
    %get3A_768 = tpu.vector_load %arg9[%get3A_767] {strides = array<i32>} : memref<3328xf32, #tpu.memory_space<vmem>>, vector<16xf32>,
    %add3A_769 = arith.addf %add3A_766, %get3A_768 : vector<16xf32>
    %get3A_770 = arith.constant 384 : index
    %get3A_771 = tpu.vector_load %arg9[%get3A_770] {strides = array<i32>} : memref<3328xf32, #tpu.memory_space<vmem>>, vector<16xf32>,
    %add3A_772 = arith.addf %add3A_769, %get3A_771 : vector<16xf32>
    %get3A_773 = arith.constant 512 : index
    %get3A_774 = tpu.vector_load %arg9[%get3A_773] {strides = array<i32>} : memref<3328xf32, #tpu.memory_space<vmem>>, vector<16xf32>,
    %add3A_775 = arith.addf %add3A_772, %get3A_774 : vector<16xf32>
    %get3A_776 = arith.constant 640 : index
    %get3A_777 = tpu.vector_load %arg9[%get3A_776] {strides = array<i32>} : memref<3328xf32, #tpu.memory_space<vmem>>, vector<16xf32>,
    %add3A_778 = arith.addf %add3A_775, %get3A_777 : vector<16xf32>
    %get3A_779 = arith.constant 768 : index
    %get3A_780 = tpu.vector_load %arg9[%get3A_779] {strides = array<i32>} : memref<3328xf32, #tpu.memory_space<vmem>>, vector<16xf32>,
    %add3A_781 = arith.addf %add3A_778, %get3A_780 : vector<16xf32>
    %get3A_782 = arith.constant 896 : index
    %get3A_783 = tpu.vector_load %arg9[%get3A_782] {strides = array<i32>} : memref<3328xf32, #tpu.memory_space<vmem>>, vector<16xf32>,
    %add3A_784 = arith.addf %add3A_781, %get3A_783 : vector<16xf32>
    %get3A_785 = arith.constant 1024 : index
    %get3A_786 = tpu.vector_load %arg9[%get3A_785] {strides = array<i32>} : memref<3328xf32, #tpu.memory_space<vmem>>, vector<16xf32>,
    %add3A_787 = arith.addf %add3A_784, %get3A_786 : vector<16xf32>
    %get3A_788 = arith.constant 1152 : index
    %get3A_789 = tpu.vector_load %arg9[%get3A_788] {strides = array<i32>} : memref<3328xf32, #tpu.memory_space<vmem>>, vector<16xf32>,
    %add3A_790 = arith.addf %add3A_787, %get3A_789 : vector<16xf32>
    %get3A_791 = arith.constant 1280 : index
    %get3A_792 = tpu.vector_load %arg9[%get3A_791] {strides = array<i32>} : memref<3328xf32, #tpu.memory_space<vmem>>, vector<16xf32>,
    %add3A_793 = arith.addf %add3A_790, %get3A_792 : vector<16xf32>
    %get3A_794 = arith.constant 1408 : index
    %get3A_795 = tpu.vector_load %arg9[%get3A_794] {strides = array<i32>} : memref<3328xf32, #tpu.memory_space<vmem>>, vector<16xf32>,
    %add3A_796 = arith.addf %add3A_793, %get3A_795 : vector<16xf32>
    %get3A_797 = arith.constant 1536 : index
    %get3A_798 = tpu.vector_load %arg9[%get3A_797] {strides = array<i32>} : memref<3328xf32, #tpu.memory_space<vmem>>, vector<16xf32>,
    %add3A_799 = arith.addf %add3A_796, %get3A_798 : vector<16xf32>
    %get3A_800 = arith.constant 1664 : index
    %get3A_801 = tpu.vector_load %arg9[%get3A_800] {strides = array<i32>} : memref<3328xf32, #tpu.memory_space<vmem>>, vector<16xf32>,
    %add3A_802 = arith.addf %add3A_799, %get3A_801 : vector<16xf32>
    %get3A_803 = arith.constant 1792 : index
    %get3A_804 = tpu.vector_load %arg9[%get3A_803] {strides = array<i32>} : memref<3328xf32, #tpu.memory_space<vmem>>, vector<16xf32>,
    %add3A_805 = arith.addf %add3A_802, %get3A_804 : vector<16xf32>
    %get3A_806 = arith.constant 1920 : index
    %get3A_807 = tpu.vector_load %arg9[%get3A_806] {strides = array<i32>} : memref<3328xf32, #tpu.memory_space<vmem>>, vector<16xf32>,
    %add3A_808 = arith.addf %add3A_805, %get3A_807 : vector<16xf32>
    %get3A_809 = arith.constant 2048 : index
    %get3A_810 = tpu.vector_load %arg9[%get3A_809] {strides = array<i32>} : memref<3328xf32, #tpu.memory_space<vmem>>, vector<16xf32>,
    %add3A_811 = arith.addf %add3A_808, %get3A_810 : vector<16xf32>
    %get3A_812 = arith.constant 2176 : index
    %get3A_813 = tpu.vector_load %arg9[%get3A_812] {strides = array<i32>} : memref<3328xf32, #tpu.memory_space<vmem>>, vector<16xf32>,
    %add3A_814 = arith.addf %add3A_811, %get3A_813 : vector<16xf32>
    %get3A_815 = arith.constant 2304 : index
    %get3A_816 = tpu.vector_load %arg9[%get3A_815] {strides = array<i32>} : memref<3328xf32, #tpu.memory_space<vmem>>, vector<16xf32>,
    %add3A_817 = arith.addf %add3A_814, %get3A_816 : vector<16xf32>
    %get3A_818 = arith.constant 2432 : index
    %get3A_819 = tpu.vector_load %arg9[%get3A_818] {strides = array<i32>} : memref<3328xf32, #tpu.memory_space<vmem>>, vector<16xf32>,
    %add3A_820 = arith.addf %add3A_817, %get3A_819 : vector<16xf32>
    %get3A_821 = arith.constant 2560 : index
    %get3A_822 = tpu.vector_load %arg9[%get3A_821] {strides = array<i32>} : memref<3328xf32, #tpu.memory_space<vmem>>, vector<16xf32>,
    %add3A_823 = arith.addf %add3A_820, %get3A_822 : vector<16xf32>
    %get3A_824 = arith.constant 2688 : index
    %get3A_825 = tpu.vector_load %arg9[%get3A_824] {strides = array<i32>} : memref<3328xf32, #tpu.memory_space<vmem>>, vector<16xf32>,
    %add3A_826 = arith.addf %add3A_823, %get3A_825 : vector<16xf32>
    %get3A_827 = arith.constant 2816 : index
    %get3A_828 = tpu.vector_load %arg9[%get3A_827] {strides = array<i32>} : memref<3328xf32, #tpu.memory_space<vmem>>, vector<16xf32>,
    %add3A_829 = arith.addf %add3A_826, %get3A_828 : vector<16xf32>
    %get3A_830 = arith.constant 2944 : index
    %get3A_831 = tpu.vector_load %arg9[%get3A_830] {strides = array<i32>} : memref<3328xf32, #tpu.memory_space<vmem>>, vector<16xf32>,
    %add3A_832 = arith.addf %add3A_829, %get3A_831 : vector<16xf32>
    %get3A_833 = arith.constant 3072 : index
    %get3A_834 = tpu.vector_load %arg9[%get3A_833] {strides = array<i32>} : memref<3328xf32, #tpu.memory_space<vmem>>, vector<16xf32>,
    %add3A_835 = arith.addf %add3A_832, %get3A_834 : vector<16xf32>
    %get3A_836 = arith.constant 3200 : index
    %get3A_837 = tpu.vector_load %arg9[%get3A_836] {strides = array<i32>} : memref<3328xf32, #tpu.memory_space<vmem>>, vector<16xf32>,
    %add3A_838 = arith.addf %add3A_835, %get3A_837 : vector<16xf32>
    %neg3A = arith.constant 0.000000e+00 : f32
    %neg3A_839 = vector.broadcast %neg3A : f32 to vector<16xf32>
    %neg3A_840 = arith.subf %neg3A_839, %add3A_838 : vector<16xf32>
    %exp3A = math.exp %neg3A_840 : vector<16xf32>
    %add3A_841 = arith.constant 1.000000e+00 : f32
    %add3A_842 = vector.broadcast %add3A_841 : f32 to vector<16xf32>
    %add3A_843 = arith.addf %add3A_842, %exp3A : vector<16xf32>
    %div3A = arith.constant 1.000000e+00 : f32
    %div3A_844 = vector.broadcast %div3A : f32 to vector<16xf32>
    %div3A_845 = arith.divf %div3A_844, %add3A_843 : vector<16xf32>
    %swap3A = arith.constant 0 : index
    %swap3A_846 = tpu.vector_load %arg11[%swap3A] {strides = array<i32>} : memref<128xf32, #tpu.memory_space<vmem>>, vector<16xf32>,
    tpu.vector_store %arg11[%swap3A], %div3A_845 {strides = array<i32>} : memref<128xf32, #tpu.memory_space<vmem>>, vector<16xf32>,
    %get3A_847 = arith.constant 16 : index
    %get3A_848 = tpu.vector_load %arg10[%get3A_847] {strides = array<i32>} : memref<128xf32, #tpu.memory_space<vmem>>, vector<16xf32>,
    %get3A_849 = arith.constant 16 : index
    %get3A_850 = tpu.vector_load %arg9[%get3A_849] {strides = array<i32>} : memref<3328xf32, #tpu.memory_space<vmem>>, vector<16xf32>,
    %add3A_851 = arith.addf %get3A_848, %get3A_850 : vector<16xf32>
    %get3A_852 = arith.constant 144 : index
    %get3A_853 = tpu.vector_load %arg9[%get3A_852] {strides = array<i32>} : memref<3328xf32, #tpu.memory_space<vmem>>, vector<16xf32>,
    %add3A_854 = arith.addf %add3A_851, %get3A_853 : vector<16xf32>
    %get3A_855 = arith.constant 272 : index
    %get3A_856 = tpu.vector_load %arg9[%get3A_855] {strides = array<i32>} : memref<3328xf32, #tpu.memory_space<vmem>>, vector<16xf32>,
    %add3A_857 = arith.addf %add3A_854, %get3A_856 : vector<16xf32>
    %get3A_858 = arith.constant 400 : index
    %get3A_859 = tpu.vector_load %arg9[%get3A_858] {strides = array<i32>} : memref<3328xf32, #tpu.memory_space<vmem>>, vector<16xf32>,
    %add3A_860 = arith.addf %add3A_857, %get3A_859 : vector<16xf32>
    %get3A_861 = arith.constant 528 : index
    %get3A_862 = tpu.vector_load %arg9[%get3A_861] {strides = array<i32>} : memref<3328xf32, #tpu.memory_space<vmem>>, vector<16xf32>,
    %add3A_863 = arith.addf %add3A_860, %get3A_862 : vector<16xf32>
    %get3A_864 = arith.constant 656 : index
    %get3A_865 = tpu.vector_load %arg9[%get3A_864] {strides = array<i32>} : memref<3328xf32, #tpu.memory_space<vmem>>, vector<16xf32>,
    %add3A_866 = arith.addf %add3A_863, %get3A_865 : vector<16xf32>
    %get3A_867 = arith.constant 784 : index
    %get3A_868 = tpu.vector_load %arg9[%get3A_867] {strides = array<i32>} : memref<3328xf32, #tpu.memory_space<vmem>>, vector<16xf32>,
    %add3A_869 = arith.addf %add3A_866, %get3A_868 : vector<16xf32>
    %get3A_870 = arith.constant 912 : index
    %get3A_871 = tpu.vector_load %arg9[%get3A_870] {strides = array<i32>} : memref<3328xf32, #tpu.memory_space<vmem>>, vector<16xf32>,
    %add3A_872 = arith.addf %add3A_869, %get3A_871 : vector<16xf32>
    %get3A_873 = arith.constant 1040 : index
    %get3A_874 = tpu.vector_load %arg9[%get3A_873] {strides = array<i32>} : memref<3328xf32, #tpu.memory_space<vmem>>, vector<16xf32>,
    %add3A_875 = arith.addf %add3A_872, %get3A_874 : vector<16xf32>
    %get3A_876 = arith.constant 1168 : index
    %get3A_877 = tpu.vector_load %arg9[%get3A_876] {strides = array<i32>} : memref<3328xf32, #tpu.memory_space<vmem>>, vector<16xf32>,
    %add3A_878 = arith.addf %add3A_875, %get3A_877 : vector<16xf32>
    %get3A_879 = arith.constant 1296 : index
    %get3A_880 = tpu.vector_load %arg9[%get3A_879] {strides = array<i32>} : memref<3328xf32, #tpu.memory_space<vmem>>, vector<16xf32>,
    %add3A_881 = arith.addf %add3A_878, %get3A_880 : vector<16xf32>
    %get3A_882 = arith.constant 1424 : index
    %get3A_883 = tpu.vector_load %arg9[%get3A_882] {strides = array<i32>} : memref<3328xf32, #tpu.memory_space<vmem>>, vector<16xf32>,
    %add3A_884 = arith.addf %add3A_881, %get3A_883 : vector<16xf32>
    %get3A_885 = arith.constant 1552 : index
    %get3A_886 = tpu.vector_load %arg9[%get3A_885] {strides = array<i32>} : memref<3328xf32, #tpu.memory_space<vmem>>, vector<16xf32>,
    %add3A_887 = arith.addf %add3A_884, %get3A_886 : vector<16xf32>
    %get3A_888 = arith.constant 1680 : index
    %get3A_889 = tpu.vector_load %arg9[%get3A_888] {strides = array<i32>} : memref<3328xf32, #tpu.memory_space<vmem>>, vector<16xf32>,
    %add3A_890 = arith.addf %add3A_887, %get3A_889 : vector<16xf32>
    %get3A_891 = arith.constant 1808 : index
    %get3A_892 = tpu.vector_load %arg9[%get3A_891] {strides = array<i32>} : memref<3328xf32, #tpu.memory_space<vmem>>, vector<16xf32>,
    %add3A_893 = arith.addf %add3A_890, %get3A_892 : vector<16xf32>
    %get3A_894 = arith.constant 1936 : index
    %get3A_895 = tpu.vector_load %arg9[%get3A_894] {strides = array<i32>} : memref<3328xf32, #tpu.memory_space<vmem>>, vector<16xf32>,
    %add3A_896 = arith.addf %add3A_893, %get3A_895 : vector<16xf32>
    %get3A_897 = arith.constant 2064 : index
    %get3A_898 = tpu.vector_load %arg9[%get3A_897] {strides = array<i32>} : memref<3328xf32, #tpu.memory_space<vmem>>, vector<16xf32>,
    %add3A_899 = arith.addf %add3A_896, %get3A_898 : vector<16xf32>
    %get3A_900 = arith.constant 2192 : index
    %get3A_901 = tpu.vector_load %arg9[%get3A_900] {strides = array<i32>} : memref<3328xf32, #tpu.memory_space<vmem>>, vector<16xf32>,
    %add3A_902 = arith.addf %add3A_899, %get3A_901 : vector<16xf32>
    %get3A_903 = arith.constant 2320 : index
    %get3A_904 = tpu.vector_load %arg9[%get3A_903] {strides = array<i32>} : memref<3328xf32, #tpu.memory_space<vmem>>, vector<16xf32>,
    %add3A_905 = arith.addf %add3A_902, %get3A_904 : vector<16xf32>
    %get3A_906 = arith.constant 2448 : index
    %get3A_907 = tpu.vector_load %arg9[%get3A_906] {strides = array<i32>} : memref<3328xf32, #tpu.memory_space<vmem>>, vector<16xf32>,
    %add3A_908 = arith.addf %add3A_905, %get3A_907 : vector<16xf32>
    %get3A_909 = arith.constant 2576 : index
    %get3A_910 = tpu.vector_load %arg9[%get3A_909] {strides = array<i32>} : memref<3328xf32, #tpu.memory_space<vmem>>, vector<16xf32>,
    %add3A_911 = arith.addf %add3A_908, %get3A_910 : vector<16xf32>
    %get3A_912 = arith.constant 2704 : index
    %get3A_913 = tpu.vector_load %arg9[%get3A_912] {strides = array<i32>} : memref<3328xf32, #tpu.memory_space<vmem>>, vector<16xf32>,
    %add3A_914 = arith.addf %add3A_911, %get3A_913 : vector<16xf32>
    %get3A_915 = arith.constant 2832 : index
    %get3A_916 = tpu.vector_load %arg9[%get3A_915] {strides = array<i32>} : memref<3328xf32, #tpu.memory_space<vmem>>, vector<16xf32>,
    %add3A_917 = arith.addf %add3A_914, %get3A_916 : vector<16xf32>
    %get3A_918 = arith.constant 2960 : index
    %get3A_919 = tpu.vector_load %arg9[%get3A_918] {strides = array<i32>} : memref<3328xf32, #tpu.memory_space<vmem>>, vector<16xf32>,
    %add3A_920 = arith.addf %add3A_917, %get3A_919 : vector<16xf32>
    %get3A_921 = arith.constant 3088 : index
    %get3A_922 = tpu.vector_load %arg9[%get3A_921] {strides = array<i32>} : memref<3328xf32, #tpu.memory_space<vmem>>, vector<16xf32>,
    %add3A_923 = arith.addf %add3A_920, %get3A_922 : vector<16xf32>
    %get3A_924 = arith.constant 3216 : index
    %get3A_925 = tpu.vector_load %arg9[%get3A_924] {strides = array<i32>} : memref<3328xf32, #tpu.memory_space<vmem>>, vector<16xf32>,
    %add3A_926 = arith.addf %add3A_923, %get3A_925 : vector<16xf32>
    %neg3A_927 = arith.constant 0.000000e+00 : f32
    %neg3A_928 = vector.broadcast %neg3A_927 : f32 to vector<16xf32>
    %neg3A_929 = arith.subf %neg3A_928, %add3A_926 : vector<16xf32>
    %exp3A_930 = math.exp %neg3A_929 : vector<16xf32>
    %add3A_931 = arith.constant 1.000000e+00 : f32
    %add3A_932 = vector.broadcast %add3A_931 : f32 to vector<16xf32>
    %add3A_933 = arith.addf %add3A_932, %exp3A_930 : vector<16xf32>
    %div3A_934 = arith.constant 1.000000e+00 : f32
    %div3A_935 = vector.broadcast %div3A_934 : f32 to vector<16xf32>
    %div3A_936 = arith.divf %div3A_935, %add3A_933 : vector<16xf32>
    %swap3A_937 = arith.constant 16 : index
    %swap3A_938 = tpu.vector_load %arg11[%swap3A_937] {strides = array<i32>} : memref<128xf32, #tpu.memory_space<vmem>>, vector<16xf32>,
    tpu.vector_store %arg11[%swap3A_937], %div3A_936 {strides = array<i32>} : memref<128xf32, #tpu.memory_space<vmem>>, vector<16xf32>,
    %get3A_939 = arith.constant 32 : index
    %get3A_940 = tpu.vector_load %arg10[%get3A_939] {strides = array<i32>} : memref<128xf32, #tpu.memory_space<vmem>>, vector<16xf32>,
    %get3A_941 = arith.constant 32 : index
    %get3A_942 = tpu.vector_load %arg9[%get3A_941] {strides = array<i32>} : memref<3328xf32, #tpu.memory_space<vmem>>, vector<16xf32>,
    %add3A_943 = arith.addf %get3A_940, %get3A_942 : vector<16xf32>
    %get3A_944 = arith.constant 160 : index
    %get3A_945 = tpu.vector_load %arg9[%get3A_944] {strides = array<i32>} : memref<3328xf32, #tpu.memory_space<vmem>>, vector<16xf32>,
    %add3A_946 = arith.addf %add3A_943, %get3A_945 : vector<16xf32>
    %get3A_947 = arith.constant 288 : index
    %get3A_948 = tpu.vector_load %arg9[%get3A_947] {strides = array<i32>} : memref<3328xf32, #tpu.memory_space<vmem>>, vector<16xf32>,
    %add3A_949 = arith.addf %add3A_946, %get3A_948 : vector<16xf32>
    %get3A_950 = arith.constant 416 : index
    %get3A_951 = tpu.vector_load %arg9[%get3A_950] {strides = array<i32>} : memref<3328xf32, #tpu.memory_space<vmem>>, vector<16xf32>,
    %add3A_952 = arith.addf %add3A_949, %get3A_951 : vector<16xf32>
    %get3A_953 = arith.constant 544 : index
    %get3A_954 = tpu.vector_load %arg9[%get3A_953] {strides = array<i32>} : memref<3328xf32, #tpu.memory_space<vmem>>, vector<16xf32>,
    %add3A_955 = arith.addf %add3A_952, %get3A_954 : vector<16xf32>
    %get3A_956 = arith.constant 672 : index
    %get3A_957 = tpu.vector_load %arg9[%get3A_956] {strides = array<i32>} : memref<3328xf32, #tpu.memory_space<vmem>>, vector<16xf32>,
    %add3A_958 = arith.addf %add3A_955, %get3A_957 : vector<16xf32>
    %get3A_959 = arith.constant 800 : index
    %get3A_960 = tpu.vector_load %arg9[%get3A_959] {strides = array<i32>} : memref<3328xf32, #tpu.memory_space<vmem>>, vector<16xf32>,
    %add3A_961 = arith.addf %add3A_958, %get3A_960 : vector<16xf32>
    %get3A_962 = arith.constant 928 : index
    %get3A_963 = tpu.vector_load %arg9[%get3A_962] {strides = array<i32>} : memref<3328xf32, #tpu.memory_space<vmem>>, vector<16xf32>,
    %add3A_964 = arith.addf %add3A_961, %get3A_963 : vector<16xf32>
    %get3A_965 = arith.constant 1056 : index
    %get3A_966 = tpu.vector_load %arg9[%get3A_965] {strides = array<i32>} : memref<3328xf32, #tpu.memory_space<vmem>>, vector<16xf32>,
    %add3A_967 = arith.addf %add3A_964, %get3A_966 : vector<16xf32>
    %get3A_968 = arith.constant 1184 : index
    %get3A_969 = tpu.vector_load %arg9[%get3A_968] {strides = array<i32>} : memref<3328xf32, #tpu.memory_space<vmem>>, vector<16xf32>,
    %add3A_970 = arith.addf %add3A_967, %get3A_969 : vector<16xf32>
    %get3A_971 = arith.constant 1312 : index
    %get3A_972 = tpu.vector_load %arg9[%get3A_971] {strides = array<i32>} : memref<3328xf32, #tpu.memory_space<vmem>>, vector<16xf32>,
    %add3A_973 = arith.addf %add3A_970, %get3A_972 : vector<16xf32>
    %get3A_974 = arith.constant 1440 : index
    %get3A_975 = tpu.vector_load %arg9[%get3A_974] {strides = array<i32>} : memref<3328xf32, #tpu.memory_space<vmem>>, vector<16xf32>,
    %add3A_976 = arith.addf %add3A_973, %get3A_975 : vector<16xf32>
    %get3A_977 = arith.constant 1568 : index
    %get3A_978 = tpu.vector_load %arg9[%get3A_977] {strides = array<i32>} : memref<3328xf32, #tpu.memory_space<vmem>>, vector<16xf32>,
    %add3A_979 = arith.addf %add3A_976, %get3A_978 : vector<16xf32>
    %get3A_980 = arith.constant 1696 : index
    %get3A_981 = tpu.vector_load %arg9[%get3A_980] {strides = array<i32>} : memref<3328xf32, #tpu.memory_space<vmem>>, vector<16xf32>,
    %add3A_982 = arith.addf %add3A_979, %get3A_981 : vector<16xf32>
    %get3A_983 = arith.constant 1824 : index
    %get3A_984 = tpu.vector_load %arg9[%get3A_983] {strides = array<i32>} : memref<3328xf32, #tpu.memory_space<vmem>>, vector<16xf32>,
    %add3A_985 = arith.addf %add3A_982, %get3A_984 : vector<16xf32>
    %get3A_986 = arith.constant 1952 : index
    %get3A_987 = tpu.vector_load %arg9[%get3A_986] {strides = array<i32>} : memref<3328xf32, #tpu.memory_space<vmem>>, vector<16xf32>,
    %add3A_988 = arith.addf %add3A_985, %get3A_987 : vector<16xf32>
    %get3A_989 = arith.constant 2080 : index
    %get3A_990 = tpu.vector_load %arg9[%get3A_989] {strides = array<i32>} : memref<3328xf32, #tpu.memory_space<vmem>>, vector<16xf32>,
    %add3A_991 = arith.addf %add3A_988, %get3A_990 : vector<16xf32>
    %get3A_992 = arith.constant 2208 : index
    %get3A_993 = tpu.vector_load %arg9[%get3A_992] {strides = array<i32>} : memref<3328xf32, #tpu.memory_space<vmem>>, vector<16xf32>,
    %add3A_994 = arith.addf %add3A_991, %get3A_993 : vector<16xf32>
    %get3A_995 = arith.constant 2336 : index
    %get3A_996 = tpu.vector_load %arg9[%get3A_995] {strides = array<i32>} : memref<3328xf32, #tpu.memory_space<vmem>>, vector<16xf32>,
    %add3A_997 = arith.addf %add3A_994, %get3A_996 : vector<16xf32>
    %get3A_998 = arith.constant 2464 : index
    %get3A_999 = tpu.vector_load %arg9[%get3A_998] {strides = array<i32>} : memref<3328xf32, #tpu.memory_space<vmem>>, vector<16xf32>,
    %add3A_1000 = arith.addf %add3A_997, %get3A_999 : vector<16xf32>
    %get3A_1001 = arith.constant 2592 : index
    %get3A_1002 = tpu.vector_load %arg9[%get3A_1001] {strides = array<i32>} : memref<3328xf32, #tpu.memory_space<vmem>>, vector<16xf32>,
    %add3A_1003 = arith.addf %add3A_1000, %get3A_1002 : vector<16xf32>
    %get3A_1004 = arith.constant 2720 : index
    %get3A_1005 = tpu.vector_load %arg9[%get3A_1004] {strides = array<i32>} : memref<3328xf32, #tpu.memory_space<vmem>>, vector<16xf32>,
    %add3A_1006 = arith.addf %add3A_1003, %get3A_1005 : vector<16xf32>
    %get3A_1007 = arith.constant 2848 : index
    %get3A_1008 = tpu.vector_load %arg9[%get3A_1007] {strides = array<i32>} : memref<3328xf32, #tpu.memory_space<vmem>>, vector<16xf32>,
    %add3A_1009 = arith.addf %add3A_1006, %get3A_1008 : vector<16xf32>
    %get3A_1010 = arith.constant 2976 : index
    %get3A_1011 = tpu.vector_load %arg9[%get3A_1010] {strides = array<i32>} : memref<3328xf32, #tpu.memory_space<vmem>>, vector<16xf32>,
    %add3A_1012 = arith.addf %add3A_1009, %get3A_1011 : vector<16xf32>
    %get3A_1013 = arith.constant 3104 : index
    %get3A_1014 = tpu.vector_load %arg9[%get3A_1013] {strides = array<i32>} : memref<3328xf32, #tpu.memory_space<vmem>>, vector<16xf32>,
    %add3A_1015 = arith.addf %add3A_1012, %get3A_1014 : vector<16xf32>
    %get3A_1016 = arith.constant 3232 : index
    %get3A_1017 = tpu.vector_load %arg9[%get3A_1016] {strides = array<i32>} : memref<3328xf32, #tpu.memory_space<vmem>>, vector<16xf32>,
    %add3A_1018 = arith.addf %add3A_1015, %get3A_1017 : vector<16xf32>
    %neg3A_1019 = arith.constant 0.000000e+00 : f32
    %neg3A_1020 = vector.broadcast %neg3A_1019 : f32 to vector<16xf32>
    %neg3A_1021 = arith.subf %neg3A_1020, %add3A_1018 : vector<16xf32>
    %exp3A_1022 = math.exp %neg3A_1021 : vector<16xf32>
    %add3A_1023 = arith.constant 1.000000e+00 : f32
    %add3A_1024 = vector.broadcast %add3A_1023 : f32 to vector<16xf32>
    %add3A_1025 = arith.addf %add3A_1024, %exp3A_1022 : vector<16xf32>
    %div3A_1026 = arith.constant 1.000000e+00 : f32
    %div3A_1027 = vector.broadcast %div3A_1026 : f32 to vector<16xf32>
    %div3A_1028 = arith.divf %div3A_1027, %add3A_1025 : vector<16xf32>
    %swap3A_1029 = arith.constant 32 : index
    %swap3A_1030 = tpu.vector_load %arg11[%swap3A_1029] {strides = array<i32>} : memref<128xf32, #tpu.memory_space<vmem>>, vector<16xf32>,
    tpu.vector_store %arg11[%swap3A_1029], %div3A_1028 {strides = array<i32>} : memref<128xf32, #tpu.memory_space<vmem>>, vector<16xf32>,
    %get3A_1031 = arith.constant 48 : index
    %get3A_1032 = tpu.vector_load %arg10[%get3A_1031] {strides = array<i32>} : memref<128xf32, #tpu.memory_space<vmem>>, vector<16xf32>,
    %get3A_1033 = arith.constant 48 : index
    %get3A_1034 = tpu.vector_load %arg9[%get3A_1033] {strides = array<i32>} : memref<3328xf32, #tpu.memory_space<vmem>>, vector<16xf32>,
    %add3A_1035 = arith.addf %get3A_1032, %get3A_1034 : vector<16xf32>
    %get3A_1036 = arith.constant 176 : index
    %get3A_1037 = tpu.vector_load %arg9[%get3A_1036] {strides = array<i32>} : memref<3328xf32, #tpu.memory_space<vmem>>, vector<16xf32>,
    %add3A_1038 = arith.addf %add3A_1035, %get3A_1037 : vector<16xf32>
    %get3A_1039 = arith.constant 304 : index
    %get3A_1040 = tpu.vector_load %arg9[%get3A_1039] {strides = array<i32>} : memref<3328xf32, #tpu.memory_space<vmem>>, vector<16xf32>,
    %add3A_1041 = arith.addf %add3A_1038, %get3A_1040 : vector<16xf32>
    %get3A_1042 = arith.constant 432 : index
    %get3A_1043 = tpu.vector_load %arg9[%get3A_1042] {strides = array<i32>} : memref<3328xf32, #tpu.memory_space<vmem>>, vector<16xf32>,
    %add3A_1044 = arith.addf %add3A_1041, %get3A_1043 : vector<16xf32>
    %get3A_1045 = arith.constant 560 : index
    %get3A_1046 = tpu.vector_load %arg9[%get3A_1045] {strides = array<i32>} : memref<3328xf32, #tpu.memory_space<vmem>>, vector<16xf32>,
    %add3A_1047 = arith.addf %add3A_1044, %get3A_1046 : vector<16xf32>
    %get3A_1048 = arith.constant 688 : index
    %get3A_1049 = tpu.vector_load %arg9[%get3A_1048] {strides = array<i32>} : memref<3328xf32, #tpu.memory_space<vmem>>, vector<16xf32>,
    %add3A_1050 = arith.addf %add3A_1047, %get3A_1049 : vector<16xf32>
    %get3A_1051 = arith.constant 816 : index
    %get3A_1052 = tpu.vector_load %arg9[%get3A_1051] {strides = array<i32>} : memref<3328xf32, #tpu.memory_space<vmem>>, vector<16xf32>,
    %add3A_1053 = arith.addf %add3A_1050, %get3A_1052 : vector<16xf32>
    %get3A_1054 = arith.constant 944 : index
    %get3A_1055 = tpu.vector_load %arg9[%get3A_1054] {strides = array<i32>} : memref<3328xf32, #tpu.memory_space<vmem>>, vector<16xf32>,
    %add3A_1056 = arith.addf %add3A_1053, %get3A_1055 : vector<16xf32>
    %get3A_1057 = arith.constant 1072 : index
    %get3A_1058 = tpu.vector_load %arg9[%get3A_1057] {strides = array<i32>} : memref<3328xf32, #tpu.memory_space<vmem>>, vector<16xf32>,
    %add3A_1059 = arith.addf %add3A_1056, %get3A_1058 : vector<16xf32>
    %get3A_1060 = arith.constant 1200 : index
    %get3A_1061 = tpu.vector_load %arg9[%get3A_1060] {strides = array<i32>} : memref<3328xf32, #tpu.memory_space<vmem>>, vector<16xf32>,
    %add3A_1062 = arith.addf %add3A_1059, %get3A_1061 : vector<16xf32>
    %get3A_1063 = arith.constant 1328 : index
    %get3A_1064 = tpu.vector_load %arg9[%get3A_1063] {strides = array<i32>} : memref<3328xf32, #tpu.memory_space<vmem>>, vector<16xf32>,
    %add3A_1065 = arith.addf %add3A_1062, %get3A_1064 : vector<16xf32>
    %get3A_1066 = arith.constant 1456 : index
    %get3A_1067 = tpu.vector_load %arg9[%get3A_1066] {strides = array<i32>} : memref<3328xf32, #tpu.memory_space<vmem>>, vector<16xf32>,
    %add3A_1068 = arith.addf %add3A_1065, %get3A_1067 : vector<16xf32>
    %get3A_1069 = arith.constant 1584 : index
    %get3A_1070 = tpu.vector_load %arg9[%get3A_1069] {strides = array<i32>} : memref<3328xf32, #tpu.memory_space<vmem>>, vector<16xf32>,
    %add3A_1071 = arith.addf %add3A_1068, %get3A_1070 : vector<16xf32>
    %get3A_1072 = arith.constant 1712 : index
    %get3A_1073 = tpu.vector_load %arg9[%get3A_1072] {strides = array<i32>} : memref<3328xf32, #tpu.memory_space<vmem>>, vector<16xf32>,
    %add3A_1074 = arith.addf %add3A_1071, %get3A_1073 : vector<16xf32>
    %get3A_1075 = arith.constant 1840 : index
    %get3A_1076 = tpu.vector_load %arg9[%get3A_1075] {strides = array<i32>} : memref<3328xf32, #tpu.memory_space<vmem>>, vector<16xf32>,
    %add3A_1077 = arith.addf %add3A_1074, %get3A_1076 : vector<16xf32>
    %get3A_1078 = arith.constant 1968 : index
    %get3A_1079 = tpu.vector_load %arg9[%get3A_1078] {strides = array<i32>} : memref<3328xf32, #tpu.memory_space<vmem>>, vector<16xf32>,
    %add3A_1080 = arith.addf %add3A_1077, %get3A_1079 : vector<16xf32>
    %get3A_1081 = arith.constant 2096 : index
    %get3A_1082 = tpu.vector_load %arg9[%get3A_1081] {strides = array<i32>} : memref<3328xf32, #tpu.memory_space<vmem>>, vector<16xf32>,
    %add3A_1083 = arith.addf %add3A_1080, %get3A_1082 : vector<16xf32>
    %get3A_1084 = arith.constant 2224 : index
    %get3A_1085 = tpu.vector_load %arg9[%get3A_1084] {strides = array<i32>} : memref<3328xf32, #tpu.memory_space<vmem>>, vector<16xf32>,
    %add3A_1086 = arith.addf %add3A_1083, %get3A_1085 : vector<16xf32>
    %get3A_1087 = arith.constant 2352 : index
    %get3A_1088 = tpu.vector_load %arg9[%get3A_1087] {strides = array<i32>} : memref<3328xf32, #tpu.memory_space<vmem>>, vector<16xf32>,
    %add3A_1089 = arith.addf %add3A_1086, %get3A_1088 : vector<16xf32>
    %get3A_1090 = arith.constant 2480 : index
    %get3A_1091 = tpu.vector_load %arg9[%get3A_1090] {strides = array<i32>} : memref<3328xf32, #tpu.memory_space<vmem>>, vector<16xf32>,
    %add3A_1092 = arith.addf %add3A_1089, %get3A_1091 : vector<16xf32>
    %get3A_1093 = arith.constant 2608 : index
    %get3A_1094 = tpu.vector_load %arg9[%get3A_1093] {strides = array<i32>} : memref<3328xf32, #tpu.memory_space<vmem>>, vector<16xf32>,
    %add3A_1095 = arith.addf %add3A_1092, %get3A_1094 : vector<16xf32>
    %get3A_1096 = arith.constant 2736 : index
    %get3A_1097 = tpu.vector_load %arg9[%get3A_1096] {strides = array<i32>} : memref<3328xf32, #tpu.memory_space<vmem>>, vector<16xf32>,
    %add3A_1098 = arith.addf %add3A_1095, %get3A_1097 : vector<16xf32>
    %get3A_1099 = arith.constant 2864 : index
    %get3A_1100 = tpu.vector_load %arg9[%get3A_1099] {strides = array<i32>} : memref<3328xf32, #tpu.memory_space<vmem>>, vector<16xf32>,
    %add3A_1101 = arith.addf %add3A_1098, %get3A_1100 : vector<16xf32>
    %get3A_1102 = arith.constant 2992 : index
    %get3A_1103 = tpu.vector_load %arg9[%get3A_1102] {strides = array<i32>} : memref<3328xf32, #tpu.memory_space<vmem>>, vector<16xf32>,
    %add3A_1104 = arith.addf %add3A_1101, %get3A_1103 : vector<16xf32>
    %get3A_1105 = arith.constant 3120 : index
    %get3A_1106 = tpu.vector_load %arg9[%get3A_1105] {strides = array<i32>} : memref<3328xf32, #tpu.memory_space<vmem>>, vector<16xf32>,
    %add3A_1107 = arith.addf %add3A_1104, %get3A_1106 : vector<16xf32>
    %get3A_1108 = arith.constant 3248 : index
    %get3A_1109 = tpu.vector_load %arg9[%get3A_1108] {strides = array<i32>} : memref<3328xf32, #tpu.memory_space<vmem>>, vector<16xf32>,
    %add3A_1110 = arith.addf %add3A_1107, %get3A_1109 : vector<16xf32>
    %neg3A_1111 = arith.constant 0.000000e+00 : f32
    %neg3A_1112 = vector.broadcast %neg3A_1111 : f32 to vector<16xf32>
    %neg3A_1113 = arith.subf %neg3A_1112, %add3A_1110 : vector<16xf32>
    %exp3A_1114 = math.exp %neg3A_1113 : vector<16xf32>
    %add3A_1115 = arith.constant 1.000000e+00 : f32
    %add3A_1116 = vector.broadcast %add3A_1115 : f32 to vector<16xf32>
    %add3A_1117 = arith.addf %add3A_1116, %exp3A_1114 : vector<16xf32>
    %div3A_1118 = arith.constant 1.000000e+00 : f32
    %div3A_1119 = vector.broadcast %div3A_1118 : f32 to vector<16xf32>
    %div3A_1120 = arith.divf %div3A_1119, %add3A_1117 : vector<16xf32>
    %swap3A_1121 = arith.constant 48 : index
    %swap3A_1122 = tpu.vector_load %arg11[%swap3A_1121] {strides = array<i32>} : memref<128xf32, #tpu.memory_space<vmem>>, vector<16xf32>,
    tpu.vector_store %arg11[%swap3A_1121], %div3A_1120 {strides = array<i32>} : memref<128xf32, #tpu.memory_space<vmem>>, vector<16xf32>,
    %get3A_1123 = arith.constant 64 : index
    %get3A_1124 = tpu.vector_load %arg10[%get3A_1123] {strides = array<i32>} : memref<128xf32, #tpu.memory_space<vmem>>, vector<16xf32>,
    %get3A_1125 = arith.constant 64 : index
    %get3A_1126 = tpu.vector_load %arg9[%get3A_1125] {strides = array<i32>} : memref<3328xf32, #tpu.memory_space<vmem>>, vector<16xf32>,
    %add3A_1127 = arith.addf %get3A_1124, %get3A_1126 : vector<16xf32>
    %get3A_1128 = arith.constant 192 : index
    %get3A_1129 = tpu.vector_load %arg9[%get3A_1128] {strides = array<i32>} : memref<3328xf32, #tpu.memory_space<vmem>>, vector<16xf32>,
    %add3A_1130 = arith.addf %add3A_1127, %get3A_1129 : vector<16xf32>
    %get3A_1131 = arith.constant 320 : index
    %get3A_1132 = tpu.vector_load %arg9[%get3A_1131] {strides = array<i32>} : memref<3328xf32, #tpu.memory_space<vmem>>, vector<16xf32>,
    %add3A_1133 = arith.addf %add3A_1130, %get3A_1132 : vector<16xf32>
    %get3A_1134 = arith.constant 448 : index
    %get3A_1135 = tpu.vector_load %arg9[%get3A_1134] {strides = array<i32>} : memref<3328xf32, #tpu.memory_space<vmem>>, vector<16xf32>,
    %add3A_1136 = arith.addf %add3A_1133, %get3A_1135 : vector<16xf32>
    %get3A_1137 = arith.constant 576 : index
    %get3A_1138 = tpu.vector_load %arg9[%get3A_1137] {strides = array<i32>} : memref<3328xf32, #tpu.memory_space<vmem>>, vector<16xf32>,
    %add3A_1139 = arith.addf %add3A_1136, %get3A_1138 : vector<16xf32>
    %get3A_1140 = arith.constant 704 : index
    %get3A_1141 = tpu.vector_load %arg9[%get3A_1140] {strides = array<i32>} : memref<3328xf32, #tpu.memory_space<vmem>>, vector<16xf32>,
    %add3A_1142 = arith.addf %add3A_1139, %get3A_1141 : vector<16xf32>
    %get3A_1143 = arith.constant 832 : index
    %get3A_1144 = tpu.vector_load %arg9[%get3A_1143] {strides = array<i32>} : memref<3328xf32, #tpu.memory_space<vmem>>, vector<16xf32>,
    %add3A_1145 = arith.addf %add3A_1142, %get3A_1144 : vector<16xf32>
    %get3A_1146 = arith.constant 960 : index
    %get3A_1147 = tpu.vector_load %arg9[%get3A_1146] {strides = array<i32>} : memref<3328xf32, #tpu.memory_space<vmem>>, vector<16xf32>,
    %add3A_1148 = arith.addf %add3A_1145, %get3A_1147 : vector<16xf32>
    %get3A_1149 = arith.constant 1088 : index
    %get3A_1150 = tpu.vector_load %arg9[%get3A_1149] {strides = array<i32>} : memref<3328xf32, #tpu.memory_space<vmem>>, vector<16xf32>,
    %add3A_1151 = arith.addf %add3A_1148, %get3A_1150 : vector<16xf32>
    %get3A_1152 = arith.constant 1216 : index
    %get3A_1153 = tpu.vector_load %arg9[%get3A_1152] {strides = array<i32>} : memref<3328xf32, #tpu.memory_space<vmem>>, vector<16xf32>,
    %add3A_1154 = arith.addf %add3A_1151, %get3A_1153 : vector<16xf32>
    %get3A_1155 = arith.constant 1344 : index
    %get3A_1156 = tpu.vector_load %arg9[%get3A_1155] {strides = array<i32>} : memref<3328xf32, #tpu.memory_space<vmem>>, vector<16xf32>,
    %add3A_1157 = arith.addf %add3A_1154, %get3A_1156 : vector<16xf32>
    %get3A_1158 = arith.constant 1472 : index
    %get3A_1159 = tpu.vector_load %arg9[%get3A_1158] {strides = array<i32>} : memref<3328xf32, #tpu.memory_space<vmem>>, vector<16xf32>,
    %add3A_1160 = arith.addf %add3A_1157, %get3A_1159 : vector<16xf32>
    %get3A_1161 = arith.constant 1600 : index
    %get3A_1162 = tpu.vector_load %arg9[%get3A_1161] {strides = array<i32>} : memref<3328xf32, #tpu.memory_space<vmem>>, vector<16xf32>,
    %add3A_1163 = arith.addf %add3A_1160, %get3A_1162 : vector<16xf32>
    %get3A_1164 = arith.constant 1728 : index
    %get3A_1165 = tpu.vector_load %arg9[%get3A_1164] {strides = array<i32>} : memref<3328xf32, #tpu.memory_space<vmem>>, vector<16xf32>,
    %add3A_1166 = arith.addf %add3A_1163, %get3A_1165 : vector<16xf32>
    %get3A_1167 = arith.constant 1856 : index
    %get3A_1168 = tpu.vector_load %arg9[%get3A_1167] {strides = array<i32>} : memref<3328xf32, #tpu.memory_space<vmem>>, vector<16xf32>,
    %add3A_1169 = arith.addf %add3A_1166, %get3A_1168 : vector<16xf32>
    %get3A_1170 = arith.constant 1984 : index
    %get3A_1171 = tpu.vector_load %arg9[%get3A_1170] {strides = array<i32>} : memref<3328xf32, #tpu.memory_space<vmem>>, vector<16xf32>,
    %add3A_1172 = arith.addf %add3A_1169, %get3A_1171 : vector<16xf32>
    %get3A_1173 = arith.constant 2112 : index
    %get3A_1174 = tpu.vector_load %arg9[%get3A_1173] {strides = array<i32>} : memref<3328xf32, #tpu.memory_space<vmem>>, vector<16xf32>,
    %add3A_1175 = arith.addf %add3A_1172, %get3A_1174 : vector<16xf32>
    %get3A_1176 = arith.constant 2240 : index
    %get3A_1177 = tpu.vector_load %arg9[%get3A_1176] {strides = array<i32>} : memref<3328xf32, #tpu.memory_space<vmem>>, vector<16xf32>,
    %add3A_1178 = arith.addf %add3A_1175, %get3A_1177 : vector<16xf32>
    %get3A_1179 = arith.constant 2368 : index
    %get3A_1180 = tpu.vector_load %arg9[%get3A_1179] {strides = array<i32>} : memref<3328xf32, #tpu.memory_space<vmem>>, vector<16xf32>,
    %add3A_1181 = arith.addf %add3A_1178, %get3A_1180 : vector<16xf32>
    %get3A_1182 = arith.constant 2496 : index
    %get3A_1183 = tpu.vector_load %arg9[%get3A_1182] {strides = array<i32>} : memref<3328xf32, #tpu.memory_space<vmem>>, vector<16xf32>,
    %add3A_1184 = arith.addf %add3A_1181, %get3A_1183 : vector<16xf32>
    %get3A_1185 = arith.constant 2624 : index
    %get3A_1186 = tpu.vector_load %arg9[%get3A_1185] {strides = array<i32>} : memref<3328xf32, #tpu.memory_space<vmem>>, vector<16xf32>,
    %add3A_1187 = arith.addf %add3A_1184, %get3A_1186 : vector<16xf32>
    %get3A_1188 = arith.constant 2752 : index
    %get3A_1189 = tpu.vector_load %arg9[%get3A_1188] {strides = array<i32>} : memref<3328xf32, #tpu.memory_space<vmem>>, vector<16xf32>,
    %add3A_1190 = arith.addf %add3A_1187, %get3A_1189 : vector<16xf32>
    %get3A_1191 = arith.constant 2880 : index
    %get3A_1192 = tpu.vector_load %arg9[%get3A_1191] {strides = array<i32>} : memref<3328xf32, #tpu.memory_space<vmem>>, vector<16xf32>,
    %add3A_1193 = arith.addf %add3A_1190, %get3A_1192 : vector<16xf32>
    %get3A_1194 = arith.constant 3008 : index
    %get3A_1195 = tpu.vector_load %arg9[%get3A_1194] {strides = array<i32>} : memref<3328xf32, #tpu.memory_space<vmem>>, vector<16xf32>,
    %add3A_1196 = arith.addf %add3A_1193, %get3A_1195 : vector<16xf32>
    %get3A_1197 = arith.constant 3136 : index
    %get3A_1198 = tpu.vector_load %arg9[%get3A_1197] {strides = array<i32>} : memref<3328xf32, #tpu.memory_space<vmem>>, vector<16xf32>,
    %add3A_1199 = arith.addf %add3A_1196, %get3A_1198 : vector<16xf32>
    %get3A_1200 = arith.constant 3264 : index
    %get3A_1201 = tpu.vector_load %arg9[%get3A_1200] {strides = array<i32>} : memref<3328xf32, #tpu.memory_space<vmem>>, vector<16xf32>,
    %add3A_1202 = arith.addf %add3A_1199, %get3A_1201 : vector<16xf32>
    %neg3A_1203 = arith.constant 0.000000e+00 : f32
    %neg3A_1204 = vector.broadcast %neg3A_1203 : f32 to vector<16xf32>
    %neg3A_1205 = arith.subf %neg3A_1204, %add3A_1202 : vector<16xf32>
    %exp3A_1206 = math.exp %neg3A_1205 : vector<16xf32>
    %add3A_1207 = arith.constant 1.000000e+00 : f32
    %add3A_1208 = vector.broadcast %add3A_1207 : f32 to vector<16xf32>
    %add3A_1209 = arith.addf %add3A_1208, %exp3A_1206 : vector<16xf32>
    %div3A_1210 = arith.constant 1.000000e+00 : f32
    %div3A_1211 = vector.broadcast %div3A_1210 : f32 to vector<16xf32>
    %div3A_1212 = arith.divf %div3A_1211, %add3A_1209 : vector<16xf32>
    %swap3A_1213 = arith.constant 64 : index
    %swap3A_1214 = tpu.vector_load %arg11[%swap3A_1213] {strides = array<i32>} : memref<128xf32, #tpu.memory_space<vmem>>, vector<16xf32>,
    tpu.vector_store %arg11[%swap3A_1213], %div3A_1212 {strides = array<i32>} : memref<128xf32, #tpu.memory_space<vmem>>, vector<16xf32>,
    %get3A_1215 = arith.constant 80 : index
    %get3A_1216 = tpu.vector_load %arg10[%get3A_1215] {strides = array<i32>} : memref<128xf32, #tpu.memory_space<vmem>>, vector<16xf32>,
    %get3A_1217 = arith.constant 80 : index
    %get3A_1218 = tpu.vector_load %arg9[%get3A_1217] {strides = array<i32>} : memref<3328xf32, #tpu.memory_space<vmem>>, vector<16xf32>,
    %add3A_1219 = arith.addf %get3A_1216, %get3A_1218 : vector<16xf32>
    %get3A_1220 = arith.constant 208 : index
    %get3A_1221 = tpu.vector_load %arg9[%get3A_1220] {strides = array<i32>} : memref<3328xf32, #tpu.memory_space<vmem>>, vector<16xf32>,
    %add3A_1222 = arith.addf %add3A_1219, %get3A_1221 : vector<16xf32>
    %get3A_1223 = arith.constant 336 : index
    %get3A_1224 = tpu.vector_load %arg9[%get3A_1223] {strides = array<i32>} : memref<3328xf32, #tpu.memory_space<vmem>>, vector<16xf32>,
    %add3A_1225 = arith.addf %add3A_1222, %get3A_1224 : vector<16xf32>
    %get3A_1226 = arith.constant 464 : index
    %get3A_1227 = tpu.vector_load %arg9[%get3A_1226] {strides = array<i32>} : memref<3328xf32, #tpu.memory_space<vmem>>, vector<16xf32>,
    %add3A_1228 = arith.addf %add3A_1225, %get3A_1227 : vector<16xf32>
    %get3A_1229 = arith.constant 592 : index
    %get3A_1230 = tpu.vector_load %arg9[%get3A_1229] {strides = array<i32>} : memref<3328xf32, #tpu.memory_space<vmem>>, vector<16xf32>,
    %add3A_1231 = arith.addf %add3A_1228, %get3A_1230 : vector<16xf32>
    %get3A_1232 = arith.constant 720 : index
    %get3A_1233 = tpu.vector_load %arg9[%get3A_1232] {strides = array<i32>} : memref<3328xf32, #tpu.memory_space<vmem>>, vector<16xf32>,
    %add3A_1234 = arith.addf %add3A_1231, %get3A_1233 : vector<16xf32>
    %get3A_1235 = arith.constant 848 : index
    %get3A_1236 = tpu.vector_load %arg9[%get3A_1235] {strides = array<i32>} : memref<3328xf32, #tpu.memory_space<vmem>>, vector<16xf32>,
    %add3A_1237 = arith.addf %add3A_1234, %get3A_1236 : vector<16xf32>
    %get3A_1238 = arith.constant 976 : index
    %get3A_1239 = tpu.vector_load %arg9[%get3A_1238] {strides = array<i32>} : memref<3328xf32, #tpu.memory_space<vmem>>, vector<16xf32>,
    %add3A_1240 = arith.addf %add3A_1237, %get3A_1239 : vector<16xf32>
    %get3A_1241 = arith.constant 1104 : index
    %get3A_1242 = tpu.vector_load %arg9[%get3A_1241] {strides = array<i32>} : memref<3328xf32, #tpu.memory_space<vmem>>, vector<16xf32>,
    %add3A_1243 = arith.addf %add3A_1240, %get3A_1242 : vector<16xf32>
    %get3A_1244 = arith.constant 1232 : index
    %get3A_1245 = tpu.vector_load %arg9[%get3A_1244] {strides = array<i32>} : memref<3328xf32, #tpu.memory_space<vmem>>, vector<16xf32>,
    %add3A_1246 = arith.addf %add3A_1243, %get3A_1245 : vector<16xf32>
    %get3A_1247 = arith.constant 1360 : index
    %get3A_1248 = tpu.vector_load %arg9[%get3A_1247] {strides = array<i32>} : memref<3328xf32, #tpu.memory_space<vmem>>, vector<16xf32>,
    %add3A_1249 = arith.addf %add3A_1246, %get3A_1248 : vector<16xf32>
    %get3A_1250 = arith.constant 1488 : index
    %get3A_1251 = tpu.vector_load %arg9[%get3A_1250] {strides = array<i32>} : memref<3328xf32, #tpu.memory_space<vmem>>, vector<16xf32>,
    %add3A_1252 = arith.addf %add3A_1249, %get3A_1251 : vector<16xf32>
    %get3A_1253 = arith.constant 1616 : index
    %get3A_1254 = tpu.vector_load %arg9[%get3A_1253] {strides = array<i32>} : memref<3328xf32, #tpu.memory_space<vmem>>, vector<16xf32>,
    %add3A_1255 = arith.addf %add3A_1252, %get3A_1254 : vector<16xf32>
    %get3A_1256 = arith.constant 1744 : index
    %get3A_1257 = tpu.vector_load %arg9[%get3A_1256] {strides = array<i32>} : memref<3328xf32, #tpu.memory_space<vmem>>, vector<16xf32>,
    %add3A_1258 = arith.addf %add3A_1255, %get3A_1257 : vector<16xf32>
    %get3A_1259 = arith.constant 1872 : index
    %get3A_1260 = tpu.vector_load %arg9[%get3A_1259] {strides = array<i32>} : memref<3328xf32, #tpu.memory_space<vmem>>, vector<16xf32>,
    %add3A_1261 = arith.addf %add3A_1258, %get3A_1260 : vector<16xf32>
    %get3A_1262 = arith.constant 2000 : index
    %get3A_1263 = tpu.vector_load %arg9[%get3A_1262] {strides = array<i32>} : memref<3328xf32, #tpu.memory_space<vmem>>, vector<16xf32>,
    %add3A_1264 = arith.addf %add3A_1261, %get3A_1263 : vector<16xf32>
    %get3A_1265 = arith.constant 2128 : index
    %get3A_1266 = tpu.vector_load %arg9[%get3A_1265] {strides = array<i32>} : memref<3328xf32, #tpu.memory_space<vmem>>, vector<16xf32>,
    %add3A_1267 = arith.addf %add3A_1264, %get3A_1266 : vector<16xf32>
    %get3A_1268 = arith.constant 2256 : index
    %get3A_1269 = tpu.vector_load %arg9[%get3A_1268] {strides = array<i32>} : memref<3328xf32, #tpu.memory_space<vmem>>, vector<16xf32>,
    %add3A_1270 = arith.addf %add3A_1267, %get3A_1269 : vector<16xf32>
    %get3A_1271 = arith.constant 2384 : index
    %get3A_1272 = tpu.vector_load %arg9[%get3A_1271] {strides = array<i32>} : memref<3328xf32, #tpu.memory_space<vmem>>, vector<16xf32>,
    %add3A_1273 = arith.addf %add3A_1270, %get3A_1272 : vector<16xf32>
    %get3A_1274 = arith.constant 2512 : index
    %get3A_1275 = tpu.vector_load %arg9[%get3A_1274] {strides = array<i32>} : memref<3328xf32, #tpu.memory_space<vmem>>, vector<16xf32>,
    %add3A_1276 = arith.addf %add3A_1273, %get3A_1275 : vector<16xf32>
    %get3A_1277 = arith.constant 2640 : index
    %get3A_1278 = tpu.vector_load %arg9[%get3A_1277] {strides = array<i32>} : memref<3328xf32, #tpu.memory_space<vmem>>, vector<16xf32>,
    %add3A_1279 = arith.addf %add3A_1276, %get3A_1278 : vector<16xf32>
    %get3A_1280 = arith.constant 2768 : index
    %get3A_1281 = tpu.vector_load %arg9[%get3A_1280] {strides = array<i32>} : memref<3328xf32, #tpu.memory_space<vmem>>, vector<16xf32>,
    %add3A_1282 = arith.addf %add3A_1279, %get3A_1281 : vector<16xf32>
    %get3A_1283 = arith.constant 2896 : index
    %get3A_1284 = tpu.vector_load %arg9[%get3A_1283] {strides = array<i32>} : memref<3328xf32, #tpu.memory_space<vmem>>, vector<16xf32>,
    %add3A_1285 = arith.addf %add3A_1282, %get3A_1284 : vector<16xf32>
    %get3A_1286 = arith.constant 3024 : index
    %get3A_1287 = tpu.vector_load %arg9[%get3A_1286] {strides = array<i32>} : memref<3328xf32, #tpu.memory_space<vmem>>, vector<16xf32>,
    %add3A_1288 = arith.addf %add3A_1285, %get3A_1287 : vector<16xf32>
    %get3A_1289 = arith.constant 3152 : index
    %get3A_1290 = tpu.vector_load %arg9[%get3A_1289] {strides = array<i32>} : memref<3328xf32, #tpu.memory_space<vmem>>, vector<16xf32>,
    %add3A_1291 = arith.addf %add3A_1288, %get3A_1290 : vector<16xf32>
    %get3A_1292 = arith.constant 3280 : index
    %get3A_1293 = tpu.vector_load %arg9[%get3A_1292] {strides = array<i32>} : memref<3328xf32, #tpu.memory_space<vmem>>, vector<16xf32>,
    %add3A_1294 = arith.addf %add3A_1291, %get3A_1293 : vector<16xf32>
    %neg3A_1295 = arith.constant 0.000000e+00 : f32
    %neg3A_1296 = vector.broadcast %neg3A_1295 : f32 to vector<16xf32>
    %neg3A_1297 = arith.subf %neg3A_1296, %add3A_1294 : vector<16xf32>
    %exp3A_1298 = math.exp %neg3A_1297 : vector<16xf32>
    %add3A_1299 = arith.constant 1.000000e+00 : f32
    %add3A_1300 = vector.broadcast %add3A_1299 : f32 to vector<16xf32>
    %add3A_1301 = arith.addf %add3A_1300, %exp3A_1298 : vector<16xf32>
    %div3A_1302 = arith.constant 1.000000e+00 : f32
    %div3A_1303 = vector.broadcast %div3A_1302 : f32 to vector<16xf32>
    %div3A_1304 = arith.divf %div3A_1303, %add3A_1301 : vector<16xf32>
    %swap3A_1305 = arith.constant 80 : index
    %swap3A_1306 = tpu.vector_load %arg11[%swap3A_1305] {strides = array<i32>} : memref<128xf32, #tpu.memory_space<vmem>>, vector<16xf32>,
    tpu.vector_store %arg11[%swap3A_1305], %div3A_1304 {strides = array<i32>} : memref<128xf32, #tpu.memory_space<vmem>>, vector<16xf32>,
    %get3A_1307 = arith.constant 96 : index
    %get3A_1308 = tpu.vector_load %arg10[%get3A_1307] {strides = array<i32>} : memref<128xf32, #tpu.memory_space<vmem>>, vector<16xf32>,
    %get3A_1309 = arith.constant 96 : index
    %get3A_1310 = tpu.vector_load %arg9[%get3A_1309] {strides = array<i32>} : memref<3328xf32, #tpu.memory_space<vmem>>, vector<16xf32>,
    %add3A_1311 = arith.addf %get3A_1308, %get3A_1310 : vector<16xf32>
    %get3A_1312 = arith.constant 224 : index
    %get3A_1313 = tpu.vector_load %arg9[%get3A_1312] {strides = array<i32>} : memref<3328xf32, #tpu.memory_space<vmem>>, vector<16xf32>,
    %add3A_1314 = arith.addf %add3A_1311, %get3A_1313 : vector<16xf32>
    %get3A_1315 = arith.constant 352 : index
    %get3A_1316 = tpu.vector_load %arg9[%get3A_1315] {strides = array<i32>} : memref<3328xf32, #tpu.memory_space<vmem>>, vector<16xf32>,
    %add3A_1317 = arith.addf %add3A_1314, %get3A_1316 : vector<16xf32>
    %get3A_1318 = arith.constant 480 : index
    %get3A_1319 = tpu.vector_load %arg9[%get3A_1318] {strides = array<i32>} : memref<3328xf32, #tpu.memory_space<vmem>>, vector<16xf32>,
    %add3A_1320 = arith.addf %add3A_1317, %get3A_1319 : vector<16xf32>
    %get3A_1321 = arith.constant 608 : index
    %get3A_1322 = tpu.vector_load %arg9[%get3A_1321] {strides = array<i32>} : memref<3328xf32, #tpu.memory_space<vmem>>, vector<16xf32>,
    %add3A_1323 = arith.addf %add3A_1320, %get3A_1322 : vector<16xf32>
    %get3A_1324 = arith.constant 736 : index
    %get3A_1325 = tpu.vector_load %arg9[%get3A_1324] {strides = array<i32>} : memref<3328xf32, #tpu.memory_space<vmem>>, vector<16xf32>,
    %add3A_1326 = arith.addf %add3A_1323, %get3A_1325 : vector<16xf32>
    %get3A_1327 = arith.constant 864 : index
    %get3A_1328 = tpu.vector_load %arg9[%get3A_1327] {strides = array<i32>} : memref<3328xf32, #tpu.memory_space<vmem>>, vector<16xf32>,
    %add3A_1329 = arith.addf %add3A_1326, %get3A_1328 : vector<16xf32>
    %get3A_1330 = arith.constant 992 : index
    %get3A_1331 = tpu.vector_load %arg9[%get3A_1330] {strides = array<i32>} : memref<3328xf32, #tpu.memory_space<vmem>>, vector<16xf32>,
    %add3A_1332 = arith.addf %add3A_1329, %get3A_1331 : vector<16xf32>
    %get3A_1333 = arith.constant 1120 : index
    %get3A_1334 = tpu.vector_load %arg9[%get3A_1333] {strides = array<i32>} : memref<3328xf32, #tpu.memory_space<vmem>>, vector<16xf32>,
    %add3A_1335 = arith.addf %add3A_1332, %get3A_1334 : vector<16xf32>
    %get3A_1336 = arith.constant 1248 : index
    %get3A_1337 = tpu.vector_load %arg9[%get3A_1336] {strides = array<i32>} : memref<3328xf32, #tpu.memory_space<vmem>>, vector<16xf32>,
    %add3A_1338 = arith.addf %add3A_1335, %get3A_1337 : vector<16xf32>
    %get3A_1339 = arith.constant 1376 : index
    %get3A_1340 = tpu.vector_load %arg9[%get3A_1339] {strides = array<i32>} : memref<3328xf32, #tpu.memory_space<vmem>>, vector<16xf32>,
    %add3A_1341 = arith.addf %add3A_1338, %get3A_1340 : vector<16xf32>
    %get3A_1342 = arith.constant 1504 : index
    %get3A_1343 = tpu.vector_load %arg9[%get3A_1342] {strides = array<i32>} : memref<3328xf32, #tpu.memory_space<vmem>>, vector<16xf32>,
    %add3A_1344 = arith.addf %add3A_1341, %get3A_1343 : vector<16xf32>
    %get3A_1345 = arith.constant 1632 : index
    %get3A_1346 = tpu.vector_load %arg9[%get3A_1345] {strides = array<i32>} : memref<3328xf32, #tpu.memory_space<vmem>>, vector<16xf32>,
    %add3A_1347 = arith.addf %add3A_1344, %get3A_1346 : vector<16xf32>
    %get3A_1348 = arith.constant 1760 : index
    %get3A_1349 = tpu.vector_load %arg9[%get3A_1348] {strides = array<i32>} : memref<3328xf32, #tpu.memory_space<vmem>>, vector<16xf32>,
    %add3A_1350 = arith.addf %add3A_1347, %get3A_1349 : vector<16xf32>
    %get3A_1351 = arith.constant 1888 : index
    %get3A_1352 = tpu.vector_load %arg9[%get3A_1351] {strides = array<i32>} : memref<3328xf32, #tpu.memory_space<vmem>>, vector<16xf32>,
    %add3A_1353 = arith.addf %add3A_1350, %get3A_1352 : vector<16xf32>
    %get3A_1354 = arith.constant 2016 : index
    %get3A_1355 = tpu.vector_load %arg9[%get3A_1354] {strides = array<i32>} : memref<3328xf32, #tpu.memory_space<vmem>>, vector<16xf32>,
    %add3A_1356 = arith.addf %add3A_1353, %get3A_1355 : vector<16xf32>
    %get3A_1357 = arith.constant 2144 : index
    %get3A_1358 = tpu.vector_load %arg9[%get3A_1357] {strides = array<i32>} : memref<3328xf32, #tpu.memory_space<vmem>>, vector<16xf32>,
    %add3A_1359 = arith.addf %add3A_1356, %get3A_1358 : vector<16xf32>
    %get3A_1360 = arith.constant 2272 : index
    %get3A_1361 = tpu.vector_load %arg9[%get3A_1360] {strides = array<i32>} : memref<3328xf32, #tpu.memory_space<vmem>>, vector<16xf32>,
    %add3A_1362 = arith.addf %add3A_1359, %get3A_1361 : vector<16xf32>
    %get3A_1363 = arith.constant 2400 : index
    %get3A_1364 = tpu.vector_load %arg9[%get3A_1363] {strides = array<i32>} : memref<3328xf32, #tpu.memory_space<vmem>>, vector<16xf32>,
    %add3A_1365 = arith.addf %add3A_1362, %get3A_1364 : vector<16xf32>
    %get3A_1366 = arith.constant 2528 : index
    %get3A_1367 = tpu.vector_load %arg9[%get3A_1366] {strides = array<i32>} : memref<3328xf32, #tpu.memory_space<vmem>>, vector<16xf32>,
    %add3A_1368 = arith.addf %add3A_1365, %get3A_1367 : vector<16xf32>
    %get3A_1369 = arith.constant 2656 : index
    %get3A_1370 = tpu.vector_load %arg9[%get3A_1369] {strides = array<i32>} : memref<3328xf32, #tpu.memory_space<vmem>>, vector<16xf32>,
    %add3A_1371 = arith.addf %add3A_1368, %get3A_1370 : vector<16xf32>
    %get3A_1372 = arith.constant 2784 : index
    %get3A_1373 = tpu.vector_load %arg9[%get3A_1372] {strides = array<i32>} : memref<3328xf32, #tpu.memory_space<vmem>>, vector<16xf32>,
    %add3A_1374 = arith.addf %add3A_1371, %get3A_1373 : vector<16xf32>
    %get3A_1375 = arith.constant 2912 : index
    %get3A_1376 = tpu.vector_load %arg9[%get3A_1375] {strides = array<i32>} : memref<3328xf32, #tpu.memory_space<vmem>>, vector<16xf32>,
    %add3A_1377 = arith.addf %add3A_1374, %get3A_1376 : vector<16xf32>
    %get3A_1378 = arith.constant 3040 : index
    %get3A_1379 = tpu.vector_load %arg9[%get3A_1378] {strides = array<i32>} : memref<3328xf32, #tpu.memory_space<vmem>>, vector<16xf32>,
    %add3A_1380 = arith.addf %add3A_1377, %get3A_1379 : vector<16xf32>
    %get3A_1381 = arith.constant 3168 : index
    %get3A_1382 = tpu.vector_load %arg9[%get3A_1381] {strides = array<i32>} : memref<3328xf32, #tpu.memory_space<vmem>>, vector<16xf32>,
    %add3A_1383 = arith.addf %add3A_1380, %get3A_1382 : vector<16xf32>
    %get3A_1384 = arith.constant 3296 : index
    %get3A_1385 = tpu.vector_load %arg9[%get3A_1384] {strides = array<i32>} : memref<3328xf32, #tpu.memory_space<vmem>>, vector<16xf32>,
    %add3A_1386 = arith.addf %add3A_1383, %get3A_1385 : vector<16xf32>
    %neg3A_1387 = arith.constant 0.000000e+00 : f32
    %neg3A_1388 = vector.broadcast %neg3A_1387 : f32 to vector<16xf32>
    %neg3A_1389 = arith.subf %neg3A_1388, %add3A_1386 : vector<16xf32>
    %exp3A_1390 = math.exp %neg3A_1389 : vector<16xf32>
    %add3A_1391 = arith.constant 1.000000e+00 : f32
    %add3A_1392 = vector.broadcast %add3A_1391 : f32 to vector<16xf32>
    %add3A_1393 = arith.addf %add3A_1392, %exp3A_1390 : vector<16xf32>
    %div3A_1394 = arith.constant 1.000000e+00 : f32
    %div3A_1395 = vector.broadcast %div3A_1394 : f32 to vector<16xf32>
    %div3A_1396 = arith.divf %div3A_1395, %add3A_1393 : vector<16xf32>
    %swap3A_1397 = arith.constant 96 : index
    %swap3A_1398 = tpu.vector_load %arg11[%swap3A_1397] {strides = array<i32>} : memref<128xf32, #tpu.memory_space<vmem>>, vector<16xf32>,
    tpu.vector_store %arg11[%swap3A_1397], %div3A_1396 {strides = array<i32>} : memref<128xf32, #tpu.memory_space<vmem>>, vector<16xf32>,
    %get3A_1399 = arith.constant 112 : index
    %get3A_1400 = tpu.vector_load %arg10[%get3A_1399] {strides = array<i32>} : memref<128xf32, #tpu.memory_space<vmem>>, vector<16xf32>,
    %get3A_1401 = arith.constant 112 : index
    %get3A_1402 = tpu.vector_load %arg9[%get3A_1401] {strides = array<i32>} : memref<3328xf32, #tpu.memory_space<vmem>>, vector<16xf32>,
    %add3A_1403 = arith.addf %get3A_1400, %get3A_1402 : vector<16xf32>
    %get3A_1404 = arith.constant 240 : index
    %get3A_1405 = tpu.vector_load %arg9[%get3A_1404] {strides = array<i32>} : memref<3328xf32, #tpu.memory_space<vmem>>, vector<16xf32>,
    %add3A_1406 = arith.addf %add3A_1403, %get3A_1405 : vector<16xf32>
    %get3A_1407 = arith.constant 368 : index
    %get3A_1408 = tpu.vector_load %arg9[%get3A_1407] {strides = array<i32>} : memref<3328xf32, #tpu.memory_space<vmem>>, vector<16xf32>,
    %add3A_1409 = arith.addf %add3A_1406, %get3A_1408 : vector<16xf32>
    %get3A_1410 = arith.constant 496 : index
    %get3A_1411 = tpu.vector_load %arg9[%get3A_1410] {strides = array<i32>} : memref<3328xf32, #tpu.memory_space<vmem>>, vector<16xf32>,
    %add3A_1412 = arith.addf %add3A_1409, %get3A_1411 : vector<16xf32>
    %get3A_1413 = arith.constant 624 : index
    %get3A_1414 = tpu.vector_load %arg9[%get3A_1413] {strides = array<i32>} : memref<3328xf32, #tpu.memory_space<vmem>>, vector<16xf32>,
    %add3A_1415 = arith.addf %add3A_1412, %get3A_1414 : vector<16xf32>
    %get3A_1416 = arith.constant 752 : index
    %get3A_1417 = tpu.vector_load %arg9[%get3A_1416] {strides = array<i32>} : memref<3328xf32, #tpu.memory_space<vmem>>, vector<16xf32>,
    %add3A_1418 = arith.addf %add3A_1415, %get3A_1417 : vector<16xf32>
    %get3A_1419 = arith.constant 880 : index
    %get3A_1420 = tpu.vector_load %arg9[%get3A_1419] {strides = array<i32>} : memref<3328xf32, #tpu.memory_space<vmem>>, vector<16xf32>,
    %add3A_1421 = arith.addf %add3A_1418, %get3A_1420 : vector<16xf32>
    %get3A_1422 = arith.constant 1008 : index
    %get3A_1423 = tpu.vector_load %arg9[%get3A_1422] {strides = array<i32>} : memref<3328xf32, #tpu.memory_space<vmem>>, vector<16xf32>,
    %add3A_1424 = arith.addf %add3A_1421, %get3A_1423 : vector<16xf32>
    %get3A_1425 = arith.constant 1136 : index
    %get3A_1426 = tpu.vector_load %arg9[%get3A_1425] {strides = array<i32>} : memref<3328xf32, #tpu.memory_space<vmem>>, vector<16xf32>,
    %add3A_1427 = arith.addf %add3A_1424, %get3A_1426 : vector<16xf32>
    %get3A_1428 = arith.constant 1264 : index
    %get3A_1429 = tpu.vector_load %arg9[%get3A_1428] {strides = array<i32>} : memref<3328xf32, #tpu.memory_space<vmem>>, vector<16xf32>,
    %add3A_1430 = arith.addf %add3A_1427, %get3A_1429 : vector<16xf32>
    %get3A_1431 = arith.constant 1392 : index
    %get3A_1432 = tpu.vector_load %arg9[%get3A_1431] {strides = array<i32>} : memref<3328xf32, #tpu.memory_space<vmem>>, vector<16xf32>,
    %add3A_1433 = arith.addf %add3A_1430, %get3A_1432 : vector<16xf32>
    %get3A_1434 = arith.constant 1520 : index
    %get3A_1435 = tpu.vector_load %arg9[%get3A_1434] {strides = array<i32>} : memref<3328xf32, #tpu.memory_space<vmem>>, vector<16xf32>,
    %add3A_1436 = arith.addf %add3A_1433, %get3A_1435 : vector<16xf32>
    %get3A_1437 = arith.constant 1648 : index
    %get3A_1438 = tpu.vector_load %arg9[%get3A_1437] {strides = array<i32>} : memref<3328xf32, #tpu.memory_space<vmem>>, vector<16xf32>,
    %add3A_1439 = arith.addf %add3A_1436, %get3A_1438 : vector<16xf32>
    %get3A_1440 = arith.constant 1776 : index
    %get3A_1441 = tpu.vector_load %arg9[%get3A_1440] {strides = array<i32>} : memref<3328xf32, #tpu.memory_space<vmem>>, vector<16xf32>,
    %add3A_1442 = arith.addf %add3A_1439, %get3A_1441 : vector<16xf32>
    %get3A_1443 = arith.constant 1904 : index
    %get3A_1444 = tpu.vector_load %arg9[%get3A_1443] {strides = array<i32>} : memref<3328xf32, #tpu.memory_space<vmem>>, vector<16xf32>,
    %add3A_1445 = arith.addf %add3A_1442, %get3A_1444 : vector<16xf32>
    %get3A_1446 = arith.constant 2032 : index
    %get3A_1447 = tpu.vector_load %arg9[%get3A_1446] {strides = array<i32>} : memref<3328xf32, #tpu.memory_space<vmem>>, vector<16xf32>,
    %add3A_1448 = arith.addf %add3A_1445, %get3A_1447 : vector<16xf32>
    %get3A_1449 = arith.constant 2160 : index
    %get3A_1450 = tpu.vector_load %arg9[%get3A_1449] {strides = array<i32>} : memref<3328xf32, #tpu.memory_space<vmem>>, vector<16xf32>,
    %add3A_1451 = arith.addf %add3A_1448, %get3A_1450 : vector<16xf32>
    %get3A_1452 = arith.constant 2288 : index
    %get3A_1453 = tpu.vector_load %arg9[%get3A_1452] {strides = array<i32>} : memref<3328xf32, #tpu.memory_space<vmem>>, vector<16xf32>,
    %add3A_1454 = arith.addf %add3A_1451, %get3A_1453 : vector<16xf32>
    %get3A_1455 = arith.constant 2416 : index
    %get3A_1456 = tpu.vector_load %arg9[%get3A_1455] {strides = array<i32>} : memref<3328xf32, #tpu.memory_space<vmem>>, vector<16xf32>,
    %add3A_1457 = arith.addf %add3A_1454, %get3A_1456 : vector<16xf32>
    %get3A_1458 = arith.constant 2544 : index
    %get3A_1459 = tpu.vector_load %arg9[%get3A_1458] {strides = array<i32>} : memref<3328xf32, #tpu.memory_space<vmem>>, vector<16xf32>,
    %add3A_1460 = arith.addf %add3A_1457, %get3A_1459 : vector<16xf32>
    %get3A_1461 = arith.constant 2672 : index
    %get3A_1462 = tpu.vector_load %arg9[%get3A_1461] {strides = array<i32>} : memref<3328xf32, #tpu.memory_space<vmem>>, vector<16xf32>,
    %add3A_1463 = arith.addf %add3A_1460, %get3A_1462 : vector<16xf32>
    %get3A_1464 = arith.constant 2800 : index
    %get3A_1465 = tpu.vector_load %arg9[%get3A_1464] {strides = array<i32>} : memref<3328xf32, #tpu.memory_space<vmem>>, vector<16xf32>,
    %add3A_1466 = arith.addf %add3A_1463, %get3A_1465 : vector<16xf32>
    %get3A_1467 = arith.constant 2928 : index
    %get3A_1468 = tpu.vector_load %arg9[%get3A_1467] {strides = array<i32>} : memref<3328xf32, #tpu.memory_space<vmem>>, vector<16xf32>,
    %add3A_1469 = arith.addf %add3A_1466, %get3A_1468 : vector<16xf32>
    %get3A_1470 = arith.constant 3056 : index
    %get3A_1471 = tpu.vector_load %arg9[%get3A_1470] {strides = array<i32>} : memref<3328xf32, #tpu.memory_space<vmem>>, vector<16xf32>,
    %add3A_1472 = arith.addf %add3A_1469, %get3A_1471 : vector<16xf32>
    %get3A_1473 = arith.constant 3184 : index
    %get3A_1474 = tpu.vector_load %arg9[%get3A_1473] {strides = array<i32>} : memref<3328xf32, #tpu.memory_space<vmem>>, vector<16xf32>,
    %add3A_1475 = arith.addf %add3A_1472, %get3A_1474 : vector<16xf32>
    %get3A_1476 = arith.constant 3312 : index
    %get3A_1477 = tpu.vector_load %arg9[%get3A_1476] {strides = array<i32>} : memref<3328xf32, #tpu.memory_space<vmem>>, vector<16xf32>,
    %add3A_1478 = arith.addf %add3A_1475, %get3A_1477 : vector<16xf32>
    %neg3A_1479 = arith.constant 0.000000e+00 : f32
    %neg3A_1480 = vector.broadcast %neg3A_1479 : f32 to vector<16xf32>
    %neg3A_1481 = arith.subf %neg3A_1480, %add3A_1478 : vector<16xf32>
    %exp3A_1482 = math.exp %neg3A_1481 : vector<16xf32>
    %add3A_1483 = arith.constant 1.000000e+00 : f32
    %add3A_1484 = vector.broadcast %add3A_1483 : f32 to vector<16xf32>
    %add3A_1485 = arith.addf %add3A_1484, %exp3A_1482 : vector<16xf32>
    %div3A_1486 = arith.constant 1.000000e+00 : f32
    %div3A_1487 = vector.broadcast %div3A_1486 : f32 to vector<16xf32>
    %div3A_1488 = arith.divf %div3A_1487, %add3A_1485 : vector<16xf32>
    %swap3A_1489 = arith.constant 112 : index
    %swap3A_1490 = tpu.vector_load %arg11[%swap3A_1489] {strides = array<i32>} : memref<128xf32, #tpu.memory_space<vmem>>, vector<16xf32>,
    tpu.vector_store %arg11[%swap3A_1489], %div3A_1488 {strides = array<i32>} : memref<128xf32, #tpu.memory_space<vmem>>, vector<16xf32>,
    "tpu.region"() ({
      %run_scoped3A = tpu.sem_alloc : memref<!tpu.dma_semaphore, #tpu.memory_space<semaphore_mem>>
      %dma_start3A_1491 = tpu.memref_slice %arg6[%multiple_of3A] : memref<4096xf32, #tpu.memory_space<hbm>> -> memref<128xf32, #tpu.memory_space<hbm>>
      %dma_start3A_1492 = tpu.memref_slice %arg6[%multiple_of3A] : memref<4096xf32, #tpu.memory_space<hbm>> -> memref<128xf32, #tpu.memory_space<hbm>>
      tpu.enqueue_dma source(%arg11 : memref<128xf32, #tpu.memory_space<vmem>>) target(%dma_start3A_1492 : memref<128xf32, #tpu.memory_space<hbm>>) target_semaphore(%run_scoped3A : memref<!tpu.dma_semaphore, #tpu.memory_space<semaphore_mem>>)
      %dma_wait3A_1493 = tpu.memref_slice %arg6[%multiple_of3A] : memref<4096xf32, #tpu.memory_space<hbm>> -> memref<128xf32, #tpu.memory_space<hbm>>
      %dma_wait3A_1494 = tpu.memref_slice %arg6[%multiple_of3A] : memref<4096xf32, #tpu.memory_space<hbm>> -> memref<128xf32, #tpu.memory_space<hbm>>
      tpu.wait_dma2 semaphore(%run_scoped3A : memref<!tpu.dma_semaphore, #tpu.memory_space<semaphore_mem>>) src(%arg11 : memref<128xf32, #tpu.memory_space<vmem>>) dst(%dma_wait3A_1494 : memref<128xf32, #tpu.memory_space<hbm>>)
      tpu.yield
    }) : () -> ()
    return
  }
}

module attributes {stable_mosaic.version = 14 : i64} {
  func.func @_fold_body(%arg0: memref<4096x13xf32, #tpu.memory_space<vmem>>, %arg1: memref<13x64xf32, #tpu.memory_space<vmem>>, %arg2: memref<64xf32, #tpu.memory_space<vmem>>, %arg3: memref<256x832xf32, #tpu.memory_space<vmem>>, %arg4: memref<256x64xf32, #tpu.memory_space<vmem>>, %arg5: memref<256xf32, #tpu.memory_space<vmem>>, %arg6: memref<1x832xf32, #tpu.memory_space<vmem>>, %arg7: memref<4096x1xf32, #tpu.memory_space<vmem>>) attributes {dimension_semantics = [], scalar_prefetch = 0 : i64, scratch_operands = 0 : i64, tpu.core_type = #tpu.core_type<tc>} {
    %get3A = arith.constant 0 : index
    %get3A_0 = arith.constant 0 : index
    %get3A_1 = vector.load %arg3[%get3A, %get3A_0] : memref<256x832xf32, #tpu.memory_space<vmem>>, vector<256x832xf32>
    %reduce_sum3A = arith.constant dense<0.000000e+00> : vector<832xf32>
    %reduce_sum3A_2 = vector.multi_reduction <add>, %get3A_1, %reduce_sum3A [0] : vector<256x832xf32> to vector<832xf32>
    %broadcast_in_dim3A = vector.shape_cast %reduce_sum3A_2 : vector<832xf32> to vector<1x832xf32>
    %div3A = arith.constant 2.560000e+02 : f32
    %div3A_3 = vector.broadcast %div3A : f32 to vector<1x832xf32>
    %div3A_4 = arith.divf %broadcast_in_dim3A, %div3A_3 : vector<1x832xf32>
    %swap3A = arith.constant 0 : index
    %swap3A_5 = arith.constant 0 : index
    %swap3A_6 = vector.load %arg6[%swap3A, %swap3A_5] : memref<1x832xf32, #tpu.memory_space<vmem>>, vector<1x832xf32>
    tpu.vector_store %arg6[%swap3A, %swap3A_5], %div3A_4 {strides = array<i32>} : memref<1x832xf32, #tpu.memory_space<vmem>>, vector<1x832xf32>,
    %get3A_7 = arith.constant 0 : index
    %get3A_8 = arith.constant 0 : index
    %get3A_9 = vector.load %arg4[%get3A_7, %get3A_8] : memref<256x64xf32, #tpu.memory_space<vmem>>, vector<256x64xf32>
    %reduce_sum3A_10 = arith.constant dense<0.000000e+00> : vector<64xf32>
    %reduce_sum3A_11 = vector.multi_reduction <add>, %get3A_9, %reduce_sum3A_10 [0] : vector<256x64xf32> to vector<64xf32>
    %broadcast_in_dim3A_12 = vector.shape_cast %reduce_sum3A_11 : vector<64xf32> to vector<1x64xf32>
    %div3A_13 = arith.constant 2.560000e+02 : f32
    %div3A_14 = vector.broadcast %div3A_13 : f32 to vector<1x64xf32>
    %div3A_15 = arith.divf %broadcast_in_dim3A_12, %div3A_14 : vector<1x64xf32>
    %get3A_16 = arith.constant 0 : index
    %get3A_17 = arith.constant 0 : index
    %get3A_18 = vector.load %arg1[%get3A_16, %get3A_17] : memref<13x64xf32, #tpu.memory_space<vmem>>, vector<13x64xf32>
    %dot_general3A = arith.constant dense<0.000000e+00> : vector<13x1xf32>
    %dot_general3A_19 = tpu.matmul %get3A_18, %div3A_15, %dot_general3A {dimension_numbers = #tpu.dot_dimension_numbers<[1], [1], [0], [0], [0, 0, 1, 0], [], []>, transpose_lhs_hint = false} : vector<13x64xf32>, vector<1x64xf32>, vector<13x1xf32> -> vector<13x1xf32>
    %get3A_20 = arith.constant 0 : index
    %get3A_21 = vector.load %arg2[%get3A_20] : memref<64xf32, #tpu.memory_space<vmem>>, vector<64xf32>
    %broadcast_in_dim3A_22 = vector.shape_cast %get3A_21 : vector<64xf32> to vector<1x64xf32>
    %mul3A = arith.mulf %broadcast_in_dim3A_22, %div3A_15 : vector<1x64xf32>
    %reduce_sum3A_23 = vector.shape_cast %mul3A : vector<1x64xf32> to vector<1x1x64xf32>
    %reduce_sum3A_24 = arith.constant dense<0.000000e+00> : vector<1xf32>
    %reduce_sum3A_25 = vector.multi_reduction <add>, %reduce_sum3A_23, %reduce_sum3A_24 [1, 2] : vector<1x1x64xf32> to vector<1xf32>
    %reduce_sum3A_26 = vector.shape_cast %reduce_sum3A_25 : vector<1xf32> to vector<1x1x1xf32>
    %reduce_sum3A_27 = vector.extract %reduce_sum3A_26[0, 0, 0] : f32 from vector<1x1x1xf32>
    %get3A_28 = arith.constant 0 : index
    %get3A_29 = vector.load %arg5[%get3A_28] : memref<256xf32, #tpu.memory_space<vmem>>, vector<256xf32>
    %reduce_sum3A_30 = vector.shape_cast %get3A_29 : vector<256xf32> to vector<1x256xf32>
    %reduce_sum3A_31 = arith.constant dense<0.000000e+00> : vector<1xf32>
    %reduce_sum3A_32 = vector.multi_reduction <add>, %reduce_sum3A_30, %reduce_sum3A_31 [1] : vector<1x256xf32> to vector<1xf32>
    %reduce_sum3A_33 = vector.shape_cast %reduce_sum3A_32 : vector<1xf32> to vector<1x1xf32>
    %reduce_sum3A_34 = vector.extract %reduce_sum3A_33[0, 0] : f32 from vector<1x1xf32>
    %div3A_35 = arith.constant 2.560000e+02 : f32
    %div3A_36 = arith.divf %reduce_sum3A_34, %div3A_35 : f32
    %add3A = arith.addf %reduce_sum3A_27, %div3A_36 : f32
    %get3A_37 = arith.constant 0 : index
    %get3A_38 = arith.constant 0 : index
    %get3A_39 = vector.load %arg0[%get3A_37, %get3A_38] : memref<4096x13xf32, #tpu.memory_space<vmem>>, vector<4096x13xf32>
    %dot_general3A_40 = arith.constant dense<0.000000e+00> : vector<4096x1xf32>
    %dot_general3A_41 = tpu.matmul %get3A_39, %dot_general3A_19, %dot_general3A_40 {dimension_numbers = #tpu.dot_dimension_numbers<[1], [0], [0], [1], [0, 0, 1, 1], [], []>, transpose_lhs_hint = false} : vector<4096x13xf32>, vector<13x1xf32>, vector<4096x1xf32> -> vector<4096x1xf32>
    %add3A_42 = vector.broadcast %add3A : f32 to vector<4096x1xf32>
    %add3A_43 = arith.addf %dot_general3A_41, %add3A_42 : vector<4096x1xf32>
    %swap3A_44 = arith.constant 0 : index
    %swap3A_45 = arith.constant 0 : index
    %swap3A_46 = vector.load %arg7[%swap3A_44, %swap3A_45] : memref<4096x1xf32, #tpu.memory_space<vmem>>, vector<4096x1xf32>
    tpu.vector_store %arg7[%swap3A_44, %swap3A_45], %add3A_43 {strides = array<i32>} : memref<4096x1xf32, #tpu.memory_space<vmem>>, vector<4096x1xf32>,
    return
  }
}

module attributes {stable_mosaic.version = 14 : i64} {
  func.func @_collapse_body(%arg0: i32, %arg1: i32, %arg2: memref<1x32x50176xf32, #tpu.memory_space<vmem>>, %arg3: memref<1x1x32xf32, #tpu.memory_space<vmem>>, %arg4: memref<1x4x12544xf32, #tpu.memory_space<vmem>>) attributes {dimension_semantics = [#tpu.dimension_semantics<arbitrary>, #tpu.dimension_semantics<arbitrary>], iteration_bounds = array<i64: 26, 2>, scalar_prefetch = 0 : i64, scratch_operands = 0 : i64, tpu.core_type = #tpu.core_type<tc>, window_params = [{transform_indices = @transform_0, window_bounds = array<i64: 1, 32, 50176>}, {transform_indices = @transform_1, window_bounds = array<i64: 1, 1, 32>}, {transform_indices = @transform_2, window_bounds = array<i64: 1, 4, 12544>}]} {
    %get3A = arith.constant 0 : index
    %get3A_0 = arith.constant 0 : index
    %get3A_1 = arith.constant 0 : index
    %get3A_2 = vector.load %arg3[%get3A, %get3A_0, %get3A_1] : memref<1x1x32xf32, #tpu.memory_space<vmem>>, vector<1x1x32xf32>
    %get3A_3 = vector.shape_cast %get3A_2 : vector<1x1x32xf32> to vector<1x32xf32>
    %get3A_4 = arith.constant 0 : index
    %get3A_5 = arith.constant 0 : index
    %get3A_6 = arith.constant 0 : index
    %get3A_7 = vector.load %arg2[%get3A_4, %get3A_5, %get3A_6] : memref<1x32x50176xf32, #tpu.memory_space<vmem>>, vector<1x32x12544xf32>
    %get3A_8 = vector.shape_cast %get3A_7 : vector<1x32x12544xf32> to vector<32x12544xf32>
    %dot_general3A = arith.constant dense<0.000000e+00> : vector<1x12544xf32>
    %dot_general3A_9 = tpu.matmul %get3A_3, %get3A_8, %dot_general3A {dimension_numbers = #tpu.dot_dimension_numbers<[1], [0], [0], [1], [0, 0, 1, 1], [], []>, transpose_lhs_hint = false} : vector<1x32xf32>, vector<32x12544xf32>, vector<1x12544xf32> -> vector<1x12544xf32>
    %swap3A = arith.constant 0 : index
    %swap3A_10 = arith.constant 0 : index
    %swap3A_11 = arith.constant 0 : index
    %swap3A_12 = vector.load %arg4[%swap3A, %swap3A_10, %swap3A_11] : memref<1x4x12544xf32, #tpu.memory_space<vmem>>, vector<1x1x12544xf32>
    %swap3A_13 = vector.shape_cast %swap3A_12 : vector<1x1x12544xf32> to vector<1x12544xf32>
    %swap3A_14 = vector.shape_cast %dot_general3A_9 : vector<1x12544xf32> to vector<1x1x12544xf32>
    tpu.vector_store %arg4[%swap3A, %swap3A_10, %swap3A_11], %swap3A_14 {strides = array<i32>} : memref<1x4x12544xf32, #tpu.memory_space<vmem>>, vector<1x1x12544xf32>,
    %get3A_15 = arith.constant 0 : index
    %get3A_16 = arith.constant 0 : index
    %get3A_17 = arith.constant 0 : index
    %get3A_18 = vector.load %arg3[%get3A_15, %get3A_16, %get3A_17] : memref<1x1x32xf32, #tpu.memory_space<vmem>>, vector<1x1x32xf32>
    %get3A_19 = vector.shape_cast %get3A_18 : vector<1x1x32xf32> to vector<1x32xf32>
    %get3A_20 = arith.constant 0 : index
    %get3A_21 = arith.constant 0 : index
    %get3A_22 = arith.constant 12544 : index
    %get3A_23 = vector.load %arg2[%get3A_20, %get3A_21, %get3A_22] : memref<1x32x50176xf32, #tpu.memory_space<vmem>>, vector<1x32x12544xf32>
    %get3A_24 = vector.shape_cast %get3A_23 : vector<1x32x12544xf32> to vector<32x12544xf32>
    %dot_general3A_25 = arith.constant dense<0.000000e+00> : vector<1x12544xf32>
    %dot_general3A_26 = tpu.matmul %get3A_19, %get3A_24, %dot_general3A_25 {dimension_numbers = #tpu.dot_dimension_numbers<[1], [0], [0], [1], [0, 0, 1, 1], [], []>, transpose_lhs_hint = false} : vector<1x32xf32>, vector<32x12544xf32>, vector<1x12544xf32> -> vector<1x12544xf32>
    %swap3A_27 = arith.constant 0 : index
    %swap3A_28 = arith.constant 1 : index
    %swap3A_29 = arith.constant 0 : index
    %swap3A_30 = vector.load %arg4[%swap3A_27, %swap3A_28, %swap3A_29] : memref<1x4x12544xf32, #tpu.memory_space<vmem>>, vector<1x1x12544xf32>
    %swap3A_31 = vector.shape_cast %swap3A_30 : vector<1x1x12544xf32> to vector<1x12544xf32>
    %swap3A_32 = vector.shape_cast %dot_general3A_26 : vector<1x12544xf32> to vector<1x1x12544xf32>
    tpu.vector_store %arg4[%swap3A_27, %swap3A_28, %swap3A_29], %swap3A_32 {strides = array<i32>} : memref<1x4x12544xf32, #tpu.memory_space<vmem>>, vector<1x1x12544xf32>,
    %get3A_33 = arith.constant 0 : index
    %get3A_34 = arith.constant 0 : index
    %get3A_35 = arith.constant 0 : index
    %get3A_36 = vector.load %arg3[%get3A_33, %get3A_34, %get3A_35] : memref<1x1x32xf32, #tpu.memory_space<vmem>>, vector<1x1x32xf32>
    %get3A_37 = vector.shape_cast %get3A_36 : vector<1x1x32xf32> to vector<1x32xf32>
    %get3A_38 = arith.constant 0 : index
    %get3A_39 = arith.constant 0 : index
    %get3A_40 = arith.constant 25088 : index
    %get3A_41 = vector.load %arg2[%get3A_38, %get3A_39, %get3A_40] : memref<1x32x50176xf32, #tpu.memory_space<vmem>>, vector<1x32x12544xf32>
    %get3A_42 = vector.shape_cast %get3A_41 : vector<1x32x12544xf32> to vector<32x12544xf32>
    %dot_general3A_43 = arith.constant dense<0.000000e+00> : vector<1x12544xf32>
    %dot_general3A_44 = tpu.matmul %get3A_37, %get3A_42, %dot_general3A_43 {dimension_numbers = #tpu.dot_dimension_numbers<[1], [0], [0], [1], [0, 0, 1, 1], [], []>, transpose_lhs_hint = false} : vector<1x32xf32>, vector<32x12544xf32>, vector<1x12544xf32> -> vector<1x12544xf32>
    %swap3A_45 = arith.constant 0 : index
    %swap3A_46 = arith.constant 2 : index
    %swap3A_47 = arith.constant 0 : index
    %swap3A_48 = vector.load %arg4[%swap3A_45, %swap3A_46, %swap3A_47] : memref<1x4x12544xf32, #tpu.memory_space<vmem>>, vector<1x1x12544xf32>
    %swap3A_49 = vector.shape_cast %swap3A_48 : vector<1x1x12544xf32> to vector<1x12544xf32>
    %swap3A_50 = vector.shape_cast %dot_general3A_44 : vector<1x12544xf32> to vector<1x1x12544xf32>
    tpu.vector_store %arg4[%swap3A_45, %swap3A_46, %swap3A_47], %swap3A_50 {strides = array<i32>} : memref<1x4x12544xf32, #tpu.memory_space<vmem>>, vector<1x1x12544xf32>,
    %get3A_51 = arith.constant 0 : index
    %get3A_52 = arith.constant 0 : index
    %get3A_53 = arith.constant 0 : index
    %get3A_54 = vector.load %arg3[%get3A_51, %get3A_52, %get3A_53] : memref<1x1x32xf32, #tpu.memory_space<vmem>>, vector<1x1x32xf32>
    %get3A_55 = vector.shape_cast %get3A_54 : vector<1x1x32xf32> to vector<1x32xf32>
    %get3A_56 = arith.constant 0 : index
    %get3A_57 = arith.constant 0 : index
    %get3A_58 = arith.constant 37632 : index
    %get3A_59 = vector.load %arg2[%get3A_56, %get3A_57, %get3A_58] : memref<1x32x50176xf32, #tpu.memory_space<vmem>>, vector<1x32x12544xf32>
    %get3A_60 = vector.shape_cast %get3A_59 : vector<1x32x12544xf32> to vector<32x12544xf32>
    %dot_general3A_61 = arith.constant dense<0.000000e+00> : vector<1x12544xf32>
    %dot_general3A_62 = tpu.matmul %get3A_55, %get3A_60, %dot_general3A_61 {dimension_numbers = #tpu.dot_dimension_numbers<[1], [0], [0], [1], [0, 0, 1, 1], [], []>, transpose_lhs_hint = false} : vector<1x32xf32>, vector<32x12544xf32>, vector<1x12544xf32> -> vector<1x12544xf32>
    %swap3A_63 = arith.constant 0 : index
    %swap3A_64 = arith.constant 3 : index
    %swap3A_65 = arith.constant 0 : index
    %swap3A_66 = vector.load %arg4[%swap3A_63, %swap3A_64, %swap3A_65] : memref<1x4x12544xf32, #tpu.memory_space<vmem>>, vector<1x1x12544xf32>
    %swap3A_67 = vector.shape_cast %swap3A_66 : vector<1x1x12544xf32> to vector<1x12544xf32>
    %swap3A_68 = vector.shape_cast %dot_general3A_62 : vector<1x12544xf32> to vector<1x1x12544xf32>
    tpu.vector_store %arg4[%swap3A_63, %swap3A_64, %swap3A_65], %swap3A_68 {strides = array<i32>} : memref<1x4x12544xf32, #tpu.memory_space<vmem>>, vector<1x1x12544xf32>,
    return
  }
  func.func @transform_0(%arg0: i32, %arg1: i32) -> (i32, i32, i32) {
    %c0_i32 = arith.constant 0 : i32
    %c0_i32_0 = arith.constant 0 : i32
    return %arg0, %c0_i32, %arg1 : i32, i32, i32
  }
  func.func @transform_1(%arg0: i32, %arg1: i32) -> (i32, i32, i32) {
    %c0_i32 = arith.constant 0 : i32
    %c0_i32_0 = arith.constant 0 : i32
    %c0_i32_1 = arith.constant 0 : i32
    return %arg0, %c0_i32, %c0_i32_0 : i32, i32, i32
  }
  func.func @transform_2(%arg0: i32, %arg1: i32) -> (i32, i32, i32) {
    %mul3A = arith.constant 2 : i32
    %mul3A_0 = arith.muli %mul3A, %arg0 : i32
    %add3A = arith.addi %mul3A_0, %arg1 : i32
    %c0_i32 = arith.constant 0 : i32
    %c0_i32_1 = arith.constant 0 : i32
    %c0_i32_2 = arith.constant 0 : i32
    return %add3A, %c0_i32, %c0_i32_1 : i32, i32, i32
  }
}

</mosaic_0001>

<sc_bundles>
// kernel: kernel.5.cloned.1.call-start
scs
__scs_entry_jumppad:
0x0: {  	(pc) =	sbr.rel $0x88, $3  }
0x1: {  	(tag) =	ssettag $0x0;
	lr =	simm.s32 $0x1  }
0x2: {  	[smem:$0x3F9A] =	sst lr;
	_ =	strace $0xD0000000  }
0x3: {  	_ = 	snop  }
0x4: {  	_ = 	snop  }
0x5: {  	_ = 	snop  }
0x6: {  	_ = 	snop  }
0x7: {  	_ = 	snop  }
__scs_overlays_trampoline_lowered:
0x8: {  	[smem:$0x3FA9] =	sst s0  }
0x9: {  	[smem:$0x3FAA] =	sst s1  }
0xa: {  	[smem:$0x3FAB] =	sst s2  }
0xb: {  	[smem:$0x3FAC] =	sst s3  }
0xc: {  	[smem:$0x3FAD] =	sst s4  }
0xd: {  	[smem:$0x3FAE] =	sst s5  }
0xe: {  	[smem:$0x3FAF] =	sst s6  }
0xf: {  	[smem:$0x3FB0] =	sst s7  }
0x10: {  	[smem:$0x3FB1] =	sst s8  }
0x11: {  	[smem:$0x3FB2] =	sst s9;
	s0 =	simm.s32 @!p0 $0x0  }
0x12: {  	s1 =	sld [smem:$0x3F98];
	s0 =	simm.s32 @p0 $0x1  }
0x13: {  	[smem:$0x3FB3] =	sst s0;
	s0 =	simm.s32 @!p1 $0x0  }
0x14: {  	s2 =	sld [smem:$0x3F97];
	s0 =	simm.s32 @p1 $0x1  }
0x15: {  	[smem:$0x3FB4] =	sst s0;
	s0 =	simm.s32 @!p2 $0x0  }
0x16: {  	s3 =	sld [smem:$0x3FDB];
	s0 =	simm.s32 @p2 $0x1  }
0x17: {  	s4 =	simm.s32 $0x1BF5;
	[smem:$0x3FB6] =	sst s0  }
0x18: {  	s0 =	sld [smem:$0x3F99];
	_ =	swait.ge [sflag:s4], $0x0  }
0x19: {  	s7 =	sld [smem:$0x3F9A]  }
0x1a: {  	s8 =	sadd.s32 $0xFFFFE003, lr  }
0x1b: {  	s9 =	sadd.s32 $0xFFFFFEF7, lr;
	s5 =	simm.s32 $0xFFFFFFFF;
	p2 =	slt.u32 s8, $0xFFFFF086  }
0x1c: {  	p1 =	slt.u32 s9, $0xF7A;
	s5 =	simm.s32 @!p2 $0x0  }
0x1d: {  	s5 =	simm.s32 @p1 $0x1;
	p0 =	seq.s32 s7, s2  }
0x1e: {  	s7 =	smul.u32 @!p0 $0xF7A, s2;
	p2 =	seq.s32 @!p0 s5, $0x0  }
0x1f: {  	s9 =	smul.u32 $0xF7A, s1;
	s8 =	simm.s32 @!p0 $0x1BF5;
	p2 =	por !p2, p0  }
0x20: {  	[sflag:s8] =	ssyncset.s32 @!p0 $0xFFFFF086;
	s6 =	sadd.s32 @!p0 s3, s7;
	s7 =	simm.s32 @!p0 $0x108  }
0x21: {  	s3 =	sadd.s32 s3, s9;
	s6 =	sadd.s32 @!p0 $0x88, s6;
	s7 =	simm.s32 @p2 $0x1082  }
0x22: {  	[simem:s7], [sflag:s8] =	dma.local @!p0 [hbm:s6], $0xF7A  }
0x23: {  	s9 =	sor.u32 $0xD0000000, s2;
	s6 =	simm.s32 $0x108;
	_ =	swait.ge @!p0 [sflag:s8], $0x0  }
0x24: {  	s3 =	sadd.s32 $0x88, s3;
	s6 =	simm.s32 @!p1 $0x1082;
	[sflag:s4] =	ssyncset.s32 $0xFFFFF086  }
0x25: {  	[simem:s6], [sflag:s4] =	dma.local [hbm:s3], $0xF7A  }
0x26: {  	[smem:$0x3F9A] =	sst s1;
	(tag) =	ssettag s2;
	_ =	strace s9  }
0x27: {  	s1 =	sld [smem:$0x3FAA]  }
0x28: {  	s2 =	sld [smem:$0x3FAB]  }
0x29: {  	s4 =	sld [smem:$0x3FAD]  }
0x2a: {  	p0 =	seq.s32 s5, $0x0;
	s5 =	sld [smem:$0x3FAE]  }
0x2b: {  	s6 =	sld [smem:$0x3FAF]  }
0x2c: {  	s7 =	sld [smem:$0x3FB0]  }
0x2d: {  	s3 =	simm.s32 $0x108;
	s8 =	sld [smem:$0x3FB1]  }
0x2e: {  	s3 =	simm.s32 @!p0 $0x1082;
	s9 =	sld [smem:$0x3FB2]  }
0x2f: {  	lr =	sadd.s32 s0, s3;
	s0 =	sld [smem:$0x3FA9]  }
0x30: {  	s3 =	sld [smem:$0x3FAC]  }
0x31: {  	[smem:$0x3FB5] =	sst s10  }
0x32: {  	s10 =	sld [smem:$0x3FB3];
	_ =	sdelay $0x3  }
0x33: {  	p0 =	seq.s32 s10, $0x1;
	s10 =	sld [smem:$0x3FB5];
	_ =	sdelay $0x3  }
0x34: {  	[smem:$0x3FB5] =	sst s10  }
0x35: {  	s10 =	sld [smem:$0x3FB4];
	_ =	sdelay $0x3  }
0x36: {  	p1 =	seq.s32 s10, $0x1;
	s10 =	sld [smem:$0x3FB5];
	_ =	sdelay $0x3  }
0x37: {  	[smem:$0x3FB5] =	sst s10  }
0x38: {  	s10 =	sld [smem:$0x3FB6]  }
0x39: {  	_ = 	snop;
	(pc) =	sbr.ind lr, $3  }
0x3a: {  	_ = 	snop  }
0x3b: {  	_ = 	snop  }
0x3c: {  	p2 =	seq.s32 s10, $0x1;
	s10 =	sld [smem:$0x3FB5]  }
0x3d: {  	_ =	shalt  }
0x3e: {  	_ =	shalt  }
0x3f: {  	_ =	shalt  }
0x40: {  	_ =	shalt  }
0x41: {  	_ =	shalt  }
0x42: {  	_ =	shalt  }
0x43: {  	_ =	shalt  }
0x44: {  	_ =	shalt  }
0x45: {  	_ =	shalt  }
0x46: {  	_ =	shalt  }
0x47: {  	_ =	shalt  }
0x48: {  	_ =	shalt  }
0x49: {  	_ =	shalt  }
0x4a: {  	_ =	shalt  }
0x4b: {  	_ =	shalt  }
0x4c: {  	_ =	shalt  }
0x4d: {  	_ =	shalt  }
0x4e: {  	_ =	shalt  }
0x4f: {  	_ =	shalt  }
0x50: {  	_ =	shalt  }
0x51: {  	_ =	shalt  }
0x52: {  	_ =	shalt  }
0x53: {  	_ =	shalt  }
0x54: {  	_ =	shalt  }
0x55: {  	_ =	shalt  }
0x56: {  	_ =	shalt  }
0x57: {  	_ =	shalt  }
0x58: {  	_ =	shalt  }
0x59: {  	_ =	shalt  }
0x5a: {  	_ =	shalt  }
0x5b: {  	_ =	shalt  }
0x5c: {  	_ =	shalt  }
0x5d: {  	_ =	shalt  }
0x5e: {  	_ =	shalt  }
0x5f: {  	_ =	shalt  }
0x60: {  	_ =	shalt  }
0x61: {  	_ =	shalt  }
0x62: {  	_ =	shalt  }
0x63: {  	_ =	shalt  }
0x64: {  	_ =	shalt  }
0x65: {  	_ =	shalt  }
0x66: {  	_ =	shalt  }
0x67: {  	_ =	shalt  }
0x68: {  	_ =	shalt  }
0x69: {  	_ =	shalt  }
0x6a: {  	_ =	shalt  }
0x6b: {  	_ =	shalt  }
0x6c: {  	_ =	shalt  }
0x6d: {  	_ =	shalt  }
0x6e: {  	_ =	shalt  }
0x6f: {  	_ =	shalt  }
0x70: {  	_ =	shalt  }
0x71: {  	_ =	shalt  }
0x72: {  	_ =	shalt  }
0x73: {  	_ =	shalt  }
0x74: {  	_ =	shalt  }
0x75: {  	_ =	shalt  }
0x76: {  	_ =	shalt  }
0x77: {  	_ =	shalt  }
0x78: {  	_ =	shalt  }
0x79: {  	_ =	shalt  }
0x7a: {  	_ =	shalt  }
0x7b: {  	_ =	shalt  }
0x7c: {  	_ =	shalt  }
0x7d: {  	_ =	shalt  }
0x7e: {  	_ =	shalt  }
0x7f: {  	_ =	shalt  }
0x80: {  	_ =	shalt  }
0x81: {  	_ =	shalt  }
0x82: {  	_ =	shalt  }
0x83: {  	_ =	shalt  }
0x84: {  	_ =	shalt  }
0x85: {  	_ =	shalt  }
0x86: {  	_ =	shalt  }
0x87: {  	_ =	shalt  }
.Lfunc_end0:
.L_simem_size_0:
called_computation_lowered:
.L_overlay_start_0:
0x88: {  	s2 =	sld [smem:$0x3FD9]  }
0x89: {  	s3 =	sld [smem:$0x3FFE];
	_ =	sdelay $0x1  }
0x8a: {  	s1 =	srdreg.scid  }
0x8b: {  	s0 =	sand.u32 $0x1, s1  }
0x8c: {  	s17 =	sshll.u32 s0, $0xA;
	s2 =	sadd.s32 s3, s2  }
0x8d: {  	s2 =	sadd.s32 s2, s17  }
0x8e: {  	[smem:$0x3FC1] =	sst s2  }
0x8f: {  	_ = 	snop  }
0x90: {  	s2 =	sld [smem:$0x3FD0];
	(tm) =	ssettm $0x1  }
0x91: {  	s18 =	sld [smem:$0x3FFB];
	_ =	sdelay $0x3  }
0x92: {  	_ =	strace s18  }
0x93: {  	s3 =	sld [smem:$0x3FFC];
	_ =	sdelay $0x3  }
0x94: {  	_ =	strace s3  }
0x95: {  	s3 =	sld [smem:$0x3FFD];
	_ =	sdelay $0x3  }
0x96: {  	_ =	strace s3  }
0x97: {  	_ =	strace $0x8FFFFFFF  }
0x98: {  	s19 =	sld [smem:$0x3FDB];
	_ =	sdelay $0x1  }
0x99: {  	s4 =	simm.s32 $_scs_section_size  }
0x9a: {  	s5 =	simm.s32 $_size__tile_overlayer_lowered;
	s6 =	simm.s32 $_tile_overlayer_lowered  }
0x9b: {  	s22 =	simm.s32 $0x1BFF;
	s21 =	sshll.u32 s6, $0x1;
	s3 =	sadd.s32 s4, s19  }
0x9c: {  	s7 =	simm.s32 $0x0;
	s20 =	sshll.u32 s5, $0x1;
	s5 =	sadd.s32 s21, s3  }
0x9d: {  	[timem:s7], [sflag:s22] =	dma.local [hbm:s5], s20  }
0x9e: {  	_ =	swait.ge [sflag:s22], s20  }
0x9f: {  	s4 =	ssub.s32 $0x0, s20;
	[sflag:s22] =	ssyncset.done $0x0  }
0xa0: {  	[sflag:s22] =	ssyncadd.s32 s4;
	_ =	sdelay $0x1  }
0xa1: {  	s23 =	simm.s32 $0x1B8B  }
0xa2: {  	_ =	swait.ge [sflag:s23], $0x1  }
0xa3: {  	[sflag:s23] =	ssyncset.done $0x0  }
0xa4: {  	s25 =	simm.s32 $0x1B8E;
	s24 =	sld [smem:$0x3FFE];
	[sflag:s23] =	ssyncadd.s32 $0xFFFFFFFF  }
0xa5: {  	s26 =	simm.s32 $execute0_lowered;
	[smem:$0x3FD2] =	sst s25  }
0xa6: {  	s5 =	sshll.u32 s26, $0x1;
	_ =	strace $0x80000046;
	[dreg:$0x1] =	wrdreg $0xFFFFFFFF  }
0xa7: {  	s28 =	simm.s32 $_size_execute0_lowered;
	s3 =	sadd.s32 s3, s5;
	[dreg:$0x0] =	wrdreg $0x0  }
0xa8: {  	s5 =	sshll.u32 s28, $0x1;
	[dreg:$0x2] =	wrdreg s3  }
0xa9: {  	[dreg:$0x3] =	wrdreg s5  }
0xaa: {  	[dreg:$0x4] =	wrdreg $0xC0  }
0xab: {  	_ =	task [dreg:s7], $0x5FFFF  }
0xac: {  	[dreg:$0x1] =	wrdreg $0xFFFFFFFF  }
0xad: {  	[dreg:$0x0] =	wrdreg $0x60  }
0xae: {  	[dreg:$0x2] =	wrdreg s24  }
0xaf: {  	[dreg:$0x3] =	wrdreg s2  }
0xb0: {  	[dreg:$0x4] =	wrdreg $0x9  }
0xb1: {  	_ =	task.clear_ibuf [dreg:s7], $0x5FFFF;
	_ =	strace $0x90000046  }
0xb2: {  	s29 =	simm.s32 $0x9;
	_ =	strace $0x80000048  }
0xb3: {  	_ =	swait.ge [sflag:s29], $0x1  }
0xb4: {  	[sflag:s29] =	ssyncadd.s32 $0xFFFFFFFF  }
0xb5: {  	_ =	strace $0x90000048  }
0xb6: {  	_ =	sfence  }
0xb7: {  	s30 =	sld [smem:$0x0];
	_ =	sdelay $0x2  }
0xb8: {  	s31 =	sshll.u32 s1, $0xD;
	s1 =	sshrl.u32 s1, $0x2  }
0xb9: {  	s3 =	sand.u32 $0x4000, s31;
	s1 =	sadd.s32 s1, s30  }
0xba: {  	s0 =	sor.u32 s3, s0;
	s1 =	sshll.u32 s1, $0x11  }
0xbb: {  	s0 =	sor.u32 s1, s0  }
0xbc: {  	s0 =	sadd.s32 $0x8F2B, s0  }
0xbd: {  	[sflag:s0] =	ssyncadd.remote.s32 $0x1  }
0xbe: {  	_ =	sfence.sel $0xFFFF  }
0xbf: {  	[dreg:$0x0] =	wrdreg $0xFFFFFFFF;
	(pc) =	sbr.abs _section_cstart, $3  }
0xc0: {  	[dreg:$0x1] =	wrdreg $0xFFFFFFFF  }
0xc1: {  	_ =	task.clear_ibuf [dreg:s7], $0x2FFFF;
	_ =	strace $0x9FFFFFFF  }
0xc2: {  	(tm) =	ssettm $0x7FFFFFFF  }
0xc3: {  	_ =	shalt  }
tec
execute0_lowered:
.L_overlay_start_1:
0x0: {  	(tag) =	ssettag $0x1  }
0x1: {  	s0 =	rddreg [dreg:$0x0]  }
0x2: {  	s1 =	rddreg [dreg:$0x1];
	s3 =	srdreg.scid  }
0x3: {  	s2 =	simm.s32 $0x0;
	s4 =	stileid.u32;
	s3 =	sand.u32 $0x1, s3  }
0x4: {  	[smem:$0x7FF] =	sst s2;
	s4 =	sshll.u32 s4, $0x5;
	s5 =	sshll.u32 s3, $0x4  }
0x5: {  	s6 =	sadd.s32 $0x53400, s0;
	_ =	strace $0x80000047;
	s5 =	sor.u32 s5, s4  }
0x6: {  	[dreg:$0x3] =	wrdreg s6;
	s7 =	sadd.s32 s5, s0;
	s17 =	sadd.s32 s1, s5  }
0x7: {  	s4 =	sadd.s32 $0x3A00, s0;
	s0 =	sadd.s32 $0x400, s7;
	[dreg:$0x15] =	wrdreg s17  }
0x8: {  	s23 =	sadd.s32 $0x600, s7;
	[dreg:$0x4] =	wrdreg s0  }
0x9: {  	s24 =	sadd.s32 $0x800, s7;
	[dreg:$0x5] =	wrdreg s23  }
0xa: {  	s25 =	sadd.s32 $0xA00, s7;
	[dreg:$0x6] =	wrdreg s24  }
0xb: {  	s26 =	sadd.s32 $0xC00, s7;
	[dreg:$0x7] =	wrdreg s25  }
0xc: {  	s29 =	sadd.s32 $0xE00, s7;
	[dreg:$0x8] =	wrdreg s26  }
0xd: {  	s30 =	sadd.s32 $0x1000, s7;
	[dreg:$0x9] =	wrdreg s29  }
0xe: {  	s6 =	sadd.s32 $0x1200, s7;
	[dreg:$0xa] =	wrdreg s30  }
0xf: {  	s8 =	sadd.s32 $0x1400, s7;
	[dreg:$0xb] =	wrdreg s6  }
0x10: {  	s9 =	sadd.s32 $0x1600, s7;
	[dreg:$0xc] =	wrdreg s8  }
0x11: {  	s10 =	sadd.s32 $0x1800, s7;
	[dreg:$0xd] =	wrdreg s9  }
0x12: {  	s11 =	sadd.s32 $0x1A00, s7;
	[dreg:$0xe] =	wrdreg s10  }
0x13: {  	s12 =	sadd.s32 $0x1C00, s7;
	[dreg:$0xf] =	wrdreg s11  }
0x14: {  	s13 =	sadd.s32 $0x1E00, s7;
	[dreg:$0x10] =	wrdreg s12  }
0x15: {  	s14 =	sadd.s32 $0x2000, s7;
	[dreg:$0x11] =	wrdreg s13  }
0x16: {  	s15 =	sadd.s32 $0x2200, s7;
	[dreg:$0x12] =	wrdreg s14  }
0x17: {  	s28 =	simm.s32 $0x2;
	s16 =	sadd.s32 $0x2400, s7;
	[dreg:$0x13] =	wrdreg s15  }
0x18: {  	s31 =	simm.s32 $0x200;
	s18 =	sadd.s32 $0x2600, s7;
	[dreg:$0x14] =	wrdreg s16  }
0x19: {  	s3 =	ssub.s32 $0x2, s3;
	s19 =	sadd.s32 $0x2800, s7;
	[dreg:$0x16] =	wrdreg s18  }
0x1a: {  	s22 =	sshrl.u32 s3, $0x1;
	s20 =	sadd.s32 $0x2A00, s7;
	[dreg:$0x17] =	wrdreg s19  }
0x1b: {  	s3 =	ssub.s32 s3, s22;
	s21 =	sadd.s32 $0x2C00, s7;
	[dreg:$0x18] =	wrdreg s20  }
0x1c: {  	s5 =	simm.s32 $0x80;
	s22 =	sadd.s32 $0x2E00, s7;
	[dreg:$0x19] =	wrdreg s21  }
0x1d: {  	s17 =	simm.s32 $0x580;
	[dreg:$0x1a] =	wrdreg s22;
	s23 =	sadd.s32 $0x3000, s7  }
0x1e: {  	s24 =	sadd.s32 $0x3200, s7;
	s25 =	sadd.s32 $0x3400, s7;
	s26 =	sadd.s32 $0x3600, s7  }
0x1f: {  	s29 =	sadd.s32 $0x3800, s7;
	s30 =	smax.u32 s3, $0x1;
	s10 =	simm.s32 $0x1  }
0x20: {  	s0 =	simm.s32 $0x0;
	s14 =	simm.s32 $0x280;
	[dreg:$0x1b] =	wrdreg s23  }
0x21: {  	s15 =	simm.s32 $0x380;
	s16 =	simm.s32 $0x480;
	[dreg:$0x1c] =	wrdreg s24  }
0x22: {  	s18 =	simm.s32 $0x600;
	s19 =	simm.s32 $0x680;
	[dreg:$0x1d] =	wrdreg s25  }
0x23: {  	s20 =	simm.s32 $0x700;
	s21 =	simm.s32 $0x780;
	[dreg:$0x1e] =	wrdreg s26  }
0x24: {  	s22 =	simm.s32 $0x800;
	s11 =	simm.s32 $0xC80;
	[dreg:$0x1f] =	wrdreg s29  }
0x25: {  	s13 =	simm.s32 $0x180;
	[smem:$0x7FD] =	sst s30;
	s23 =	simm.s32 $0x900  }
0x26: {  	s24 =	simm.s32 $0xA00;
	s25 =	simm.s32 $0xB00;
	s26 =	simm.s32 $0xC00  }
.LBB2_1:
0x27: {  	[smem:$0x7FC] =	sst s0  }
0x28: {  	s12 =	rddreg [dreg:$0x4]  }
0x29: {  	[tilespmem:s2], [sflag:$0x1] =	stream.linear.gather [hbm4b:s12+s2], $0x80, $0x38;
	[tilespmem:$0x2800] =	vst v63  }
0x2a: {  	s9 =	rddreg [dreg:$0x5]  }
0x2b: {  	[tilespmem:s5], [sflag:$0x1] =	stream.linear.gather [hbm4b:s9+s2], $0x80, $0x38;
	[tilespmem:$0x2800] =	vst v63  }
0x2c: {  	s30 =	simm.s32 $0x100;
	s12 =	rddreg [dreg:$0x6]  }
0x2d: {  	[tilespmem:s30], [sflag:$0x1] =	stream.linear.gather [hbm4b:s12+s2], $0x80, $0x38;
	[tilespmem:$0x2800] =	vst v63  }
0x2e: {  	s30 =	rddreg [dreg:$0x7]  }
0x2f: {  	[tilespmem:s13], [sflag:$0x1] =	stream.linear.gather [hbm4b:s30+s2], $0x80, $0x38;
	[tilespmem:$0x2800] =	vst v63  }
0x30: {  	s30 =	rddreg [dreg:$0x8]  }
0x31: {  	[tilespmem:s31], [sflag:$0x1] =	stream.linear.gather [hbm4b:s30+s2], $0x80, $0x38;
	[tilespmem:$0x2800] =	vst v63  }
0x32: {  	s30 =	rddreg [dreg:$0x9]  }
0x33: {  	[tilespmem:s14], [sflag:$0x1] =	stream.linear.gather [hbm4b:s30+s2], $0x80, $0x38;
	[tilespmem:$0x2800] =	vst v63  }
0x34: {  	s0 =	simm.s32 $0x300;
	s30 =	rddreg [dreg:$0xa]  }
0x35: {  	[tilespmem:s0], [sflag:$0x1] =	stream.linear.gather [hbm4b:s30+s2], $0x80, $0x38;
	[tilespmem:$0x2800] =	vst v63  }
0x36: {  	s0 =	rddreg [dreg:$0xb]  }
0x37: {  	[tilespmem:s15], [sflag:$0x1] =	stream.linear.gather [hbm4b:s0+s2], $0x80, $0x38;
	[tilespmem:$0x2800] =	vst v63  }
0x38: {  	s1 =	simm.s32 $0x400;
	s30 =	rddreg [dreg:$0xc]  }
0x39: {  	[tilespmem:s1], [sflag:$0x1] =	stream.linear.gather [hbm4b:s30+s2], $0x80, $0x38;
	[tilespmem:$0x2800] =	vst v63  }
0x3a: {  	s0 =	rddreg [dreg:$0xd]  }
0x3b: {  	[tilespmem:s16], [sflag:$0x1] =	stream.linear.gather [hbm4b:s0+s2], $0x80, $0x38;
	[tilespmem:$0x2800] =	vst v63  }
0x3c: {  	s3 =	simm.s32 $0x500;
	s1 =	rddreg [dreg:$0xe]  }
0x3d: {  	[tilespmem:s3], [sflag:$0x1] =	stream.linear.gather [hbm4b:s1+s2], $0x80, $0x38;
	[tilespmem:$0x2800] =	vst v63  }
0x3e: {  	s30 =	rddreg [dreg:$0xf]  }
0x3f: {  	[tilespmem:s17], [sflag:$0x1] =	stream.linear.gather [hbm4b:s30+s2], $0x80, $0x38;
	[tilespmem:$0x2800] =	vst v63  }
0x40: {  	s0 =	rddreg [dreg:$0x10]  }
0x41: {  	[tilespmem:s18], [sflag:$0x1] =	stream.linear.gather [hbm4b:s0+s2], $0x80, $0x38;
	[tilespmem:$0x2800] =	vst v63  }
0x42: {  	s1 =	rddreg [dreg:$0x11]  }
0x43: {  	[tilespmem:s19], [sflag:$0x1] =	stream.linear.gather [hbm4b:s1+s2], $0x80, $0x38;
	[tilespmem:$0x2800] =	vst v63  }
0x44: {  	s3 =	rddreg [dreg:$0x12]  }
0x45: {  	[tilespmem:s20], [sflag:$0x1] =	stream.linear.gather [hbm4b:s3+s2], $0x80, $0x38;
	[tilespmem:$0x2800] =	vst v63  }
0x46: {  	s30 =	rddreg [dreg:$0x13]  }
0x47: {  	[tilespmem:s21], [sflag:$0x1] =	stream.linear.gather [hbm4b:s30+s2], $0x80, $0x38;
	[tilespmem:$0x2800] =	vst v63  }
0x48: {  	s0 =	rddreg [dreg:$0x14]  }
0x49: {  	[tilespmem:s22], [sflag:$0x1] =	stream.linear.gather [hbm4b:s0+s2], $0x80, $0x38;
	[tilespmem:$0x2800] =	vst v63  }
0x4a: {  	s6 =	simm.s32 $0x880;
	s1 =	rddreg [dreg:$0x16]  }
0x4b: {  	[tilespmem:s6], [sflag:$0x1] =	stream.linear.gather [hbm4b:s1+s2], $0x80, $0x38;
	[tilespmem:$0x2800] =	vst v63  }
0x4c: {  	s3 =	rddreg [dreg:$0x17]  }
0x4d: {  	[tilespmem:s23], [sflag:$0x1] =	stream.linear.gather [hbm4b:s3+s2], $0x80, $0x38;
	[tilespmem:$0x2800] =	vst v63  }
0x4e: {  	s7 =	simm.s32 $0x980;
	s6 =	rddreg [dreg:$0x18]  }
0x4f: {  	[tilespmem:s7], [sflag:$0x1] =	stream.linear.gather [hbm4b:s6+s2], $0x80, $0x38;
	[tilespmem:$0x2800] =	vst v63  }
0x50: {  	s30 =	rddreg [dreg:$0x19]  }
0x51: {  	[tilespmem:s24], [sflag:$0x1] =	stream.linear.gather [hbm4b:s30+s2], $0x80, $0x38;
	[tilespmem:$0x2800] =	vst v63  }
0x52: {  	s8 =	simm.s32 $0xA80;
	s0 =	rddreg [dreg:$0x1a]  }
0x53: {  	[tilespmem:s8], [sflag:$0x1] =	stream.linear.gather [hbm4b:s0+s2], $0x80, $0x38;
	[tilespmem:$0x2800] =	vst v63  }
0x54: {  	s1 =	rddreg [dreg:$0x1b]  }
0x55: {  	[tilespmem:s25], [sflag:$0x1] =	stream.linear.gather [hbm4b:s1+s2], $0x80, $0x38;
	[tilespmem:$0x2800] =	vst v63  }
0x56: {  	s9 =	simm.s32 $0xB80;
	s3 =	rddreg [dreg:$0x1c]  }
0x57: {  	[tilespmem:s9], [sflag:$0x1] =	stream.linear.gather [hbm4b:s3+s2], $0x80, $0x38;
	[tilespmem:$0x2800] =	vst v63  }
0x58: {  	s6 =	rddreg [dreg:$0x1d]  }
0x59: {  	[tilespmem:s26], [sflag:$0x1] =	stream.linear.gather [hbm4b:s6+s2], $0x80, $0x38;
	[tilespmem:$0x2800] =	vst v63  }
0x5a: {  	s7 =	rddreg [dreg:$0x1e]  }
0x5b: {  	[tilespmem:s11], [sflag:$0x1] =	stream.linear.gather [hbm4b:s7+s2], $0x80, $0x38;
	[tilespmem:$0x2800] =	vst v63  }
0x5c: {  	s29 =	simm.s32 $0x3;
	s8 =	rddreg [dreg:$0x3];
	s9 =	simm.s32 $0xD00  }
0x5d: {  	[tilespmem:s9], [sflag:$0x3] =	stream.linear.gather [hbm4b:s8+s2], $0xD00, $0x38;
	[tilespmem:$0x2800] =	vst v63  }
0x5e: {  	_ =	swait.ge [sflag:s29], $0xD00  }
0x5f: {  	[sflag:s29] =	ssyncset.done $0x0  }
0x60: {  	s30 =	simm.s32 $0x2700;
	s12 =	rddreg [dreg:$0x1f];
	[sflag:s29] =	ssyncadd.s32 $0xFFFFF300  }
0x61: {  	[tilespmem:s30], [sflag:$0x3] =	stream.linear.gather [hbm4b:s12+s2], $0x80, $0x38;
	[tilespmem:$0x2800] =	vst v63  }
0x62: {  	_ =	swait.ge [sflag:s29], $0x80  }
0x63: {  	[sflag:s29] =	ssyncset.done $0x0  }
0x64: {  	[sflag:s29] =	ssyncadd.s32 $0xFFFFFF80  }
0x65: {  	_ =	swait.ge [sflag:s10], $0x80  }
0x66: {  	[sflag:s10] =	ssyncset.done $0x0  }
0x67: {  	[sflag:s10] =	ssyncadd.s32 $0xFFFFFF80  }
0x68: {  	_ =	swait.ge [sflag:s10], $0x80  }
0x69: {  	[sflag:s10] =	ssyncset.done $0x0  }
0x6a: {  	[sflag:s10] =	ssyncadd.s32 $0xFFFFFF80  }
0x6b: {  	_ =	swait.ge [sflag:s10], $0x80  }
0x6c: {  	[sflag:s10] =	ssyncset.done $0x0  }
0x6d: {  	[sflag:s10] =	ssyncadd.s32 $0xFFFFFF80  }
0x6e: {  	_ =	swait.ge [sflag:s10], $0x80  }
0x6f: {  	[sflag:s10] =	ssyncset.done $0x0  }
0x70: {  	[sflag:s10] =	ssyncadd.s32 $0xFFFFFF80  }
0x71: {  	_ =	swait.ge [sflag:s10], $0x80  }
0x72: {  	[sflag:s10] =	ssyncset.done $0x0  }
0x73: {  	[sflag:s10] =	ssyncadd.s32 $0xFFFFFF80  }
0x74: {  	_ =	swait.ge [sflag:s10], $0x80  }
0x75: {  	[sflag:s10] =	ssyncset.done $0x0  }
0x76: {  	[sflag:s10] =	ssyncadd.s32 $0xFFFFFF80  }
0x77: {  	_ =	swait.ge [sflag:s10], $0x80  }
0x78: {  	[sflag:s10] =	ssyncset.done $0x0  }
0x79: {  	[sflag:s10] =	ssyncadd.s32 $0xFFFFFF80  }
0x7a: {  	_ =	swait.ge [sflag:s10], $0x80  }
0x7b: {  	[sflag:s10] =	ssyncset.done $0x0  }
0x7c: {  	[sflag:s10] =	ssyncadd.s32 $0xFFFFFF80  }
0x7d: {  	_ =	swait.ge [sflag:s10], $0x80  }
0x7e: {  	[sflag:s10] =	ssyncset.done $0x0  }
0x7f: {  	[sflag:s10] =	ssyncadd.s32 $0xFFFFFF80  }
0x80: {  	_ =	swait.ge [sflag:s10], $0x80  }
0x81: {  	[sflag:s10] =	ssyncset.done $0x0  }
0x82: {  	[sflag:s10] =	ssyncadd.s32 $0xFFFFFF80  }
0x83: {  	_ =	swait.ge [sflag:s10], $0x80  }
0x84: {  	[sflag:s10] =	ssyncset.done $0x0  }
0x85: {  	[sflag:s10] =	ssyncadd.s32 $0xFFFFFF80  }
0x86: {  	_ =	swait.ge [sflag:s10], $0x80  }
0x87: {  	[sflag:s10] =	ssyncset.done $0x0  }
0x88: {  	[sflag:s10] =	ssyncadd.s32 $0xFFFFFF80  }
0x89: {  	_ =	swait.ge [sflag:s10], $0x80  }
0x8a: {  	[sflag:s10] =	ssyncset.done $0x0  }
0x8b: {  	[sflag:s10] =	ssyncadd.s32 $0xFFFFFF80  }
0x8c: {  	_ =	swait.ge [sflag:s10], $0x80  }
0x8d: {  	[sflag:s10] =	ssyncset.done $0x0  }
0x8e: {  	[sflag:s10] =	ssyncadd.s32 $0xFFFFFF80  }
0x8f: {  	_ =	swait.ge [sflag:s10], $0x80  }
0x90: {  	[sflag:s10] =	ssyncset.done $0x0  }
0x91: {  	[sflag:s10] =	ssyncadd.s32 $0xFFFFFF80  }
0x92: {  	_ =	swait.ge [sflag:s10], $0x80  }
0x93: {  	[sflag:s10] =	ssyncset.done $0x0  }
0x94: {  	[sflag:s10] =	ssyncadd.s32 $0xFFFFFF80  }
0x95: {  	_ =	swait.ge [sflag:s10], $0x80  }
0x96: {  	[sflag:s10] =	ssyncset.done $0x0  }
0x97: {  	[sflag:s10] =	ssyncadd.s32 $0xFFFFFF80  }
0x98: {  	_ =	swait.ge [sflag:s10], $0x80  }
0x99: {  	[sflag:s10] =	ssyncset.done $0x0  }
0x9a: {  	[sflag:s10] =	ssyncadd.s32 $0xFFFFFF80  }
0x9b: {  	_ =	swait.ge [sflag:s10], $0x80  }
0x9c: {  	[sflag:s10] =	ssyncset.done $0x0  }
0x9d: {  	[sflag:s10] =	ssyncadd.s32 $0xFFFFFF80  }
0x9e: {  	_ =	swait.ge [sflag:s10], $0x80  }
0x9f: {  	[sflag:s10] =	ssyncset.done $0x0  }
0xa0: {  	[sflag:s10] =	ssyncadd.s32 $0xFFFFFF80  }
0xa1: {  	_ =	swait.ge [sflag:s10], $0x80  }
0xa2: {  	[sflag:s10] =	ssyncset.done $0x0  }
0xa3: {  	[sflag:s10] =	ssyncadd.s32 $0xFFFFFF80  }
0xa4: {  	_ =	swait.ge [sflag:s10], $0x80  }
0xa5: {  	[sflag:s10] =	ssyncset.done $0x0  }
0xa6: {  	[sflag:s10] =	ssyncadd.s32 $0xFFFFFF80  }
0xa7: {  	_ =	swait.ge [sflag:s10], $0x80  }
0xa8: {  	[sflag:s10] =	ssyncset.done $0x0  }
0xa9: {  	[sflag:s10] =	ssyncadd.s32 $0xFFFFFF80  }
0xaa: {  	_ =	swait.ge [sflag:s10], $0x80  }
0xab: {  	[sflag:s10] =	ssyncset.done $0x0  }
0xac: {  	[sflag:s10] =	ssyncadd.s32 $0xFFFFFF80  }
0xad: {  	_ =	swait.ge [sflag:s10], $0x80  }
0xae: {  	[sflag:s10] =	ssyncset.done $0x0  }
0xaf: {  	[sflag:s10] =	ssyncadd.s32 $0xFFFFFF80  }
0xb0: {  	_ =	swait.ge [sflag:s10], $0x80  }
0xb1: {  	[sflag:s10] =	ssyncset.done $0x0  }
0xb2: {  	s29 =	simm.s32 $0x0;
	[sflag:s10] =	ssyncadd.s32 $0xFFFFFF80  }
0xb3: {  	s12 =	simm.s32 $0x40;
	v0 =	vld [tilespmem:s29+$0xD00]  }
.LBB2_2:
0xb4: {  	p0 =	sne.s32 s12, $0x33C0;
	v1 =	vld [tilespmem:s29+$0x0];
	_ =	sdelay $0x1  }
.Ltmp0:
0xb5: {  	(pc) =	sbr.rel @p0 .LBB2_2-.Ltmp0, $3  }
0xb6: {  	_ =	sdelay $0x1  }
0xb7: {  	s30 =	sshra.s32 s12, $0x2;
	v1 =	vadd.s32 v1, v0  }
0xb8: {  	s12 =	sadd.s32 $0x40, s12;
	v0 =	vld [tilespmem:s30+$0xD00];
	[tilespmem:s29+$0x0] =	vst v1;
	s29 =	smov.u32 s30  }
0xb9: {  	v1 =	vld [tilespmem:s29+$0x0];
	_ =	sdelay $0x4  }
0xba: {  	v0 =	vadd.s32 v1, v0  }
0xbb: {  	s0 =	simm.s32 $0x1A00;
	[tilespmem:s29+$0x0] =	vst v0  }
0xbc: {  	[tilespmem:s0], [sflag:$0x2] =	stream.indirect.gather [hbm4b:s4+s5], $0x1, s2, s5, $0xb8;
	[tilespmem:$0x2800] =	vst v63  }
0xbd: {  	s3 =	simm.s32 $0x1A80  }
0xbe: {  	[tilespmem:s3], [sflag:$0x2] =	stream.indirect.gather [hbm4b:s4+s5], $0x1, s5, s5, $0xb8;
	[tilespmem:$0x2800] =	vst v63  }
0xbf: {  	s1 =	simm.s32 $0x100;
	s6 =	simm.s32 $0x1B00  }
0xc0: {  	[tilespmem:s6], [sflag:$0x2] =	stream.indirect.gather [hbm4b:s4+s5], $0x1, s1, s5, $0xb8;
	[tilespmem:$0x2800] =	vst v63  }
0xc1: {  	s7 =	simm.s32 $0x180;
	s8 =	simm.s32 $0x1B80  }
0xc2: {  	[tilespmem:s8], [sflag:$0x2] =	stream.indirect.gather [hbm4b:s4+s5], $0x1, s7, s5, $0xb8;
	[tilespmem:$0x2800] =	vst v63  }
0xc3: {  	s9 =	simm.s32 $0x200;
	s12 =	simm.s32 $0x1C00  }
0xc4: {  	[tilespmem:s12], [sflag:$0x2] =	stream.indirect.gather [hbm4b:s4+s5], $0x1, s9, s5, $0xb8;
	[tilespmem:$0x2800] =	vst v63  }
0xc5: {  	s30 =	simm.s32 $0x1C80;
	s29 =	simm.s32 $0x280  }
0xc6: {  	[tilespmem:s30], [sflag:$0x2] =	stream.indirect.gather [hbm4b:s4+s5], $0x1, s29, s5, $0xb8;
	[tilespmem:$0x2800] =	vst v63  }
0xc7: {  	s3 =	simm.s32 $0x300;
	s6 =	simm.s32 $0x1D00  }
0xc8: {  	[tilespmem:s6], [sflag:$0x2] =	stream.indirect.gather [hbm4b:s4+s5], $0x1, s3, s5, $0xb8;
	[tilespmem:$0x2800] =	vst v63  }
0xc9: {  	s7 =	simm.s32 $0x380;
	s8 =	simm.s32 $0x1D80  }
0xca: {  	[tilespmem:s8], [sflag:$0x2] =	stream.indirect.gather [hbm4b:s4+s5], $0x1, s7, s5, $0xb8;
	[tilespmem:$0x2800] =	vst v63  }
0xcb: {  	s9 =	simm.s32 $0x400;
	s12 =	simm.s32 $0x1E00  }
0xcc: {  	[tilespmem:s12], [sflag:$0x2] =	stream.indirect.gather [hbm4b:s4+s5], $0x1, s9, s5, $0xb8;
	[tilespmem:$0x2800] =	vst v63  }
0xcd: {  	s29 =	simm.s32 $0x480;
	s3 =	simm.s32 $0x1E80  }
0xce: {  	[tilespmem:s3], [sflag:$0x2] =	stream.indirect.gather [hbm4b:s4+s5], $0x1, s29, s5, $0xb8;
	[tilespmem:$0x2800] =	vst v63  }
0xcf: {  	s1 =	simm.s32 $0x1F00;
	s30 =	simm.s32 $0x500  }
0xd0: {  	[tilespmem:s1], [sflag:$0x2] =	stream.indirect.gather [hbm4b:s4+s5], $0x1, s30, s5, $0xb8;
	[tilespmem:$0x2800] =	vst v63  }
0xd1: {  	s6 =	simm.s32 $0x1F80;
	s3 =	simm.s32 $0x580  }
0xd2: {  	[tilespmem:s6], [sflag:$0x2] =	stream.indirect.gather [hbm4b:s4+s5], $0x1, s3, s5, $0xb8;
	[tilespmem:$0x2800] =	vst v63  }
0xd3: {  	s7 =	simm.s32 $0x600;
	s8 =	simm.s32 $0x2000  }
0xd4: {  	[tilespmem:s8], [sflag:$0x2] =	stream.indirect.gather [hbm4b:s4+s5], $0x1, s7, s5, $0xb8;
	[tilespmem:$0x2800] =	vst v63  }
0xd5: {  	s9 =	simm.s32 $0x680;
	s12 =	simm.s32 $0x2080  }
0xd6: {  	[tilespmem:s12], [sflag:$0x2] =	stream.indirect.gather [hbm4b:s4+s5], $0x1, s9, s5, $0xb8;
	[tilespmem:$0x2800] =	vst v63  }
0xd7: {  	s29 =	simm.s32 $0x700;
	s30 =	simm.s32 $0x2100  }
0xd8: {  	[tilespmem:s30], [sflag:$0x2] =	stream.indirect.gather [hbm4b:s4+s5], $0x1, s29, s5, $0xb8;
	[tilespmem:$0x2800] =	vst v63  }
0xd9: {  	s1 =	simm.s32 $0x780;
	s3 =	simm.s32 $0x2180  }
0xda: {  	[tilespmem:s3], [sflag:$0x2] =	stream.indirect.gather [hbm4b:s4+s5], $0x1, s1, s5, $0xb8;
	[tilespmem:$0x2800] =	vst v63  }
0xdb: {  	s7 =	simm.s32 $0x800;
	s8 =	simm.s32 $0x2200  }
0xdc: {  	[tilespmem:s8], [sflag:$0x2] =	stream.indirect.gather [hbm4b:s4+s5], $0x1, s7, s5, $0xb8;
	[tilespmem:$0x2800] =	vst v63  }
0xdd: {  	s9 =	simm.s32 $0x880;
	s12 =	simm.s32 $0x2280  }
0xde: {  	[tilespmem:s12], [sflag:$0x2] =	stream.indirect.gather [hbm4b:s4+s5], $0x1, s9, s5, $0xb8;
	[tilespmem:$0x2800] =	vst v63  }
0xdf: {  	s29 =	simm.s32 $0x900;
	s7 =	simm.s32 $0x2300  }
0xe0: {  	[tilespmem:s7], [sflag:$0x2] =	stream.indirect.gather [hbm4b:s4+s5], $0x1, s29, s5, $0xb8;
	[tilespmem:$0x2800] =	vst v63  }
0xe1: {  	s30 =	simm.s32 $0x980;
	s1 =	simm.s32 $0x2380  }
0xe2: {  	[tilespmem:s1], [sflag:$0x2] =	stream.indirect.gather [hbm4b:s4+s5], $0x1, s30, s5, $0xb8;
	[tilespmem:$0x2800] =	vst v63  }
0xe3: {  	s3 =	simm.s32 $0xA00;
	s8 =	simm.s32 $0x2400  }
0xe4: {  	[tilespmem:s8], [sflag:$0x2] =	stream.indirect.gather [hbm4b:s4+s5], $0x1, s3, s5, $0xb8;
	[tilespmem:$0x2800] =	vst v63  }
0xe5: {  	s6 =	simm.s32 $0xA80;
	s7 =	simm.s32 $0x2480  }
0xe6: {  	[tilespmem:s7], [sflag:$0x2] =	stream.indirect.gather [hbm4b:s4+s5], $0x1, s6, s5, $0xb8;
	[tilespmem:$0x2800] =	vst v63  }
0xe7: {  	s9 =	simm.s32 $0x2500;
	s8 =	simm.s32 $0xB00  }
0xe8: {  	[tilespmem:s9], [sflag:$0x2] =	stream.indirect.gather [hbm4b:s4+s5], $0x1, s8, s5, $0xb8;
	[tilespmem:$0x2800] =	vst v63  }
0xe9: {  	s12 =	simm.s32 $0xB80;
	s29 =	simm.s32 $0x2580  }
0xea: {  	[tilespmem:s29], [sflag:$0x2] =	stream.indirect.gather [hbm4b:s4+s5], $0x1, s12, s5, $0xb8;
	[tilespmem:$0x2800] =	vst v63  }
0xeb: {  	s30 =	simm.s32 $0xC00;
	s12 =	simm.s32 $0x2600  }
0xec: {  	[tilespmem:s12], [sflag:$0x2] =	stream.indirect.gather [hbm4b:s4+s5], $0x1, s30, s5, $0xb8;
	[tilespmem:$0x2800] =	vst v63  }
0xed: {  	s1 =	simm.s32 $0xC80;
	s3 =	simm.s32 $0x2680  }
0xee: {  	[tilespmem:s3], [sflag:$0x2] =	stream.indirect.gather [hbm4b:s4+s5], $0x1, s1, s5, $0xb8;
	[tilespmem:$0x2800] =	vst v63  }
0xef: {  	_ =	swait.ge [sflag:s28], $0x80  }
0xf0: {  	[sflag:s28] =	ssyncset.done $0x0  }
0xf1: {  	[sflag:s28] =	ssyncadd.s32 $0xFFFFFF80  }
0xf2: {  	_ =	swait.ge [sflag:s28], $0x80  }
0xf3: {  	[sflag:s28] =	ssyncset.done $0x0  }
0xf4: {  	[sflag:s28] =	ssyncadd.s32 $0xFFFFFF80  }
0xf5: {  	_ =	swait.ge [sflag:s28], $0x80  }
0xf6: {  	[sflag:s28] =	ssyncset.done $0x0  }
0xf7: {  	[sflag:s28] =	ssyncadd.s32 $0xFFFFFF80  }
0xf8: {  	_ =	swait.ge [sflag:s28], $0x80  }
0xf9: {  	[sflag:s28] =	ssyncset.done $0x0  }
0xfa: {  	[sflag:s28] =	ssyncadd.s32 $0xFFFFFF80  }
0xfb: {  	_ =	swait.ge [sflag:s28], $0x80  }
0xfc: {  	[sflag:s28] =	ssyncset.done $0x0  }
0xfd: {  	[sflag:s28] =	ssyncadd.s32 $0xFFFFFF80  }
0xfe: {  	_ =	swait.ge [sflag:s28], $0x80  }
0xff: {  	[sflag:s28] =	ssyncset.done $0x0  }
0x100: {  	[sflag:s28] =	ssyncadd.s32 $0xFFFFFF80  }
0x101: {  	_ =	swait.ge [sflag:s28], $0x80  }
0x102: {  	[sflag:s28] =	ssyncset.done $0x0  }
0x103: {  	[sflag:s28] =	ssyncadd.s32 $0xFFFFFF80  }
0x104: {  	_ =	swait.ge [sflag:s28], $0x80  }
0x105: {  	[sflag:s28] =	ssyncset.done $0x0  }
0x106: {  	[sflag:s28] =	ssyncadd.s32 $0xFFFFFF80  }
0x107: {  	_ =	swait.ge [sflag:s28], $0x80  }
0x108: {  	[sflag:s28] =	ssyncset.done $0x0  }
0x109: {  	[sflag:s28] =	ssyncadd.s32 $0xFFFFFF80  }
0x10a: {  	_ =	swait.ge [sflag:s28], $0x80  }
0x10b: {  	[sflag:s28] =	ssyncset.done $0x0  }
0x10c: {  	[sflag:s28] =	ssyncadd.s32 $0xFFFFFF80  }
0x10d: {  	_ =	swait.ge [sflag:s28], $0x80  }
0x10e: {  	[sflag:s28] =	ssyncset.done $0x0  }
0x10f: {  	[sflag:s28] =	ssyncadd.s32 $0xFFFFFF80  }
0x110: {  	_ =	swait.ge [sflag:s28], $0x80  }
0x111: {  	[sflag:s28] =	ssyncset.done $0x0  }
0x112: {  	[sflag:s28] =	ssyncadd.s32 $0xFFFFFF80  }
0x113: {  	_ =	swait.ge [sflag:s28], $0x80  }
0x114: {  	[sflag:s28] =	ssyncset.done $0x0  }
0x115: {  	[sflag:s28] =	ssyncadd.s32 $0xFFFFFF80  }
0x116: {  	_ =	swait.ge [sflag:s28], $0x80  }
0x117: {  	[sflag:s28] =	ssyncset.done $0x0  }
0x118: {  	[sflag:s28] =	ssyncadd.s32 $0xFFFFFF80  }
0x119: {  	_ =	swait.ge [sflag:s28], $0x80  }
0x11a: {  	[sflag:s28] =	ssyncset.done $0x0  }
0x11b: {  	[sflag:s28] =	ssyncadd.s32 $0xFFFFFF80  }
0x11c: {  	_ =	swait.ge [sflag:s28], $0x80  }
0x11d: {  	[sflag:s28] =	ssyncset.done $0x0  }
0x11e: {  	[sflag:s28] =	ssyncadd.s32 $0xFFFFFF80  }
0x11f: {  	_ =	swait.ge [sflag:s28], $0x80  }
0x120: {  	[sflag:s28] =	ssyncset.done $0x0  }
0x121: {  	[sflag:s28] =	ssyncadd.s32 $0xFFFFFF80  }
0x122: {  	_ =	swait.ge [sflag:s28], $0x80  }
0x123: {  	[sflag:s28] =	ssyncset.done $0x0  }
0x124: {  	[sflag:s28] =	ssyncadd.s32 $0xFFFFFF80  }
0x125: {  	_ =	swait.ge [sflag:s28], $0x80  }
0x126: {  	[sflag:s28] =	ssyncset.done $0x0  }
0x127: {  	[sflag:s28] =	ssyncadd.s32 $0xFFFFFF80  }
0x128: {  	_ =	swait.ge [sflag:s28], $0x80  }
0x129: {  	[sflag:s28] =	ssyncset.done $0x0  }
0x12a: {  	[sflag:s28] =	ssyncadd.s32 $0xFFFFFF80  }
0x12b: {  	_ =	swait.ge [sflag:s28], $0x80  }
0x12c: {  	[sflag:s28] =	ssyncset.done $0x0  }
0x12d: {  	[sflag:s28] =	ssyncadd.s32 $0xFFFFFF80  }
0x12e: {  	_ =	swait.ge [sflag:s28], $0x80  }
0x12f: {  	[sflag:s28] =	ssyncset.done $0x0  }
0x130: {  	[sflag:s28] =	ssyncadd.s32 $0xFFFFFF80  }
0x131: {  	_ =	swait.ge [sflag:s28], $0x80  }
0x132: {  	[sflag:s28] =	ssyncset.done $0x0  }
0x133: {  	[sflag:s28] =	ssyncadd.s32 $0xFFFFFF80  }
0x134: {  	_ =	swait.ge [sflag:s28], $0x80  }
0x135: {  	[sflag:s28] =	ssyncset.done $0x0  }
0x136: {  	[sflag:s28] =	ssyncadd.s32 $0xFFFFFF80  }
0x137: {  	_ =	swait.ge [sflag:s28], $0x80  }
0x138: {  	[sflag:s28] =	ssyncset.done $0x0  }
0x139: {  	[sflag:s28] =	ssyncadd.s32 $0xFFFFFF80  }
0x13a: {  	_ =	swait.ge [sflag:s28], $0x80  }
0x13b: {  	[sflag:s28] =	ssyncset.done $0x0  }
0x13c: {  	[sflag:s28] =	ssyncadd.s32 $0xFFFFFF80  }
0x13d: {  	v2 =	vld [tilespmem:$0x2700]  }
0x13e: {  	v3 =	vld [tilespmem:$0x1A00]  }
0x13f: {  	v5 =	vld [tilespmem:$0x1A80]  }
0x140: {  	v7 =	vld [tilespmem:$0x1B00]  }
0x141: {  	v9 =	vld [tilespmem:$0x1B80]  }
0x142: {  	v13 =	vld [tilespmem:$0x1C00]  }
0x143: {  	v45 =	vld [tilespmem:$0x1C80]  }
0x144: {  	v42 =	vld [tilespmem:$0x1D00]  }
0x145: {  	v25 =	vld [tilespmem:$0x1D80]  }
0x146: {  	v28 =	vld [tilespmem:$0x1E00]  }
0x147: {  	v48 =	vld [tilespmem:$0x1E80]  }
0x148: {  	v49 =	vld [tilespmem:$0x1F00]  }
0x149: {  	v50 =	vld [tilespmem:$0x1F80]  }
0x14a: {  	v51 =	vld [tilespmem:$0x2000]  }
0x14b: {  	v52 =	vld [tilespmem:$0x2080]  }
0x14c: {  	v53 =	vld [tilespmem:$0x2100]  }
0x14d: {  	v54 =	vld [tilespmem:$0x2180]  }
0x14e: {  	v55 =	vld [tilespmem:$0x2200]  }
0x14f: {  	v46 =	vld [tilespmem:$0x2280]  }
0x150: {  	v41 =	vld [tilespmem:$0x2300]  }
0x151: {  	v37 =	vld [tilespmem:$0x2380]  }
0x152: {  	v59 =	vld [tilespmem:$0x2400]  }
0x153: {  	v60 =	vld [tilespmem:$0x2480]  }
0x154: {  	v61 =	vld [tilespmem:$0x2500]  }
0x155: {  	v62 =	vld [tilespmem:$0x2580]  }
0x156: {  	v63 =	vld [tilespmem:$0x2600]  }
0x157: {  	v4 =	vld [tilespmem:$0x2680]  }
0x158: {  	v31 =	vld [tilespmem:$0x2710]  }
0x159: {  	v35 =	vld [tilespmem:$0x1A10]  }
0x15a: {  	v40 =	vld [tilespmem:$0x1A90]  }
0x15b: {  	v56 =	vld [tilespmem:$0x1B10]  }
0x15c: {  	v57 =	vld [tilespmem:$0x1B90]  }
0x15d: {  	v58 =	vld [tilespmem:$0x1C10]  }
0x15e: {  	v16 =	vld [tilespmem:$0x1F10]  }
0x15f: {  	v20 =	vld [tilespmem:$0x1F90]  }
0x160: {  	v22 =	vld [tilespmem:$0x2010]  }
0x161: {  	v26 =	vld [tilespmem:$0x2090]  }
0x162: {  	v30 =	vld [tilespmem:$0x2110]  }
0x163: {  	v33 =	vld [tilespmem:$0x2190]  }
0x164: {  	v44 =	vld [tilespmem:$0x2210]  }
0x165: {  	v39 =	vld [tilespmem:$0x2290]  }
0x166: {  	v36 =	vld [tilespmem:$0x2310]  }
0x167: {  	v6 =	vld [tilespmem:$0x2390]  }
0x168: {  	v8 =	vld [tilespmem:$0x2410]  }
0x169: {  	v10 =	vld [tilespmem:$0x2490]  }
0x16a: {  	v11 =	vld [tilespmem:$0x2510]  }
0x16b: {  	v12 =	vld [tilespmem:$0x2590]  }
0x16c: {  	v14 =	vld [tilespmem:$0x2610]  }
0x16d: {  	v15 =	vld [tilespmem:$0x2690]  }
0x16e: {  	v0 =	vld [tilespmem:$0x2720]  }
0x16f: {  	v21 =	vld [tilespmem:$0x1A20]  }
0x170: {  	v1 =	vld [tilespmem:$0x1AA0]  }
0x171: {  	v19 =	vld [tilespmem:$0x1E20]  }
0x172: {  	v23 =	vld [tilespmem:$0x1EA0]  }
0x173: {  	v27 =	vld [tilespmem:$0x1F20]  }
0x174: {  	v32 =	vld [tilespmem:$0x1FA0]  }
0x175: {  	v47 =	vld [tilespmem:$0x2020]  }
0x176: {  	v43 =	vld [tilespmem:$0x20A0]  }
0x177: {  	v38 =	vld [tilespmem:$0x2120]  }
0x178: {  	v17 =	vld [tilespmem:$0x2220]  }
0x179: {  	v18 =	vld [tilespmem:$0x22A0]  }
0x17a: {  	v24 =	vld [tilespmem:$0x2320]  }
0x17b: {  	v29 =	vld [tilespmem:$0x23A0]  }
0x17c: {  	v34 =	vld [tilespmem:$0x2420]  }
0x17d: {  	[tilespmem:$0x1FE80] =	vst v59;
	v59 =	vld [tilespmem:$0x1C90]  }
0x17e: {  	[tilespmem:$0x1FE90] =	vst v60;
	v60 =	vld [tilespmem:$0x1D10]  }
0x17f: {  	[tilespmem:$0x1FEA0] =	vst v61;
	v61 =	vld [tilespmem:$0x1D90]  }
0x180: {  	[tilespmem:$0x1FEB0] =	vst v62;
	v62 =	vld [tilespmem:$0x1E10]  }
0x181: {  	[tilespmem:$0x1FEC0] =	vst v63;
	v63 =	vld [tilespmem:$0x1E90]  }
0x182: {  	[tilespmem:$0x1FED0] =	vst v4;
	v4 =	vld [tilespmem:$0x1B20]  }
0x183: {  	[tilespmem:$0x1FEE0] =	vst v6;
	v6 =	vld [tilespmem:$0x1BA0]  }
0x184: {  	[tilespmem:$0x1FF00] =	vst v10;
	v10 =	vld [tilespmem:$0x1C20]  }
0x185: {  	[tilespmem:$0x1FF10] =	vst v11;
	v11 =	vld [tilespmem:$0x1CA0]  }
0x186: {  	[tilespmem:$0x1FF50] =	vst v14;
	v14 =	vld [tilespmem:$0x1D20]  }
0x187: {  	[tilespmem:$0x1FF70] =	vst v15;
	v15 =	vld [tilespmem:$0x1DA0]  }
0x188: {  	[tilespmem:$0x1FEF0] =	vst v8;
	v8 =	vld [tilespmem:$0x21A0]  }
0x189: {  	[tilespmem:$0x1FF30] =	vst v12;
	v12 =	vld [tilespmem:$0x24A0]  }
0x18a: {  	[tilespmem:$0x1FF40] =	vst v17;
	v17 =	vld [tilespmem:$0x2520]  }
0x18b: {  	[tilespmem:$0x1FF60] =	vst v18;
	v18 =	vld [tilespmem:$0x25A0]  }
0x18c: {  	[tilespmem:$0x1FF80] =	vst v24;
	v24 =	vld [tilespmem:$0x2620]  }
0x18d: {  	[tilespmem:$0x1FF90] =	vst v29;
	v29 =	vld [tilespmem:$0x26A0]  }
0x18e: {  	v2 =	vadd.f32 v3, v2;
	v3 =	vld [tilespmem:$0x2730]  }
0x18f: {  	[tilespmem:$0x1FFA0] =	vst v34;
	v34 =	vld [tilespmem:$0x1F30]  }
0x190: {  	v31 =	vadd.f32 v35, v31;
	v35 =	vld [tilespmem:$0x2130]  }
0x191: {  	v0 =	vadd.f32 v21, v0;
	v21 =	vld [tilespmem:$0x2740]  }
0x192: {  	v2 =	vadd.f32 v5, v2;
	v5 =	vld [tilespmem:$0x1AB0]  }
0x193: {  	v31 =	vadd.f32 v40, v31;
	v40 =	vld [tilespmem:$0x20B0]  }
0x194: {  	v2 =	vadd.f32 v7, v2;
	v7 =	vld [tilespmem:$0x1BB0]  }
0x195: {  	[tilespmem:$0x1FFC0] =	vst v17;
	v17 =	vld [tilespmem:$0x1A30]  }
0x196: {  	[tilespmem:$0x1FF20] =	vst v8;
	v8 =	vld [tilespmem:$0x1B30]  }
0x197: {  	[tilespmem:$0x1FFB0] =	vst v12;
	v12 =	vld [tilespmem:$0x1C30]  }
0x198: {  	[tilespmem:$0x1FFD0] =	vst v18;
	v18 =	vld [tilespmem:$0x1D30]  }
0x199: {  	v0 =	vadd.f32 v1, v0;
	[tilespmem:$0x1FFE0] =	vst v24;
	v24 =	vld [tilespmem:$0x1E30]  }
0x19a: {  	[tilespmem:$0x1FFF0] =	vst v29;
	v29 =	vld [tilespmem:$0x1EB0]  }
0x19b: {  	v0 =	vadd.f32 v4, v0;
	v4 =	vld [tilespmem:$0x1BC0]  }
0x19c: {  	v2 =	vadd.f32 v9, v2;
	v9 =	vld [tilespmem:$0x1CB0]  }
0x19d: {  	v0 =	vadd.f32 v6, v0;
	v6 =	vld [tilespmem:$0x1CC0]  }
0x19e: {  	v2 =	vadd.f32 v13, v2;
	v13 =	vld [tilespmem:$0x1DB0]  }
0x19f: {  	v0 =	vadd.f32 v10, v0;
	v10 =	vld [tilespmem:$0x1DC0]  }
0x1a0: {  	v2 =	vadd.f32 v45, v2;
	v45 =	vld [tilespmem:$0x1FB0]  }
0x1a1: {  	v3 =	vadd.f32 v17, v3;
	v17 =	vld [tilespmem:$0x2040]  }
0x1a2: {  	v0 =	vadd.f32 v11, v0;
	v11 =	vld [tilespmem:$0x1EC0]  }
0x1a3: {  	v2 =	vadd.f32 v42, v2;
	v42 =	vld [tilespmem:$0x2030]  }
0x1a4: {  	v3 =	vadd.f32 v5, v3;
	v5 =	vld [tilespmem:$0x20C0]  }
0x1a5: {  	v0 =	vadd.f32 v14, v0;
	v14 =	vld [tilespmem:$0x1FC0]  }
0x1a6: {  	v2 =	vadd.f32 v25, v2;
	v25 =	vadd.f32 v56, v31;
	v31 =	vld [tilespmem:$0x21B0]  }
0x1a7: {  	v3 =	vadd.f32 v8, v3;
	v8 =	vld [tilespmem:$0x21C0]  }
0x1a8: {  	v0 =	vadd.f32 v15, v0;
	v2 =	vadd.f32 v28, v2;
	v28 =	vld [tilespmem:$0x2230]  }
0x1a9: {  	v56 =	vadd.f32 v57, v25;
	v25 =	vld [tilespmem:$0x22B0]  }
0x1aa: {  	v0 =	vadd.f32 v19, v0;
	v19 =	vld [tilespmem:$0x1FEC0]  }
0x1ab: {  	v2 =	vadd.f32 v48, v2;
	v48 =	vld [tilespmem:$0x2330]  }
0x1ac: {  	v3 =	vadd.f32 v7, v3;
	v57 =	vadd.f32 v58, v56;
	v56 =	vld [tilespmem:$0x23B0]  }
0x1ad: {  	v58 =	vld [tilespmem:$0x24B0]  }
0x1ae: {  	v3 =	vadd.f32 v12, v3;
	v0 =	vadd.f32 v23, v0;
	v23 =	vld [tilespmem:$0x1FEE0]  }
0x1af: {  	v49 =	vadd.f32 v49, v2;
	v2 =	vld [tilespmem:$0x2430]  }
0x1b0: {  	v9 =	vadd.f32 v9, v3;
	v3 =	vld [tilespmem:$0x24C0]  }
0x1b1: {  	v0 =	vadd.f32 v27, v0;
	v27 =	vld [tilespmem:$0x1FEF0]  }
0x1b2: {  	v49 =	vadd.f32 v50, v49;
	v50 =	vadd.f32 v59, v57;
	v57 =	vld [tilespmem:$0x2530]  }
0x1b3: {  	v9 =	vadd.f32 v18, v9;
	v18 =	vld [tilespmem:$0x25C0]  }
0x1b4: {  	v59 =	vadd.f32 v60, v50;
	v50 =	vld [tilespmem:$0x25B0]  }
0x1b5: {  	v0 =	vadd.f32 v32, v0;
	v51 =	vadd.f32 v51, v49;
	v49 =	vld [tilespmem:$0x2630]  }
0x1b6: {  	v60 =	vld [tilespmem:$0x1AC0]  }
0x1b7: {  	v9 =	vadd.f32 v13, v9;
	v0 =	vadd.f32 v47, v0;
	v47 =	vld [tilespmem:$0x1FF30]  }
0x1b8: {  	v52 =	vadd.f32 v52, v51;
	v51 =	vld [tilespmem:$0x26B0]  }
0x1b9: {  	v59 =	vadd.f32 v61, v59;
	v9 =	vadd.f32 v24, v9;
	v24 =	vld [tilespmem:$0x1B50]  }
0x1ba: {  	v0 =	vadd.f32 v43, v0;
	v43 =	vld [tilespmem:$0x1FF20]  }
0x1bb: {  	v52 =	vadd.f32 v53, v52;
	v53 =	vadd.f32 v62, v59;
	v59 =	vld [tilespmem:$0x1A40]  }
0x1bc: {  	v9 =	vadd.f32 v29, v9;
	v29 =	vld [tilespmem:$0x1FFF0]  }
0x1bd: {  	v0 =	vadd.f32 v38, v0;
	v38 =	vld [tilespmem:$0x1FF10]  }
0x1be: {  	v63 =	vadd.f32 v63, v53;
	v53 =	vld [tilespmem:$0x1B40]  }
0x1bf: {  	v62 =	vadd.f32 v54, v52;
	v52 =	vld [tilespmem:$0x1C40]  }
0x1c0: {  	v54 =	vld [tilespmem:$0x1FE80]  }
0x1c1: {  	v1 =	vadd.f32 v55, v62;
	v55 =	vld [tilespmem:$0x1FE90]  }
0x1c2: {  	v62 =	vld [tilespmem:$0x1FEA0]  }
0x1c3: {  	v9 =	vadd.f32 v34, v9;
	v16 =	vadd.f32 v16, v63;
	v63 =	vld [tilespmem:$0x1FEB0]  }
0x1c4: {  	v0 =	vadd.f32 v43, v0;
	v43 =	vld [tilespmem:$0x1F50]  }
0x1c5: {  	v9 =	vadd.f32 v45, v9;
	v45 =	vld [tilespmem:$0x1FFA0]  }
0x1c6: {  	v32 =	vadd.f32 v59, v21;
	v21 =	vld [tilespmem:$0x1A50]  }
0x1c7: {  	v59 =	vld [tilespmem:$0x1FF50]  }
0x1c8: {  	v16 =	vadd.f32 v20, v16;
	v20 =	vld [tilespmem:$0x1D40]  }
0x1c9: {  	v1 =	vadd.f32 v46, v1;
	v46 =	vld [tilespmem:$0x1E40]  }
0x1ca: {  	v9 =	vadd.f32 v42, v9;
	v42 =	vld [tilespmem:$0x1FF90]  }
0x1cb: {  	v1 =	vadd.f32 v41, v1;
	v41 =	vld [tilespmem:$0x22C0]  }
0x1cc: {  	v16 =	vadd.f32 v22, v16;
	v22 =	vld [tilespmem:$0x1FED0]  }
0x1cd: {  	v9 =	vadd.f32 v40, v9;
	v40 =	vld [tilespmem:$0x1C60];
	v1 =	vadd.f32 v37, v1  }
0x1ce: {  	v16 =	vadd.f32 v26, v16;
	v26 =	vld [tilespmem:$0x1F40]  }
0x1cf: {  	v37 =	vld [tilespmem:$0x23C0];
	v1 =	vadd.f32 v54, v1  }
0x1d0: {  	v9 =	vadd.f32 v35, v9;
	v35 =	vld [tilespmem:$0x25D0];
	v16 =	vadd.f32 v30, v16  }
0x1d1: {  	v30 =	vld [tilespmem:$0x2140];
	v1 =	vadd.f32 v55, v1  }
0x1d2: {  	v54 =	vld [tilespmem:$0x1C50];
	v61 =	vadd.f32 v33, v16  }
0x1d3: {  	v9 =	vadd.f32 v31, v9;
	v31 =	vld [tilespmem:$0x21D0];
	v1 =	vadd.f32 v62, v1  }
0x1d4: {  	v33 =	vld [tilespmem:$0x1FF00];
	v15 =	vadd.f32 v44, v61  }
0x1d5: {  	v55 =	vld [tilespmem:$0x1CD0];
	v1 =	vadd.f32 v63, v1  }
0x1d6: {  	v44 =	vld [tilespmem:$0x2240];
	v16 =	vadd.f32 v39, v15  }
0x1d7: {  	v9 =	vadd.f32 v28, v9;
	v61 =	vld [tilespmem:$0x1D50];
	v12 =	vadd.f32 v19, v1  }
0x1d8: {  	v62 =	vld [tilespmem:$0x1FF70];
	v7 =	vadd.f32 v36, v16  }
0x1d9: {  	v9 =	vadd.f32 v25, v9;
	v25 =	vld [tilespmem:$0x23D0];
	v15 =	vadd.f32 v22, v12  }
0x1da: {  	v39 =	vld [tilespmem:$0x2340];
	v36 =	vadd.f32 v60, v32;
	v7 =	vadd.f32 v23, v7  }
0x1db: {  	v63 =	vld [tilespmem:$0x1FF80];
	v15 =	vsub.f32 $0.0e+00, v15  }
0x1dc: {  	v19 =	vld [tilespmem:$0x2750];
	v13 =	vadd.f32 v53, v36;
	v7 =	vadd.f32 v27, v7  }
0x1dd: {  	v23 =	vld [tilespmem:$0x1AD0];
	v15 =	vmul.f32 $1.442695020e+00, v15  }
0x1de: {  	v53 =	vld [tilespmem:$0x1FF40];
	v4 =	vadd.f32 v4, v13;
	v7 =	vadd.f32 v33, v7  }
0x1df: {  	v9 =	vadd.f32 v48, v9;
	v48 =	vld [tilespmem:$0x1AF0];
	(erf) = vpow2.f32 v15  }
0x1e0: {  	v60 =	vld [tilespmem:$0x1FF60];
	v4 =	vadd.f32 v52, v4;
	v7 =	vadd.f32 v38, v7  }
0x1e1: {  	v1 =	vld [tilespmem:$0x2440];
	v9 =	vadd.f32 v56, v9;
	v19 =	vadd.f32 v21, v19  }
0x1e2: {  	v13 =	vld [tilespmem:$0x1BD0];
	v4 =	vadd.f32 v6, v4;
	v7 =	vadd.f32 v47, v7  }
0x1e3: {  	v16 =	vld [tilespmem:$0x2640];
	v0 =	vadd.f32 v53, v0;
	v19 =	vadd.f32 v23, v19  }
0x1e4: {  	v32 =	vld [tilespmem:$0x1B60];
	v4 =	vadd.f32 v20, v4;
	v7 =	vadd.f32 v59, v7  }
0x1e5: {  	v56 =	vld [tilespmem:$0x1C70];
	v0 =	vadd.f32 v60, v0;
	v19 =	vadd.f32 v24, v19  }
0x1e6: {  	v22 =	vld [tilespmem:$0x2540];
	v4 =	vadd.f32 v10, v4;
	v7 =	vadd.f32 v62, v7  }
0x1e7: {  	v12 =	vld [tilespmem:$0x26C0];
	v0 =	vadd.f32 v63, v0;
	v47 =	vadd.f32 v13, v19  }
0x1e8: {  	v52 =	vld [tilespmem:$0x1FFB0];
	v4 =	vadd.f32 v46, v4;
	v7 =	vsub.f32 $0.0e+00, v7;
	v46 =	vpop (erf)  }
0x1e9: {  	v36 =	vld [tilespmem:$0x1E50];
	v0 =	vadd.f32 v42, v0;
	v34 =	vadd.f32 $1.000000000e+00, v46  }
0x1ea: {  	v53 =	vadd.f32 v54, v47;
	v54 =	vld [tilespmem:$0x1FFC0];
	v7 =	vmul.f32 $1.442695020e+00, v7  }
0x1eb: {  	v2 =	vadd.f32 v2, v9;
	v9 =	vld [tilespmem:$0x2550];
	v0 =	vadd.f32 v45, v0;
	(erf) = vrcp.f32 v34  }
0x1ec: {  	(erf) = vpow2.f32 v7;
	v7 =	vadd.f32 v55, v53;
	v55 =	vld [tilespmem:$0x1FFD0]  }
0x1ed: {  	v27 =	vld [tilespmem:$0x2260];
	v4 =	vadd.f32 v11, v4;
	v0 =	vadd.f32 v52, v0  }
0x1ee: {  	v7 =	vadd.f32 v61, v7;
	v61 =	vld [tilespmem:$0x1FFE0]  }
0x1ef: {  	v21 =	vld [tilespmem:$0x1E70];
	v4 =	vadd.f32 v26, v4;
	v0 =	vadd.f32 v54, v0  }
0x1f0: {  	v6 =	vld [tilespmem:$0x1DD0]  }
0x1f1: {  	v60 =	vld [tilespmem:$0x1A60];
	v4 =	vadd.f32 v14, v4;
	v0 =	vadd.f32 v55, v0  }
0x1f2: {  	v2 =	vadd.f32 v58, v2;
	v59 =	vld [tilespmem:$0x2760]  }
0x1f3: {  	v33 =	vld [tilespmem:$0x20D0];
	v4 =	vadd.f32 v17, v4;
	v0 =	vadd.f32 v61, v0  }
0x1f4: {  	v23 =	vld [tilespmem:$0x2050]  }
0x1f5: {  	v2 =	vadd.f32 v57, v2;
	v63 =	vld [tilespmem:$0x1AE0];
	v4 =	vadd.f32 v5, v4  }
0x1f6: {  	v38 =	vld [tilespmem:$0x1ED0];
	v62 =	vadd.f32 v6, v7;
	v7 =	vadd.f32 v29, v0  }
0x1f7: {  	v2 =	vadd.f32 v50, v2;
	v50 =	vld [tilespmem:$0x1B70];
	v15 =	vadd.f32 v60, v59;
	v0 =	vpop (erf)  }
0x1f8: {  	v24 =	vld [tilespmem:$0x2150];
	v4 =	vadd.f32 v30, v4;
	v7 =	vsub.f32 $0.0e+00, v7;
	v34 =	vpop (erf)  }
0x1f9: {  	v5 =	vadd.f32 v36, v62;
	v36 =	vld [tilespmem:$0x1BE0];
	v28 =	vadd.f32 $1.000000000e+00, v34  }
0x1fa: {  	v10 =	vld [tilespmem:$0x1FD0];
	v6 =	vadd.f32 v63, v15;
	v4 =	vadd.f32 v8, v4;
	v7 =	vmul.f32 $1.442695020e+00, v7  }
0x1fb: {  	v2 =	vadd.f32 v49, v2;
	v49 =	vld [tilespmem:$0x1E60];
	v5 =	vadd.f32 v38, v5;
	(erf) = vrcp.f32 v28  }
0x1fc: {  	v45 =	vld [tilespmem:$0x2770];
	v6 =	vadd.f32 v32, v6;
	v4 =	vadd.f32 v44, v4;
	(erf) = vpow2.f32 v7  }
0x1fd: {  	v5 =	vadd.f32 v43, v5;
	v43 =	vld [tilespmem:$0x1CE0]  }
0x1fe: {  	v46 =	vld [tilespmem:$0x1A70];
	v4 =	vadd.f32 v41, v4;
	v6 =	vadd.f32 v36, v6  }
0x1ff: {  	v2 =	vadd.f32 v51, v2;
	v44 =	vld [tilespmem:$0x1D60];
	v5 =	vadd.f32 v10, v5  }
0x200: {  	v20 =	vld [tilespmem:$0x2160];
	v4 =	vadd.f32 v39, v4;
	v6 =	vadd.f32 v40, v6  }
0x201: {  	v47 =	vld [tilespmem:$0x1DE0];
	v2 =	vsub.f32 $0.0e+00, v2;
	v5 =	vadd.f32 v23, v5  }
0x202: {  	v13 =	vld [tilespmem:$0x2250];
	v4 =	vadd.f32 v37, v4;
	v6 =	vadd.f32 v43, v6  }
0x203: {  	v19 =	vld [tilespmem:$0x22D0];
	v10 =	vadd.f32 v46, v45;
	v5 =	vadd.f32 v33, v5  }
0x204: {  	v52 =	vld [tilespmem:$0x1EE0];
	v4 =	vadd.f32 v1, v4;
	v6 =	vadd.f32 v44, v6;
	v1 =	vpop (erf)  }
0x205: {  	v53 =	vld [tilespmem:$0x1BF0];
	v10 =	vadd.f32 v48, v10;
	v5 =	vadd.f32 v24, v5;
	v51 =	vpop (erf)  }
0x206: {  	v11 =	vld [tilespmem:$0x2350];
	v6 =	vadd.f32 v47, v6;
	v24 =	vadd.f32 $1.000000000e+00, v51  }
0x207: {  	v2 =	vmul.f32 $1.442695020e+00, v2;
	v54 =	vld [tilespmem:$0x1F60];
	v3 =	vadd.f32 v3, v4;
	v5 =	vadd.f32 v31, v5  }
0x208: {  	v59 =	vld [tilespmem:$0x1FE0];
	v58 =	vadd.f32 v50, v10;
	v55 =	vadd.f32 v49, v6;
	(erf) = vrcp.f32 v24  }
0x209: {  	v60 =	vld [tilespmem:$0x1CF0];
	v3 =	vadd.f32 v22, v3;
	v57 =	vadd.f32 v13, v5;
	(erf) = vpow2.f32 v2  }
0x20a: {  	v62 =	vld [tilespmem:$0x1D70];
	v5 =	vadd.f32 v53, v58;
	v4 =	vadd.f32 v52, v55  }
0x20b: {  	v61 =	vld [tilespmem:$0x2060];
	v3 =	vadd.f32 v18, v3  }
0x20c: {  	v63 =	vld [tilespmem:$0x20E0];
	v5 =	vadd.f32 v56, v5;
	v4 =	vadd.f32 v54, v4  }
0x20d: {  	v3 =	vadd.f32 v16, v3;
	v2 =	vadd.f32 v19, v57;
	v19 =	vld [tilespmem:$0x1DF0]  }
0x20e: {  	v14 =	vld [tilespmem:$0x2450];
	v5 =	vadd.f32 v60, v5;
	v4 =	vadd.f32 v59, v4  }
0x20f: {  	v42 =	vld [tilespmem:$0x26D0];
	v3 =	vadd.f32 v12, v3;
	v2 =	vadd.f32 v11, v2  }
0x210: {  	v26 =	vld [tilespmem:$0x24D0];
	v5 =	vadd.f32 v62, v5;
	v4 =	vadd.f32 v61, v4  }
0x211: {  	v23 =	vld [tilespmem:$0x21E0];
	v3 =	vsub.f32 $0.0e+00, v3;
	v2 =	vadd.f32 v25, v2;
	v22 =	vpop (erf)  }
0x212: {  	v4 =	vadd.f32 v63, v4;
	v25 =	vld [tilespmem:$0x1EF0];
	v5 =	vadd.f32 v19, v5;
	v24 =	vpop (erf)  }
0x213: {  	v38 =	vld [tilespmem:$0x2650];
	v2 =	vadd.f32 v14, v2;
	v14 =	vadd.f32 $1.000000000e+00, v24  }
0x214: {  	v28 =	vld [tilespmem:$0x1F70];
	v3 =	vmul.f32 $1.442695020e+00, v3;
	v4 =	vadd.f32 v20, v4  }
0x215: {  	v29 =	vld [tilespmem:$0x22E0];
	v5 =	vadd.f32 v21, v5;
	v2 =	vadd.f32 v26, v2;
	(erf) = vrcp.f32 v14  }
0x216: {  	v31 =	vld [tilespmem:$0x1FF0];
	v30 =	vadd.f32 v23, v4;
	(erf) = vpow2.f32 v3  }
0x217: {  	v32 =	vld [tilespmem:$0x2360];
	v5 =	vadd.f32 v25, v5;
	v2 =	vadd.f32 v9, v2  }
0x218: {  	v33 =	vld [tilespmem:$0x2070];
	v3 =	vadd.f32 v27, v30  }
0x219: {  	v34 =	vld [tilespmem:$0x23E0];
	v5 =	vadd.f32 v28, v5;
	v2 =	vadd.f32 v35, v2  }
0x21a: {  	v35 =	vld [tilespmem:$0x20F0];
	v3 =	vadd.f32 v29, v3  }
0x21b: {  	v36 =	vld [tilespmem:$0x2460];
	v4 =	vadd.f32 v31, v5;
	v2 =	vadd.f32 v38, v2  }
0x21c: {  	v37 =	vld [tilespmem:$0x2170];
	v3 =	vadd.f32 v32, v3  }
0x21d: {  	v38 =	vld [tilespmem:$0x24E0];
	v4 =	vadd.f32 v33, v4;
	v2 =	vadd.f32 v42, v2  }
0x21e: {  	v40 =	vld [tilespmem:$0x21F0];
	v3 =	vadd.f32 v34, v3;
	v39 =	vpop (erf)  }
0x21f: {  	v42 =	vld [tilespmem:$0x2560];
	v4 =	vadd.f32 v35, v4;
	v2 =	vsub.f32 $0.0e+00, v2;
	v41 =	vpop (erf)  }
0x220: {  	v43 =	vld [tilespmem:$0x2270];
	v3 =	vadd.f32 v36, v3;
	v9 =	vadd.f32 $1.000000000e+00, v41  }
0x221: {  	v44 =	vld [tilespmem:$0x25E0];
	v4 =	vadd.f32 v37, v4;
	v2 =	vmul.f32 $1.442695020e+00, v2  }
0x222: {  	v45 =	vld [tilespmem:$0x22F0];
	v3 =	vadd.f32 v38, v3;
	(erf) = vrcp.f32 v9  }
0x223: {  	v47 =	vld [tilespmem:$0x2660];
	v46 =	vadd.f32 v40, v4;
	(erf) = vpow2.f32 v2  }
0x224: {  	v48 =	vld [tilespmem:$0x2370];
	v3 =	vadd.f32 v42, v3  }
0x225: {  	v49 =	vld [tilespmem:$0x26E0];
	v2 =	vadd.f32 v43, v46  }
0x226: {  	v50 =	vld [tilespmem:$0x23F0];
	v3 =	vadd.f32 v44, v3  }
0x227: {  	v2 =	vadd.f32 v45, v2  }
0x228: {  	v51 =	vld [tilespmem:$0x2470];
	v3 =	vadd.f32 v47, v3  }
0x229: {  	v2 =	vadd.f32 v48, v2  }
0x22a: {  	v52 =	vld [tilespmem:$0x24F0];
	v3 =	vadd.f32 v49, v3  }
0x22b: {  	v2 =	vadd.f32 v50, v2;
	v53 =	vpop (erf)  }
0x22c: {  	v55 =	vld [tilespmem:$0x2570];
	v3 =	vsub.f32 $0.0e+00, v3;
	v54 =	vpop (erf)  }
0x22d: {  	v2 =	vadd.f32 v51, v2;
	v5 =	vadd.f32 $1.000000000e+00, v54  }
0x22e: {  	v56 =	vld [tilespmem:$0x25F0];
	v3 =	vmul.f32 $1.442695020e+00, v3  }
0x22f: {  	v2 =	vadd.f32 v52, v2;
	(erf) = vrcp.f32 v5  }
0x230: {  	v57 =	vld [tilespmem:$0x2670];
	(erf) = vpow2.f32 v3  }
0x231: {  	v2 =	vadd.f32 v55, v2  }
0x232: {  	v58 =	vld [tilespmem:$0x26F0]  }
0x233: {  	v2 =	vadd.f32 v56, v2;
	_ =	sdelay $0x1  }
0x234: {  	v2 =	vadd.f32 v57, v2;
	_ =	sdelay $0x1  }
0x235: {  	v2 =	vadd.f32 v58, v2  }
0x236: {  	v59 =	vpop (erf)  }
0x237: {  	v2 =	vsub.f32 $0.0e+00, v2;
	v60 =	vpop (erf)  }
0x238: {  	v4 =	vadd.f32 $1.000000000e+00, v60  }
0x239: {  	v2 =	vmul.f32 $1.442695020e+00, v2  }
0x23a: {  	(erf) = vrcp.f32 v4  }
0x23b: {  	(erf) = vpow2.f32 v2;
	_ =	sdelay $0x7  }
0x23c: {  	v61 =	vpop (erf)  }
0x23d: {  	v62 =	vpop (erf)  }
0x23e: {  	v4 =	vadd.f32 $1.000000000e+00, v62;
	_ =	sdelay $0x1  }
0x23f: {  	(erf) = vrcp.f32 v4;
	_ =	sdelay $0x2  }
0x240: {  	[tilespmem:$0x2780] =	vst v0  }
0x241: {  	[tilespmem:$0x2790] =	vst v1  }
0x242: {  	[tilespmem:$0x27A0] =	vst v22  }
0x243: {  	[tilespmem:$0x27B0] =	vst v39  }
0x244: {  	[tilespmem:$0x27C0] =	vst v53  }
0x245: {  	[tilespmem:$0x27D0] =	vst v59  }
0x246: {  	[tilespmem:$0x27E0] =	vst v61;
	v63 =	vpop (erf)  }
0x247: {  	s7 =	simm.s32 $0x2780;
	s8 =	simm.s32 $0x3;
	s6 =	rddreg [dreg:$0x15];
	[tilespmem:$0x27F0] =	vst v63  }
0x248: {  	[hbm4b:s6+s2] =	stream.linear.scatter [tilespmem:s7], [sflag:$0x3], $0x80, $0x38;
	[tilespmem:$0x2800] =	vst v63  }
0x249: {  	_ =	swait.ge [sflag:s8], $0x80  }
0x24a: {  	s9 =	sld [smem:$0x7FC]  }
0x24b: {  	s29 =	sld [smem:$0x7FD];
	_ =	sdelay $0x1  }
0x24c: {  	s0 =	sadd.s32 $0x1, s9  }
0x24d: {  	p0 =	sne.s32 s0, s29  }
.Ltmp1:
0x24e: {  	_ = 	snop;
	(pc) =	sbr.rel @p0 .LBB2_1-.Ltmp1, $3  }
0x24f: {  	_ =	sdelay $0x1  }
0x250: {  	s30 =	simm.s32 $0x3;
	[sflag:s8] =	ssyncset.done $0x0  }
0x251: {  	[sflag:s30] =	ssyncadd.s32 $0xFFFFFF80  }
0x252: {  	_ =	sfence.sel $0x180000  }
0x253: {  	[bflag:$0x0] =	sbarrier.arrive $0xFFFF  }
0x254: {  	_ =	strace $0x90000047  }
0x255: {  	s0 =	stileid.u32;
	[bflag:$0x2] =	sbarrier.arrive $0xFFFF  }
0x256: {  	p0 =	sne.s32 s0, $0x0;
	s0 =	rddreg [dreg:$0x2]  }
0x257: {  	s0 =	sadd.s32 @!p0 $0x100000, s0  }
0x258: {  	[sflag:s0] =	ssyncadd.tile.s32 @!p0 $0x1;
	_ =	shalt  }
.Lfunc_end2:
_tile_overlayer_lowered:
.L_overlay_start_2:
0x259: {  	(tag) =	ssettag $0x2  }
0x25a: {  	s0 =	rddreg [dreg:$0x0];
	s2 =	stileid.u32  }
0x25b: {  	s1 =	rddreg [dreg:$0x1];
	p0 =	sne.s32 s2, $0x0  }
0x25c: {  	s3 =	rddreg [dreg:$0x2];
	[bflag:$0x3] =	sbarrier.arrive $0xFFFF;
	s2 =	simm.s32 @!p0 $0x1C03  }
0x25d: {  	[timem:s3], [sflag:s2] =	dma.local @!p0 [hbm:s0], s1  }
0x25e: {  	s0 =	simm.s32 @!p0 $0x3  }
0x25f: {  	_ =	swait.ge @!p0 [sflag:s0], s1  }
0x260: {  	s1 =	ssub.s32 @!p0 $0x0, s1;
	[sflag:s0] =	ssyncset.done @!p0 $0x0  }
0x261: {  	[sflag:s0] =	ssyncadd.s32 @!p0 s1  }
0x262: {  	[bflag:$0x3] =	sbarrier.arrive $0xFFFF  }
0x263: {  	_ =	shalt  }

</sc_bundles>
